<compile_context>
chip_gen: v7x
topology: tpu7x:2x2x1
jax: 0.10.2.dev20260603
libtpu: 0.0.44.dev20260713+nightly
codegen_flags: <defaults>
</compile_context>

<pallas_src>
import functools

import jax
import jax.numpy as jnp
from jax import lax
from jax.experimental import pallas as pl
from jax.experimental.pallas import tpu as pltpu
from jax.experimental.pallas import tpu_sc as plsc

N = 10000
D = 128
DH = D // 2
H = 256
C = 40
E = 320000

NP = 10240
CP = 48
NC = 2
NS = 16
K = 128
RPT = NP // NS

CH1 = 158
CH2 = 79
EP = NS * CH1 * K

_NB = 4

_MESH = plsc.VectorSubcoreMesh(core_axis_name="c", subcore_axis_name="s")


def _zero_fill(ref, i, width):
  for t in range(width // 16):
    ref[i, pl.ds(t * 16, 16)] = jnp.zeros((16,), jnp.float32)


def _edge_pipeline(tbl, src_v, dst_v, rows, gsems, acc_sh, num_chunks,
                   ones_v=None, cnt_sh=None, ones_parity=0):
  pltpu.async_copy(tbl.at[src_v.at[0]], rows[0], gsems[0])
  pltpu.async_copy(tbl.at[src_v.at[1]], rows[1], gsems[1])

  def group(g, carry):
    j0 = g * _NB
    for b in range(_NB):
      jj = j0 + b
      bn = (b + 2) % _NB

      @pl.when(jj < num_chunks)
      def _(jj=jj, b=b, bn=bn):
        pltpu.make_async_copy(tbl.at[src_v.at[jj]], rows[b], gsems[b]).wait()
        pltpu.sync_copy(rows[b], acc_sh.at[dst_v.at[jj]], add=True)
        if ones_v is not None:
          @pl.when(jj % 2 == ones_parity)
          def _():
            pltpu.sync_copy(ones_v, cnt_sh.at[dst_v.at[jj]], add=True)

        @pl.when(jj + 2 < num_chunks)
        def _():
          pltpu.async_copy(tbl.at[src_v.at[jj + 2]], rows[bn], gsems[bn])

    return carry

  lax.fori_loop(0, (num_chunks + _NB - 1) // _NB, group, 0)


_L1_OUT = [
    jax.ShapeDtypeStruct((NP, D), jnp.float32),
    jax.ShapeDtypeStruct((NC, NP, 16), jnp.float32),
]
_L1_SCRATCH = (
    [pltpu.VMEM((CH1, K), jnp.int32),
     pltpu.VMEM((CH1, K), jnp.int32),
     pltpu.SemaphoreType.DMA]
    + [pltpu.VMEM((K, DH), jnp.float32)] * _NB
    + [pltpu.VMEM((K, 16), jnp.float32),
       pltpu.VMEM((K, 16), jnp.float32)]
    + [pltpu.VMEM_SHARED((NP, DH), jnp.float32),
       pltpu.VMEM_SHARED((NP, 16), jnp.float32)]
    + [pltpu.SemaphoreType.DMA] * _NB
)


@functools.partial(pl.kernel, out_type=_L1_OUT, mesh=_MESH,
                   scratch_types=_L1_SCRATCH,
                   compiler_params=pltpu.CompilerParams(
                       use_tc_tiling_on_sc=False))
def _sc_layer1(x_lo, x_hi, src_hbm, dst_hbm, acc_out, cnt_out,
               src_v, dst_v, isem, r0, r1, r2, r3, ones_v, zcnt_v, acc_sh,
               cnt_sh, g0, g1, g2, g3):
  cid = lax.axis_index("c")
  sid = lax.axis_index("s")
  rows = (r0, r1, r2, r3)
  gsems = (g0, g1, g2, g3)
  src_slab = src_hbm.at[pl.ds(sid * CH1, CH1)]
  dst_slab = dst_hbm.at[pl.ds(sid * CH1, CH1)]
  pltpu.async_copy(src_slab, src_v, isem)
  pltpu.async_copy(dst_slab, dst_v, isem)

  def init_row(i, carry):
    _zero_fill(r0, i, DH)
    ones_v[i, :] = jnp.ones((16,), jnp.float32)
    zcnt_v[i, :] = jnp.zeros((16,), jnp.float32)
    return carry

  lax.fori_loop(0, K, init_row, 0)
  base = sid * RPT
  for t in range(RPT // K):
    pltpu.sync_copy(r0, acc_sh.at[pl.ds(base + t * K, K)])
    pltpu.sync_copy(zcnt_v, cnt_sh.at[pl.ds(base + t * K, K)])
  plsc.subcore_barrier()

  pltpu.make_async_copy(src_slab, src_v, isem).wait()
  pltpu.make_async_copy(dst_slab, dst_v, isem).wait()

  @pl.when(cid == 0)
  def _():
    _edge_pipeline(x_lo, src_v, dst_v, rows, gsems, acc_sh, CH1,
                   ones_v, cnt_sh, ones_parity=0)

  @pl.when(cid == 1)
  def _():
    _edge_pipeline(x_hi, src_v, dst_v, rows, gsems, acc_sh, CH1,
                   ones_v, cnt_sh, ones_parity=1)

  plsc.subcore_barrier()

  @pl.when(cid == 0)
  def _():
    pltpu.sync_copy(acc_sh.at[pl.ds(base, RPT)],
                    acc_out.at[pl.ds(base, RPT), pl.ds(0, DH)])

  @pl.when(cid == 1)
  def _():
    pltpu.sync_copy(acc_sh.at[pl.ds(base, RPT)],
                    acc_out.at[pl.ds(base, RPT), pl.ds(DH, DH)])

  pltpu.sync_copy(cnt_sh.at[pl.ds(base, RPT)],
                  cnt_out.at[cid, pl.ds(base, RPT)])


_L2_OUT = [jax.ShapeDtypeStruct((NP, D), jnp.float32)]
_L2_SCRATCH = (
    [pltpu.VMEM((CH2, K), jnp.int32),
     pltpu.VMEM((CH2, K), jnp.int32),
     pltpu.SemaphoreType.DMA]
    + [pltpu.VMEM((K, CP), jnp.float32)] * _NB
    + [pltpu.VMEM_SHARED((NP, CP), jnp.float32)]
    + [pltpu.SemaphoreType.DMA] * _NB
)


@functools.partial(pl.kernel, out_type=_L2_OUT, mesh=_MESH,
                   scratch_types=_L2_SCRATCH,
                   compiler_params=pltpu.CompilerParams(
                       use_tc_tiling_on_sc=False))
def _sc_layer2(p_hbm, src_hbm, dst_hbm, acc_out,
               src_v, dst_v, isem, r0, r1, r2, r3, acc_sh, g0, g1, g2, g3):
  cid = lax.axis_index("c")
  sid = lax.axis_index("s")
  wid = sid * NC + cid
  src_slab = src_hbm.at[pl.ds(wid * CH2, CH2)]
  dst_slab = dst_hbm.at[pl.ds(wid * CH2, CH2)]
  pltpu.async_copy(src_slab, src_v, isem)
  pltpu.async_copy(dst_slab, dst_v, isem)

  def init_row(i, carry):
    _zero_fill(r0, i, CP)
    return carry

  lax.fori_loop(0, K, init_row, 0)
  base = sid * RPT
  for t in range(RPT // K):
    pltpu.sync_copy(r0, acc_sh.at[pl.ds(base + t * K, K)])
  if RPT % K:
    pltpu.sync_copy(r0.at[pl.ds(0, RPT % K)],
                    acc_sh.at[pl.ds(base + RPT - RPT % K, RPT % K)])
  plsc.subcore_barrier()

  pltpu.make_async_copy(src_slab, src_v, isem).wait()
  pltpu.make_async_copy(dst_slab, dst_v, isem).wait()

  _edge_pipeline(p_hbm, src_v, dst_v, (r0, r1, r2, r3),
                 (g0, g1, g2, g3), acc_sh, CH2)
  plsc.subcore_barrier()

  @pl.when(cid == 0)
  def _():
    pltpu.sync_copy(acc_sh.at[pl.ds(base, RPT)],
                    acc_out.at[pl.ds(base, RPT), pl.ds(0, CP)])

  @pl.when(cid == 1)
  def _():
    pltpu.sync_copy(acc_sh.at[pl.ds(base, RPT)],
                    acc_out.at[pl.ds(base, RPT), pl.ds(DH, CP)])


RT1 = 1024


def _tc_layer1(acc, cntp, x_lo, x_hi, wl1t, wr1t, b1, wl2tp, wr2t):
  def body(acc_ref, cnt_ref, xlo_ref, xhi_ref, wl1_ref, wr1_ref, b1_ref,
           wl2_ref, wr2_ref, p_ref, r_ref, cnt_out_ref):
    x = jnp.concatenate([xlo_ref[...], xhi_ref[...]], axis=1)
    cnt_col = cnt_ref[0, :, 0:1] + cnt_ref[1, :, 0:1]
    cnt_out_ref[...] = cnt_col
    mean = acc_ref[...] / jnp.maximum(cnt_col, 1.0)
    h = mean @ wl1_ref[...] + x @ wr1_ref[...] + b1_ref[...]
    h = jnp.maximum(h, 0.0)
    p_ref[...] = h @ wl2_ref[...]
    r_ref[...] = h @ wr2_ref[...]

  return pl.pallas_call(
      body,
      grid=(NP // RT1,),
      in_specs=[
          pl.BlockSpec((RT1, D), lambda i: (i, 0)),
          pl.BlockSpec((NC, RT1, 16), lambda i: (0, i, 0)),
          pl.BlockSpec((RT1, DH), lambda i: (i, 0)),
          pl.BlockSpec((RT1, DH), lambda i: (i, 0)),
          pl.BlockSpec((D, H), lambda i: (0, 0)),
          pl.BlockSpec((D, H), lambda i: (0, 0)),
          pl.BlockSpec((1, H), lambda i: (0, 0)),
          pl.BlockSpec((H, CP), lambda i: (0, 0)),
          pl.BlockSpec((H, C), lambda i: (0, 0)),
      ],
      out_specs=[
          pl.BlockSpec((RT1, CP), lambda i: (i, 0)),
          pl.BlockSpec((RT1, C), lambda i: (i, 0)),
          pl.BlockSpec((RT1, 1), lambda i: (i, 0)),
      ],
      out_shape=[
          jax.ShapeDtypeStruct((NP, CP), jnp.float32),
          jax.ShapeDtypeStruct((NP, C), jnp.float32),
          jax.ShapeDtypeStruct((NP, 1), jnp.float32),
      ],
  )(acc, cntp, x_lo, x_hi, wl1t, wr1t, b1, wl2tp, wr2t)


RT2 = 2000


def _tc_layer2(acc2, cnt, r_self, b2):
  def body(acc_ref, cnt_ref, r_ref, b2_ref, out_ref):
    agg = acc_ref[:, :C] + acc_ref[:, DH:DH + C]
    cnt_col = cnt_ref[...]
    logits = agg / jnp.maximum(cnt_col, 1.0) + r_ref[...] + b2_ref[...]
    m = jnp.max(logits, axis=1, keepdims=True)
    lse = jnp.log(jnp.sum(jnp.exp(logits - m), axis=1, keepdims=True)) + m
    out_ref[...] = logits - lse

  return pl.pallas_call(
      body,
      grid=(N // RT2,),
      in_specs=[
          pl.BlockSpec((RT2, D), lambda i: (i, 0)),
          pl.BlockSpec((RT2, 1), lambda i: (i, 0)),
          pl.BlockSpec((RT2, C), lambda i: (i, 0)),
          pl.BlockSpec((1, C), lambda i: (0, 0)),
      ],
      out_specs=pl.BlockSpec((RT2, C), lambda i: (i, 0)),
      out_shape=jax.ShapeDtypeStruct((N, C), jnp.float32),
  )(acc2, cnt, r_self, b2)


def kernel(x, edge_index, Wl1, Wr1, b1, Wl2, Wr2, b2):
  src = edge_index[0].astype(jnp.int32)
  dst = edge_index[1].astype(jnp.int32)
  pad = N + jnp.arange(EP - E, dtype=jnp.int32) % (NP - N)
  src_p = jnp.concatenate([src, pad]).reshape(EP // K, K)
  dst_p = jnp.concatenate([dst, pad]).reshape(EP // K, K)
  x_lo = jnp.pad(x[:, :DH], ((0, NP - N), (0, 0)))
  x_hi = jnp.pad(x[:, DH:], ((0, NP - N), (0, 0)))

  wl1t = Wl1.T
  wr1t = Wr1.T
  b1r = b1.reshape(1, H)
  wl2tp = jnp.pad(Wl2.T, ((0, 0), (0, CP - C)))
  wr2t = Wr2.T
  b2r = b2.reshape(1, C)

  acc1, cntp = _sc_layer1(x_lo, x_hi, src_p, dst_p)
  p_pad, r_self, cnt_sum = _tc_layer1(acc1, cntp, x_lo, x_hi, wl1t, wr1t,
                                      b1r, wl2tp, wr2t)
  (acc2,) = _sc_layer2(p_pad, src_p, dst_p)
  return _tc_layer2(acc2, cnt_sum, r_self, b2r)

# --- scband reference (transcript-rebuilt; emitter-appended) ---
"""Pipeline reference for scband-graphsage-22754736734507 (READ-ONLY COPY).

The authoritative reference and input builder live on the scoring server;
editing this copy changes nothing except your own understanding.
"""

import jax, jax.numpy as jnp
import numpy as np

N_NODES = 10000
D_FEAT = 128
HIDDEN = 256
N_CLASSES = 40
N_EDGES = 320000


def setup_inputs(seed: int = 0) -> dict:
    key = jax.random.key(seed)
    k1, k2, k3, k4, k5, k6 = jax.random.split(key, 6)
    x = jax.random.normal(k1, (N_NODES, D_FEAT), dtype=jnp.float32)
    edge_index = jax.random.randint(k2, (2, N_EDGES), 0, N_NODES, dtype=jnp.int64)
    s1 = 1.0 / np.sqrt(D_FEAT)
    s2 = 1.0 / np.sqrt(HIDDEN)
    Wl1 = jax.random.uniform(k3, (HIDDEN, D_FEAT), jnp.float32, -s1, s1)
    Wr1 = jax.random.uniform(k4, (HIDDEN, D_FEAT), jnp.float32, -s1, s1)
    b1 = jnp.zeros((HIDDEN,), jnp.float32)
    Wl2 = jax.random.uniform(k5, (N_CLASSES, HIDDEN), jnp.float32, -s2, s2)
    Wr2 = jax.random.uniform(k6, (N_CLASSES, HIDDEN), jnp.float32, -s2, s2)
    b2 = jnp.zeros((N_CLASSES,), jnp.float32)
    return {"x": x, "edge_index": edge_index, "Wl1": Wl1, "Wr1": Wr1, "b1": b1, "Wl2": Wl2, "Wr2": Wr2, "b2": b2}


def _sage_conv(x, edge_index, Wl, Wr, b):
    # PyG SAGEConv with mean aggregation:
    # out = lin_l(mean_{j in N(i)} x_j) + lin_r(x_i)
    src = edge_index[0]
    dst = edge_index[1]
    n = x.shape[0]
    msgs = jnp.take(x, src, axis=0)                       # gather (SparseCore)
    agg = jax.ops.segment_sum(msgs, dst, num_segments=n)  # scatter-add
    cnt = jax.ops.segment_sum(jnp.ones((src.shape[0],), x.dtype), dst, num_segments=n)
    mean = agg / jnp.clip(cnt, 1.0, None)[:, None]
    return mean @ Wl.T + b + x @ Wr.T


def reference(x, edge_index, Wl1, Wr1, b1, Wl2, Wr2, b2):
    h = _sage_conv(x, edge_index, Wl1, Wr1, b1)
    h = jax.nn.relu(h)
    h = _sage_conv(h, edge_index, Wl2, Wr2, b2)
    return jax.nn.log_softmax(h, axis=1)

if __name__ == "__main__":
    import jax
    _d = setup_inputs()
    print(jax.jit(kernel)(*tuple(_d.values())))

</pallas_src>

<mosaic_0001>
#map = affine_map<(d0, d1) -> (0, 0)>
module attributes {stable_mosaic.version = 14 : i64} {
  func.func @_sc_layer2(%arg0: i32, %arg1: i32, %arg2: memref<10240x48xf32, #tpu.memory_space<hbm>>, %arg3: memref<2528x128xi32, #tpu.memory_space<hbm>>, %arg4: memref<2528x128xi32, #tpu.memory_space<hbm>>, %arg5: memref<10240x128xf32, #tpu.memory_space<hbm>>, %arg6: memref<79x128xi32, #tpu.memory_space<vmem>>, %arg7: memref<79x128xi32, #tpu.memory_space<vmem>>, %arg8: memref<!tpu.dma_semaphore, #tpu.memory_space<semaphore_mem>>, %arg9: memref<128x48xf32, #tpu.memory_space<vmem>>, %arg10: memref<128x48xf32, #tpu.memory_space<vmem>>, %arg11: memref<128x48xf32, #tpu.memory_space<vmem>>, %arg12: memref<128x48xf32, #tpu.memory_space<vmem>>, %arg13: memref<10240x48xf32, #tpu.memory_space<vmem_shared>>, %arg14: memref<!tpu.dma_semaphore, #tpu.memory_space<semaphore_mem>>, %arg15: memref<!tpu.dma_semaphore, #tpu.memory_space<semaphore_mem>>, %arg16: memref<!tpu.dma_semaphore, #tpu.memory_space<semaphore_mem>>, %arg17: memref<!tpu.dma_semaphore, #tpu.memory_space<semaphore_mem>>) attributes {dimension_semantics = [#tpu.dimension_semantics<core_parallel>, #tpu.dimension_semantics<subcore_parallel>], iteration_bounds = array<i64: 2, 16>, scalar_prefetch = 0 : i64, scratch_operands = 12 : i64, tpu.core_type = #tpu.core_type<sc_vector_subcore>, window_params = [{transform_indices = #map}, {transform_indices = #map}, {transform_indices = #map}, {transform_indices = #map}]} {
    %mul3A = arith.constant 2 : i32
    %mul3A_0 = arith.muli %arg1, %mul3A : i32
    %add3A = arith.addi %mul3A_0, %arg0 : i32
    %mul3A_1 = arith.constant 79 : i32
    %mul3A_2 = arith.muli %add3A, %mul3A_1 : i32
    %mul3A_3 = arith.constant 79 : i32
    %mul3A_4 = arith.muli %add3A, %mul3A_3 : i32
    %dma_start3A = arith.constant 0 : i32
    %dma_start3A_5 = tpu.memref_slice %arg3[%mul3A_2, %dma_start3A] : memref<2528x128xi32, #tpu.memory_space<hbm>> -> memref<79x128xi32, #tpu.memory_space<hbm>>
    %dma_start3A_6 = arith.constant 0 : i32
    %dma_start3A_7 = tpu.memref_slice %arg3[%mul3A_2, %dma_start3A_6] : memref<2528x128xi32, #tpu.memory_space<hbm>> -> memref<79x128xi32, #tpu.memory_space<hbm>>
    tpu.enqueue_dma source(%dma_start3A_7 : memref<79x128xi32, #tpu.memory_space<hbm>>) target(%arg6 : memref<79x128xi32, #tpu.memory_space<vmem>>) target_semaphore(%arg8 : memref<!tpu.dma_semaphore, #tpu.memory_space<semaphore_mem>>)
    %dma_start3A_8 = arith.constant 0 : i32
    %dma_start3A_9 = tpu.memref_slice %arg4[%mul3A_4, %dma_start3A_8] : memref<2528x128xi32, #tpu.memory_space<hbm>> -> memref<79x128xi32, #tpu.memory_space<hbm>>
    %dma_start3A_10 = arith.constant 0 : i32
    %dma_start3A_11 = tpu.memref_slice %arg4[%mul3A_4, %dma_start3A_10] : memref<2528x128xi32, #tpu.memory_space<hbm>> -> memref<79x128xi32, #tpu.memory_space<hbm>>
    tpu.enqueue_dma source(%dma_start3A_11 : memref<79x128xi32, #tpu.memory_space<hbm>>) target(%arg7 : memref<79x128xi32, #tpu.memory_space<vmem>>) target_semaphore(%arg8 : memref<!tpu.dma_semaphore, #tpu.memory_space<semaphore_mem>>)
    %scan3A = arith.constant 0 : i32
    %scan3A_12 = arith.constant 0 : i32
    %scan3A_13 = arith.constant 128 : i32
    %scan3A_14 = arith.addi %scan3A_12, %scan3A_13 : i32
    %scan3A_15 = arith.constant 1 : i32
    scf.for %scan3A_64 = %scan3A_12 to %scan3A_14 step %scan3A_15  : i32 {
      %broadcast_in_dim3A = arith.constant 0.000000e+00 : f32
      %broadcast_in_dim3A_65 = vector.broadcast %broadcast_in_dim3A : f32 to vector<16xf32>
      %swap3A = arith.index_cast %scan3A_64 : i32 to index
      %swap3A_66 = arith.constant 0 : index
      %swap3A_67 = tpu.vector_load %arg9[%swap3A, %swap3A_66] {strides = array<i32>} : memref<128x48xf32, #tpu.memory_space<vmem>>, vector<1x16xf32>,
      %swap3A_68 = vector.shape_cast %swap3A_67 : vector<1x16xf32> to vector<16xf32>
      %swap3A_69 = vector.shape_cast %broadcast_in_dim3A_65 : vector<16xf32> to vector<1x16xf32>
      tpu.vector_store %arg9[%swap3A, %swap3A_66], %swap3A_69 {strides = array<i32>} : memref<128x48xf32, #tpu.memory_space<vmem>>, vector<1x16xf32>,
      %broadcast_in_dim3A_70 = arith.constant 0.000000e+00 : f32
      %broadcast_in_dim3A_71 = vector.broadcast %broadcast_in_dim3A_70 : f32 to vector<16xf32>
      %swap3A_72 = arith.index_cast %scan3A_64 : i32 to index
      %swap3A_73 = arith.constant 16 : index
      %swap3A_74 = tpu.vector_load %arg9[%swap3A_72, %swap3A_73] {strides = array<i32>} : memref<128x48xf32, #tpu.memory_space<vmem>>, vector<1x16xf32>,
      %swap3A_75 = vector.shape_cast %swap3A_74 : vector<1x16xf32> to vector<16xf32>
      %swap3A_76 = vector.shape_cast %broadcast_in_dim3A_71 : vector<16xf32> to vector<1x16xf32>
      tpu.vector_store %arg9[%swap3A_72, %swap3A_73], %swap3A_76 {strides = array<i32>} : memref<128x48xf32, #tpu.memory_space<vmem>>, vector<1x16xf32>,
      %broadcast_in_dim3A_77 = arith.constant 0.000000e+00 : f32
      %broadcast_in_dim3A_78 = vector.broadcast %broadcast_in_dim3A_77 : f32 to vector<16xf32>
      %swap3A_79 = arith.index_cast %scan3A_64 : i32 to index
      %swap3A_80 = arith.constant 32 : index
      %swap3A_81 = tpu.vector_load %arg9[%swap3A_79, %swap3A_80] {strides = array<i32>} : memref<128x48xf32, #tpu.memory_space<vmem>>, vector<1x16xf32>,
      %swap3A_82 = vector.shape_cast %swap3A_81 : vector<1x16xf32> to vector<16xf32>
      %swap3A_83 = vector.shape_cast %broadcast_in_dim3A_78 : vector<16xf32> to vector<1x16xf32>
      tpu.vector_store %arg9[%swap3A_79, %swap3A_80], %swap3A_83 {strides = array<i32>} : memref<128x48xf32, #tpu.memory_space<vmem>>, vector<1x16xf32>,
    }
    %scan3A_16 = arith.constant 128 : i32
    %mul3A_17 = arith.constant 640 : i32
    %mul3A_18 = arith.muli %arg1, %mul3A_17 : i32
    %add3A_19 = arith.constant 0 : i32
    %add3A_20 = arith.addi %mul3A_18, %add3A_19 : i32
    "tpu.region"() ({
      %run_scoped3A = tpu.sem_alloc : memref<!tpu.dma_semaphore, #tpu.memory_space<semaphore_mem>>
      %dma_start3A_64 = arith.constant 0 : i32
      %dma_start3A_65 = tpu.memref_slice %arg13[%add3A_20, %dma_start3A_64] : memref<10240x48xf32, #tpu.memory_space<vmem_shared>> -> memref<128x48xf32, #tpu.memory_space<vmem_shared>>
      %dma_start3A_66 = arith.constant 0 : i32
      %dma_start3A_67 = tpu.memref_slice %arg13[%add3A_20, %dma_start3A_66] : memref<10240x48xf32, #tpu.memory_space<vmem_shared>> -> memref<128x48xf32, #tpu.memory_space<vmem_shared>>
      tpu.enqueue_dma source(%arg9 : memref<128x48xf32, #tpu.memory_space<vmem>>) target(%dma_start3A_67 : memref<128x48xf32, #tpu.memory_space<vmem_shared>>) target_semaphore(%run_scoped3A : memref<!tpu.dma_semaphore, #tpu.memory_space<semaphore_mem>>)
      %dma_wait3A_68 = arith.constant 0 : i32
      %dma_wait3A_69 = tpu.memref_slice %arg13[%add3A_20, %dma_wait3A_68] : memref<10240x48xf32, #tpu.memory_space<vmem_shared>> -> memref<128x48xf32, #tpu.memory_space<vmem_shared>>
      %dma_wait3A_70 = arith.constant 0 : i32
      %dma_wait3A_71 = tpu.memref_slice %arg13[%add3A_20, %dma_wait3A_70] : memref<10240x48xf32, #tpu.memory_space<vmem_shared>> -> memref<128x48xf32, #tpu.memory_space<vmem_shared>>
      tpu.wait_dma2 semaphore(%run_scoped3A : memref<!tpu.dma_semaphore, #tpu.memory_space<semaphore_mem>>) src(%arg9 : memref<128x48xf32, #tpu.memory_space<vmem>>) dst(%dma_wait3A_71 : memref<128x48xf32, #tpu.memory_space<vmem_shared>>)
      tpu.yield
    }) : () -> ()
    %add3A_21 = arith.constant 128 : i32
    %add3A_22 = arith.addi %mul3A_18, %add3A_21 : i32
    "tpu.region"() ({
      %run_scoped3A = tpu.sem_alloc : memref<!tpu.dma_semaphore, #tpu.memory_space<semaphore_mem>>
      %dma_start3A_64 = arith.constant 0 : i32
      %dma_start3A_65 = tpu.memref_slice %arg13[%add3A_22, %dma_start3A_64] : memref<10240x48xf32, #tpu.memory_space<vmem_shared>> -> memref<128x48xf32, #tpu.memory_space<vmem_shared>>
      %dma_start3A_66 = arith.constant 0 : i32
      %dma_start3A_67 = tpu.memref_slice %arg13[%add3A_22, %dma_start3A_66] : memref<10240x48xf32, #tpu.memory_space<vmem_shared>> -> memref<128x48xf32, #tpu.memory_space<vmem_shared>>
      tpu.enqueue_dma source(%arg9 : memref<128x48xf32, #tpu.memory_space<vmem>>) target(%dma_start3A_67 : memref<128x48xf32, #tpu.memory_space<vmem_shared>>) target_semaphore(%run_scoped3A : memref<!tpu.dma_semaphore, #tpu.memory_space<semaphore_mem>>)
      %dma_wait3A_68 = arith.constant 0 : i32
      %dma_wait3A_69 = tpu.memref_slice %arg13[%add3A_22, %dma_wait3A_68] : memref<10240x48xf32, #tpu.memory_space<vmem_shared>> -> memref<128x48xf32, #tpu.memory_space<vmem_shared>>
      %dma_wait3A_70 = arith.constant 0 : i32
      %dma_wait3A_71 = tpu.memref_slice %arg13[%add3A_22, %dma_wait3A_70] : memref<10240x48xf32, #tpu.memory_space<vmem_shared>> -> memref<128x48xf32, #tpu.memory_space<vmem_shared>>
      tpu.wait_dma2 semaphore(%run_scoped3A : memref<!tpu.dma_semaphore, #tpu.memory_space<semaphore_mem>>) src(%arg9 : memref<128x48xf32, #tpu.memory_space<vmem>>) dst(%dma_wait3A_71 : memref<128x48xf32, #tpu.memory_space<vmem_shared>>)
      tpu.yield
    }) : () -> ()
    %add3A_23 = arith.constant 256 : i32
    %add3A_24 = arith.addi %mul3A_18, %add3A_23 : i32
    "tpu.region"() ({
      %run_scoped3A = tpu.sem_alloc : memref<!tpu.dma_semaphore, #tpu.memory_space<semaphore_mem>>
      %dma_start3A_64 = arith.constant 0 : i32
      %dma_start3A_65 = tpu.memref_slice %arg13[%add3A_24, %dma_start3A_64] : memref<10240x48xf32, #tpu.memory_space<vmem_shared>> -> memref<128x48xf32, #tpu.memory_space<vmem_shared>>
      %dma_start3A_66 = arith.constant 0 : i32
      %dma_start3A_67 = tpu.memref_slice %arg13[%add3A_24, %dma_start3A_66] : memref<10240x48xf32, #tpu.memory_space<vmem_shared>> -> memref<128x48xf32, #tpu.memory_space<vmem_shared>>
      tpu.enqueue_dma source(%arg9 : memref<128x48xf32, #tpu.memory_space<vmem>>) target(%dma_start3A_67 : memref<128x48xf32, #tpu.memory_space<vmem_shared>>) target_semaphore(%run_scoped3A : memref<!tpu.dma_semaphore, #tpu.memory_space<semaphore_mem>>)
      %dma_wait3A_68 = arith.constant 0 : i32
      %dma_wait3A_69 = tpu.memref_slice %arg13[%add3A_24, %dma_wait3A_68] : memref<10240x48xf32, #tpu.memory_space<vmem_shared>> -> memref<128x48xf32, #tpu.memory_space<vmem_shared>>
      %dma_wait3A_70 = arith.constant 0 : i32
      %dma_wait3A_71 = tpu.memref_slice %arg13[%add3A_24, %dma_wait3A_70] : memref<10240x48xf32, #tpu.memory_space<vmem_shared>> -> memref<128x48xf32, #tpu.memory_space<vmem_shared>>
      tpu.wait_dma2 semaphore(%run_scoped3A : memref<!tpu.dma_semaphore, #tpu.memory_space<semaphore_mem>>) src(%arg9 : memref<128x48xf32, #tpu.memory_space<vmem>>) dst(%dma_wait3A_71 : memref<128x48xf32, #tpu.memory_space<vmem_shared>>)
      tpu.yield
    }) : () -> ()
    %add3A_25 = arith.constant 384 : i32
    %add3A_26 = arith.addi %mul3A_18, %add3A_25 : i32
    "tpu.region"() ({
      %run_scoped3A = tpu.sem_alloc : memref<!tpu.dma_semaphore, #tpu.memory_space<semaphore_mem>>
      %dma_start3A_64 = arith.constant 0 : i32
      %dma_start3A_65 = tpu.memref_slice %arg13[%add3A_26, %dma_start3A_64] : memref<10240x48xf32, #tpu.memory_space<vmem_shared>> -> memref<128x48xf32, #tpu.memory_space<vmem_shared>>
      %dma_start3A_66 = arith.constant 0 : i32
      %dma_start3A_67 = tpu.memref_slice %arg13[%add3A_26, %dma_start3A_66] : memref<10240x48xf32, #tpu.memory_space<vmem_shared>> -> memref<128x48xf32, #tpu.memory_space<vmem_shared>>
      tpu.enqueue_dma source(%arg9 : memref<128x48xf32, #tpu.memory_space<vmem>>) target(%dma_start3A_67 : memref<128x48xf32, #tpu.memory_space<vmem_shared>>) target_semaphore(%run_scoped3A : memref<!tpu.dma_semaphore, #tpu.memory_space<semaphore_mem>>)
      %dma_wait3A_68 = arith.constant 0 : i32
      %dma_wait3A_69 = tpu.memref_slice %arg13[%add3A_26, %dma_wait3A_68] : memref<10240x48xf32, #tpu.memory_space<vmem_shared>> -> memref<128x48xf32, #tpu.memory_space<vmem_shared>>
      %dma_wait3A_70 = arith.constant 0 : i32
      %dma_wait3A_71 = tpu.memref_slice %arg13[%add3A_26, %dma_wait3A_70] : memref<10240x48xf32, #tpu.memory_space<vmem_shared>> -> memref<128x48xf32, #tpu.memory_space<vmem_shared>>
      tpu.wait_dma2 semaphore(%run_scoped3A : memref<!tpu.dma_semaphore, #tpu.memory_space<semaphore_mem>>) src(%arg9 : memref<128x48xf32, #tpu.memory_space<vmem>>) dst(%dma_wait3A_71 : memref<128x48xf32, #tpu.memory_space<vmem_shared>>)
      tpu.yield
    }) : () -> ()
    %add3A_27 = arith.constant 512 : i32
    %add3A_28 = arith.addi %mul3A_18, %add3A_27 : i32
    "tpu.region"() ({
      %run_scoped3A = tpu.sem_alloc : memref<!tpu.dma_semaphore, #tpu.memory_space<semaphore_mem>>
      %dma_start3A_64 = arith.constant 0 : i32
      %dma_start3A_65 = tpu.memref_slice %arg13[%add3A_28, %dma_start3A_64] : memref<10240x48xf32, #tpu.memory_space<vmem_shared>> -> memref<128x48xf32, #tpu.memory_space<vmem_shared>>
      %dma_start3A_66 = arith.constant 0 : i32
      %dma_start3A_67 = tpu.memref_slice %arg13[%add3A_28, %dma_start3A_66] : memref<10240x48xf32, #tpu.memory_space<vmem_shared>> -> memref<128x48xf32, #tpu.memory_space<vmem_shared>>
      tpu.enqueue_dma source(%arg9 : memref<128x48xf32, #tpu.memory_space<vmem>>) target(%dma_start3A_67 : memref<128x48xf32, #tpu.memory_space<vmem_shared>>) target_semaphore(%run_scoped3A : memref<!tpu.dma_semaphore, #tpu.memory_space<semaphore_mem>>)
      %dma_wait3A_68 = arith.constant 0 : i32
      %dma_wait3A_69 = tpu.memref_slice %arg13[%add3A_28, %dma_wait3A_68] : memref<10240x48xf32, #tpu.memory_space<vmem_shared>> -> memref<128x48xf32, #tpu.memory_space<vmem_shared>>
      %dma_wait3A_70 = arith.constant 0 : i32
      %dma_wait3A_71 = tpu.memref_slice %arg13[%add3A_28, %dma_wait3A_70] : memref<10240x48xf32, #tpu.memory_space<vmem_shared>> -> memref<128x48xf32, #tpu.memory_space<vmem_shared>>
      tpu.wait_dma2 semaphore(%run_scoped3A : memref<!tpu.dma_semaphore, #tpu.memory_space<semaphore_mem>>) src(%arg9 : memref<128x48xf32, #tpu.memory_space<vmem>>) dst(%dma_wait3A_71 : memref<128x48xf32, #tpu.memory_space<vmem_shared>>)
      tpu.yield
    }) : () -> ()
    %barrier3A = arith.constant 0 : index
    tpu.barrier barrier_id(%barrier3A)
    %dma_wait3A = arith.constant 0 : i32
    %dma_wait3A_29 = tpu.memref_slice %arg3[%mul3A_2, %dma_wait3A] : memref<2528x128xi32, #tpu.memory_space<hbm>> -> memref<79x128xi32, #tpu.memory_space<hbm>>
    %dma_wait3A_30 = arith.constant 0 : i32
    %dma_wait3A_31 = tpu.memref_slice %arg3[%mul3A_2, %dma_wait3A_30] : memref<2528x128xi32, #tpu.memory_space<hbm>> -> memref<79x128xi32, #tpu.memory_space<hbm>>
    tpu.wait_dma2 semaphore(%arg8 : memref<!tpu.dma_semaphore, #tpu.memory_space<semaphore_mem>>) src(%dma_wait3A_31 : memref<79x128xi32, #tpu.memory_space<hbm>>) dst(%arg6 : memref<79x128xi32, #tpu.memory_space<vmem>>)
    %dma_wait3A_32 = arith.constant 0 : i32
    %dma_wait3A_33 = tpu.memref_slice %arg4[%mul3A_4, %dma_wait3A_32] : memref<2528x128xi32, #tpu.memory_space<hbm>> -> memref<79x128xi32, #tpu.memory_space<hbm>>
    %dma_wait3A_34 = arith.constant 0 : i32
    %dma_wait3A_35 = tpu.memref_slice %arg4[%mul3A_4, %dma_wait3A_34] : memref<2528x128xi32, #tpu.memory_space<hbm>> -> memref<79x128xi32, #tpu.memory_space<hbm>>
    tpu.wait_dma2 semaphore(%arg8 : memref<!tpu.dma_semaphore, #tpu.memory_space<semaphore_mem>>) src(%dma_wait3A_35 : memref<79x128xi32, #tpu.memory_space<hbm>>) dst(%arg7 : memref<79x128xi32, #tpu.memory_space<vmem>>)
    %dma_start3A_36 = arith.constant 0 : i32
    %dma_start3A_37 = arith.constant 0 : i32
    %dma_start3A_38 = tpu.memref_slice %arg6[%dma_start3A_36, %dma_start3A_37] : memref<79x128xi32, #tpu.memory_space<vmem>> -> memref<1x128xi32, #tpu.memory_space<vmem>>
    %dma_start3A_39 = tpu.memref_squeeze %dma_start3A_38 : memref<1x128xi32, #tpu.memory_space<vmem>> -> memref<128xi32, #tpu.memory_space<vmem>>
    %dma_start3A_40 = arith.constant 0 : i32
    %dma_start3A_41 = arith.constant 0 : i32
    %dma_start3A_42 = tpu.memref_slice %arg2[%dma_start3A_40, %dma_start3A_41] : memref<10240x48xf32, #tpu.memory_space<hbm>> -> memref<10240x48xf32, #tpu.memory_space<hbm>>
    tpu.enqueue_indirect_dma source(%dma_start3A_42 : memref<10240x48xf32, #tpu.memory_space<hbm>>) target(%arg9 : memref<128x48xf32, #tpu.memory_space<vmem>>) offsets(%dma_start3A_39 : memref<128xi32, #tpu.memory_space<vmem>>) semaphore(%arg14 : memref<!tpu.dma_semaphore, #tpu.memory_space<semaphore_mem>>)
    %dma_start3A_43 = arith.constant 1 : i32
    %dma_start3A_44 = arith.constant 0 : i32
    %dma_start3A_45 = tpu.memref_slice %arg6[%dma_start3A_43, %dma_start3A_44] : memref<79x128xi32, #tpu.memory_space<vmem>> -> memref<1x128xi32, #tpu.memory_space<vmem>>
    %dma_start3A_46 = tpu.memref_squeeze %dma_start3A_45 : memref<1x128xi32, #tpu.memory_space<vmem>> -> memref<128xi32, #tpu.memory_space<vmem>>
    %dma_start3A_47 = arith.constant 0 : i32
    %dma_start3A_48 = arith.constant 0 : i32
    %dma_start3A_49 = tpu.memref_slice %arg2[%dma_start3A_47, %dma_start3A_48] : memref<10240x48xf32, #tpu.memory_space<hbm>> -> memref<10240x48xf32, #tpu.memory_space<hbm>>
    tpu.enqueue_indirect_dma source(%dma_start3A_49 : memref<10240x48xf32, #tpu.memory_space<hbm>>) target(%arg10 : memref<128x48xf32, #tpu.memory_space<vmem>>) offsets(%dma_start3A_46 : memref<128xi32, #tpu.memory_space<vmem>>) semaphore(%arg15 : memref<!tpu.dma_semaphore, #tpu.memory_space<semaphore_mem>>)
    %scan3A_50 = arith.constant 0 : i32
    %scan3A_51 = arith.constant 0 : i32
    %scan3A_52 = arith.constant 20 : i32
    %scan3A_53 = arith.addi %scan3A_51, %scan3A_52 : i32
    %scan3A_54 = arith.constant 1 : i32
    scf.for %scan3A_64 = %scan3A_51 to %scan3A_53 step %scan3A_54  : i32 {
      %mul3A_65 = arith.constant 4 : i32
      %mul3A_66 = arith.muli %scan3A_64, %mul3A_65 : i32
      %add3A_67 = arith.constant 0 : i32
      %add3A_68 = arith.addi %mul3A_66, %add3A_67 : i32
      %lt3A = arith.constant 79 : i32
      %lt3A_69 = arith.cmpi slt, %add3A_68, %lt3A : i32
      %convert_element_type3A_70 = arith.extui %lt3A_69 : i1 to i32
      %cond3A_71 = arith.constant 0 : i32
      %cond3A_72 = arith.cmpi ne, %convert_element_type3A_70, %cond3A_71 : i32
      scf.if %cond3A_72 {
        %dma_wait3A_94 = arith.constant 0 : i32
        %dma_wait3A_95 = tpu.memref_slice %arg6[%add3A_68, %dma_wait3A_94] : memref<79x128xi32, #tpu.memory_space<vmem>> -> memref<1x128xi32, #tpu.memory_space<vmem>>
        %dma_wait3A_96 = tpu.memref_squeeze %dma_wait3A_95 : memref<1x128xi32, #tpu.memory_space<vmem>> -> memref<128xi32, #tpu.memory_space<vmem>>
        %dma_wait3A_97 = arith.constant 0 : i32
        %dma_wait3A_98 = arith.constant 0 : i32
        %dma_wait3A_99 = tpu.memref_slice %arg2[%dma_wait3A_97, %dma_wait3A_98] : memref<10240x48xf32, #tpu.memory_space<hbm>> -> memref<10240x48xf32, #tpu.memory_space<hbm>>
        tpu.wait_indirect_dma semaphore(%arg14 : memref<!tpu.dma_semaphore, #tpu.memory_space<semaphore_mem>>) src(%dma_wait3A_99 : memref<10240x48xf32, #tpu.memory_space<hbm>>) dst(%arg9 : memref<128x48xf32, #tpu.memory_space<vmem>>)
        "tpu.region"() ({
          %run_scoped3A = tpu.sem_alloc : memref<!tpu.dma_semaphore, #tpu.memory_space<semaphore_mem>>
          %dma_start3A_107 = arith.constant 0 : i32
          %dma_start3A_108 = tpu.memref_slice %arg7[%add3A_68, %dma_start3A_107] : memref<79x128xi32, #tpu.memory_space<vmem>> -> memref<1x128xi32, #tpu.memory_space<vmem>>
          %dma_start3A_109 = tpu.memref_squeeze %dma_start3A_108 : memref<1x128xi32, #tpu.memory_space<vmem>> -> memref<128xi32, #tpu.memory_space<vmem>>
          %dma_start3A_110 = arith.constant 0 : i32
          %dma_start3A_111 = arith.constant 0 : i32
          %dma_start3A_112 = tpu.memref_slice %arg13[%dma_start3A_110, %dma_start3A_111] : memref<10240x48xf32, #tpu.memory_space<vmem_shared>> -> memref<10240x48xf32, #tpu.memory_space<vmem_shared>>
          tpu.enqueue_indirect_dma source(%arg9 : memref<128x48xf32, #tpu.memory_space<vmem>>) target(%dma_start3A_112 : memref<10240x48xf32, #tpu.memory_space<vmem_shared>>) offsets(%dma_start3A_109 : memref<128xi32, #tpu.memory_space<vmem>>) semaphore(%run_scoped3A : memref<!tpu.dma_semaphore, #tpu.memory_space<semaphore_mem>>) {add = true}
          %dma_wait3A_113 = arith.constant 0 : i32
          %dma_wait3A_114 = tpu.memref_slice %arg7[%add3A_68, %dma_wait3A_113] : memref<79x128xi32, #tpu.memory_space<vmem>> -> memref<1x128xi32, #tpu.memory_space<vmem>>
          %dma_wait3A_115 = tpu.memref_squeeze %dma_wait3A_114 : memref<1x128xi32, #tpu.memory_space<vmem>> -> memref<128xi32, #tpu.memory_space<vmem>>
          %dma_wait3A_116 = arith.constant 0 : i32
          %dma_wait3A_117 = arith.constant 0 : i32
          %dma_wait3A_118 = tpu.memref_slice %arg13[%dma_wait3A_116, %dma_wait3A_117] : memref<10240x48xf32, #tpu.memory_space<vmem_shared>> -> memref<10240x48xf32, #tpu.memory_space<vmem_shared>>
          tpu.wait_indirect_dma semaphore(%run_scoped3A : memref<!tpu.dma_semaphore, #tpu.memory_space<semaphore_mem>>) src(%arg9 : memref<128x48xf32, #tpu.memory_space<vmem>>) dst(%dma_wait3A_118 : memref<10240x48xf32, #tpu.memory_space<vmem_shared>>)
          tpu.yield
        }) : () -> ()
        %add3A_100 = arith.constant 2 : i32
        %add3A_101 = arith.addi %add3A_68, %add3A_100 : i32
        %lt3A_102 = arith.constant 79 : i32
        %lt3A_103 = arith.cmpi slt, %add3A_101, %lt3A_102 : i32
        %convert_element_type3A_104 = arith.extui %lt3A_103 : i1 to i32
        %cond3A_105 = arith.constant 0 : i32
        %cond3A_106 = arith.cmpi ne, %convert_element_type3A_104, %cond3A_105 : i32
        scf.if %cond3A_106 {
          %add3A_107 = arith.constant 2 : i32
          %add3A_108 = arith.addi %add3A_68, %add3A_107 : i32
          %dma_start3A_109 = arith.constant 0 : i32
          %dma_start3A_110 = tpu.memref_slice %arg6[%add3A_108, %dma_start3A_109] : memref<79x128xi32, #tpu.memory_space<vmem>> -> memref<1x128xi32, #tpu.memory_space<vmem>>
          %dma_start3A_111 = tpu.memref_squeeze %dma_start3A_110 : memref<1x128xi32, #tpu.memory_space<vmem>> -> memref<128xi32, #tpu.memory_space<vmem>>
          %dma_start3A_112 = arith.constant 0 : i32
          %dma_start3A_113 = arith.constant 0 : i32
          %dma_start3A_114 = tpu.memref_slice %arg2[%dma_start3A_112, %dma_start3A_113] : memref<10240x48xf32, #tpu.memory_space<hbm>> -> memref<10240x48xf32, #tpu.memory_space<hbm>>
          tpu.enqueue_indirect_dma source(%dma_start3A_114 : memref<10240x48xf32, #tpu.memory_space<hbm>>) target(%arg11 : memref<128x48xf32, #tpu.memory_space<vmem>>) offsets(%dma_start3A_111 : memref<128xi32, #tpu.memory_space<vmem>>) semaphore(%arg16 : memref<!tpu.dma_semaphore, #tpu.memory_space<semaphore_mem>>)
        } else {
        }
      } else {
      }
      %add3A_73 = arith.constant 1 : i32
      %add3A_74 = arith.addi %mul3A_66, %add3A_73 : i32
      %lt3A_75 = arith.constant 79 : i32
      %lt3A_76 = arith.cmpi slt, %add3A_74, %lt3A_75 : i32
      %convert_element_type3A_77 = arith.extui %lt3A_76 : i1 to i32
      %cond3A_78 = arith.constant 0 : i32
      %cond3A_79 = arith.cmpi ne, %convert_element_type3A_77, %cond3A_78 : i32
      scf.if %cond3A_79 {
        %dma_wait3A_94 = arith.constant 0 : i32
        %dma_wait3A_95 = tpu.memref_slice %arg6[%add3A_74, %dma_wait3A_94] : memref<79x128xi32, #tpu.memory_space<vmem>> -> memref<1x128xi32, #tpu.memory_space<vmem>>
        %dma_wait3A_96 = tpu.memref_squeeze %dma_wait3A_95 : memref<1x128xi32, #tpu.memory_space<vmem>> -> memref<128xi32, #tpu.memory_space<vmem>>
        %dma_wait3A_97 = arith.constant 0 : i32
        %dma_wait3A_98 = arith.constant 0 : i32
        %dma_wait3A_99 = tpu.memref_slice %arg2[%dma_wait3A_97, %dma_wait3A_98] : memref<10240x48xf32, #tpu.memory_space<hbm>> -> memref<10240x48xf32, #tpu.memory_space<hbm>>
        tpu.wait_indirect_dma semaphore(%arg15 : memref<!tpu.dma_semaphore, #tpu.memory_space<semaphore_mem>>) src(%dma_wait3A_99 : memref<10240x48xf32, #tpu.memory_space<hbm>>) dst(%arg10 : memref<128x48xf32, #tpu.memory_space<vmem>>)
        "tpu.region"() ({
          %run_scoped3A = tpu.sem_alloc : memref<!tpu.dma_semaphore, #tpu.memory_space<semaphore_mem>>
          %dma_start3A_107 = arith.constant 0 : i32
          %dma_start3A_108 = tpu.memref_slice %arg7[%add3A_74, %dma_start3A_107] : memref<79x128xi32, #tpu.memory_space<vmem>> -> memref<1x128xi32, #tpu.memory_space<vmem>>
          %dma_start3A_109 = tpu.memref_squeeze %dma_start3A_108 : memref<1x128xi32, #tpu.memory_space<vmem>> -> memref<128xi32, #tpu.memory_space<vmem>>
          %dma_start3A_110 = arith.constant 0 : i32
          %dma_start3A_111 = arith.constant 0 : i32
          %dma_start3A_112 = tpu.memref_slice %arg13[%dma_start3A_110, %dma_start3A_111] : memref<10240x48xf32, #tpu.memory_space<vmem_shared>> -> memref<10240x48xf32, #tpu.memory_space<vmem_shared>>
          tpu.enqueue_indirect_dma source(%arg10 : memref<128x48xf32, #tpu.memory_space<vmem>>) target(%dma_start3A_112 : memref<10240x48xf32, #tpu.memory_space<vmem_shared>>) offsets(%dma_start3A_109 : memref<128xi32, #tpu.memory_space<vmem>>) semaphore(%run_scoped3A : memref<!tpu.dma_semaphore, #tpu.memory_space<semaphore_mem>>) {add = true}
          %dma_wait3A_113 = arith.constant 0 : i32
          %dma_wait3A_114 = tpu.memref_slice %arg7[%add3A_74, %dma_wait3A_113] : memref<79x128xi32, #tpu.memory_space<vmem>> -> memref<1x128xi32, #tpu.memory_space<vmem>>
          %dma_wait3A_115 = tpu.memref_squeeze %dma_wait3A_114 : memref<1x128xi32, #tpu.memory_space<vmem>> -> memref<128xi32, #tpu.memory_space<vmem>>
          %dma_wait3A_116 = arith.constant 0 : i32
          %dma_wait3A_117 = arith.constant 0 : i32
          %dma_wait3A_118 = tpu.memref_slice %arg13[%dma_wait3A_116, %dma_wait3A_117] : memref<10240x48xf32, #tpu.memory_space<vmem_shared>> -> memref<10240x48xf32, #tpu.memory_space<vmem_shared>>
          tpu.wait_indirect_dma semaphore(%run_scoped3A : memref<!tpu.dma_semaphore, #tpu.memory_space<semaphore_mem>>) src(%arg10 : memref<128x48xf32, #tpu.memory_space<vmem>>) dst(%dma_wait3A_118 : memref<10240x48xf32, #tpu.memory_space<vmem_shared>>)
          tpu.yield
        }) : () -> ()
        %add3A_100 = arith.constant 2 : i32
        %add3A_101 = arith.addi %add3A_74, %add3A_100 : i32
        %lt3A_102 = arith.constant 79 : i32
        %lt3A_103 = arith.cmpi slt, %add3A_101, %lt3A_102 : i32
        %convert_element_type3A_104 = arith.extui %lt3A_103 : i1 to i32
        %cond3A_105 = arith.constant 0 : i32
        %cond3A_106 = arith.cmpi ne, %convert_element_type3A_104, %cond3A_105 : i32
        scf.if %cond3A_106 {
          %add3A_107 = arith.constant 2 : i32
          %add3A_108 = arith.addi %add3A_74, %add3A_107 : i32
          %dma_start3A_109 = arith.constant 0 : i32
          %dma_start3A_110 = tpu.memref_slice %arg6[%add3A_108, %dma_start3A_109] : memref<79x128xi32, #tpu.memory_space<vmem>> -> memref<1x128xi32, #tpu.memory_space<vmem>>
          %dma_start3A_111 = tpu.memref_squeeze %dma_start3A_110 : memref<1x128xi32, #tpu.memory_space<vmem>> -> memref<128xi32, #tpu.memory_space<vmem>>
          %dma_start3A_112 = arith.constant 0 : i32
          %dma_start3A_113 = arith.constant 0 : i32
          %dma_start3A_114 = tpu.memref_slice %arg2[%dma_start3A_112, %dma_start3A_113] : memref<10240x48xf32, #tpu.memory_space<hbm>> -> memref<10240x48xf32, #tpu.memory_space<hbm>>
          tpu.enqueue_indirect_dma source(%dma_start3A_114 : memref<10240x48xf32, #tpu.memory_space<hbm>>) target(%arg12 : memref<128x48xf32, #tpu.memory_space<vmem>>) offsets(%dma_start3A_111 : memref<128xi32, #tpu.memory_space<vmem>>) semaphore(%arg17 : memref<!tpu.dma_semaphore, #tpu.memory_space<semaphore_mem>>)
        } else {
        }
      } else {
      }
      %add3A_80 = arith.constant 2 : i32
      %add3A_81 = arith.addi %mul3A_66, %add3A_80 : i32
      %lt3A_82 = arith.constant 79 : i32
      %lt3A_83 = arith.cmpi slt, %add3A_81, %lt3A_82 : i32
      %convert_element_type3A_84 = arith.extui %lt3A_83 : i1 to i32
      %cond3A_85 = arith.constant 0 : i32
      %cond3A_86 = arith.cmpi ne, %convert_element_type3A_84, %cond3A_85 : i32
      scf.if %cond3A_86 {
        %dma_wait3A_94 = arith.constant 0 : i32
        %dma_wait3A_95 = tpu.memref_slice %arg6[%add3A_81, %dma_wait3A_94] : memref<79x128xi32, #tpu.memory_space<vmem>> -> memref<1x128xi32, #tpu.memory_space<vmem>>
        %dma_wait3A_96 = tpu.memref_squeeze %dma_wait3A_95 : memref<1x128xi32, #tpu.memory_space<vmem>> -> memref<128xi32, #tpu.memory_space<vmem>>
        %dma_wait3A_97 = arith.constant 0 : i32
        %dma_wait3A_98 = arith.constant 0 : i32
        %dma_wait3A_99 = tpu.memref_slice %arg2[%dma_wait3A_97, %dma_wait3A_98] : memref<10240x48xf32, #tpu.memory_space<hbm>> -> memref<10240x48xf32, #tpu.memory_space<hbm>>
        tpu.wait_indirect_dma semaphore(%arg16 : memref<!tpu.dma_semaphore, #tpu.memory_space<semaphore_mem>>) src(%dma_wait3A_99 : memref<10240x48xf32, #tpu.memory_space<hbm>>) dst(%arg11 : memref<128x48xf32, #tpu.memory_space<vmem>>)
        "tpu.region"() ({
          %run_scoped3A = tpu.sem_alloc : memref<!tpu.dma_semaphore, #tpu.memory_space<semaphore_mem>>
          %dma_start3A_107 = arith.constant 0 : i32
          %dma_start3A_108 = tpu.memref_slice %arg7[%add3A_81, %dma_start3A_107] : memref<79x128xi32, #tpu.memory_space<vmem>> -> memref<1x128xi32, #tpu.memory_space<vmem>>
          %dma_start3A_109 = tpu.memref_squeeze %dma_start3A_108 : memref<1x128xi32, #tpu.memory_space<vmem>> -> memref<128xi32, #tpu.memory_space<vmem>>
          %dma_start3A_110 = arith.constant 0 : i32
          %dma_start3A_111 = arith.constant 0 : i32
          %dma_start3A_112 = tpu.memref_slice %arg13[%dma_start3A_110, %dma_start3A_111] : memref<10240x48xf32, #tpu.memory_space<vmem_shared>> -> memref<10240x48xf32, #tpu.memory_space<vmem_shared>>
          tpu.enqueue_indirect_dma source(%arg11 : memref<128x48xf32, #tpu.memory_space<vmem>>) target(%dma_start3A_112 : memref<10240x48xf32, #tpu.memory_space<vmem_shared>>) offsets(%dma_start3A_109 : memref<128xi32, #tpu.memory_space<vmem>>) semaphore(%run_scoped3A : memref<!tpu.dma_semaphore, #tpu.memory_space<semaphore_mem>>) {add = true}
          %dma_wait3A_113 = arith.constant 0 : i32
          %dma_wait3A_114 = tpu.memref_slice %arg7[%add3A_81, %dma_wait3A_113] : memref<79x128xi32, #tpu.memory_space<vmem>> -> memref<1x128xi32, #tpu.memory_space<vmem>>
          %dma_wait3A_115 = tpu.memref_squeeze %dma_wait3A_114 : memref<1x128xi32, #tpu.memory_space<vmem>> -> memref<128xi32, #tpu.memory_space<vmem>>
          %dma_wait3A_116 = arith.constant 0 : i32
          %dma_wait3A_117 = arith.constant 0 : i32
          %dma_wait3A_118 = tpu.memref_slice %arg13[%dma_wait3A_116, %dma_wait3A_117] : memref<10240x48xf32, #tpu.memory_space<vmem_shared>> -> memref<10240x48xf32, #tpu.memory_space<vmem_shared>>
          tpu.wait_indirect_dma semaphore(%run_scoped3A : memref<!tpu.dma_semaphore, #tpu.memory_space<semaphore_mem>>) src(%arg11 : memref<128x48xf32, #tpu.memory_space<vmem>>) dst(%dma_wait3A_118 : memref<10240x48xf32, #tpu.memory_space<vmem_shared>>)
          tpu.yield
        }) : () -> ()
        %add3A_100 = arith.constant 2 : i32
        %add3A_101 = arith.addi %add3A_81, %add3A_100 : i32
        %lt3A_102 = arith.constant 79 : i32
        %lt3A_103 = arith.cmpi slt, %add3A_101, %lt3A_102 : i32
        %convert_element_type3A_104 = arith.extui %lt3A_103 : i1 to i32
        %cond3A_105 = arith.constant 0 : i32
        %cond3A_106 = arith.cmpi ne, %convert_element_type3A_104, %cond3A_105 : i32
        scf.if %cond3A_106 {
          %add3A_107 = arith.constant 2 : i32
          %add3A_108 = arith.addi %add3A_81, %add3A_107 : i32
          %dma_start3A_109 = arith.constant 0 : i32
          %dma_start3A_110 = tpu.memref_slice %arg6[%add3A_108, %dma_start3A_109] : memref<79x128xi32, #tpu.memory_space<vmem>> -> memref<1x128xi32, #tpu.memory_space<vmem>>
          %dma_start3A_111 = tpu.memref_squeeze %dma_start3A_110 : memref<1x128xi32, #tpu.memory_space<vmem>> -> memref<128xi32, #tpu.memory_space<vmem>>
          %dma_start3A_112 = arith.constant 0 : i32
          %dma_start3A_113 = arith.constant 0 : i32
          %dma_start3A_114 = tpu.memref_slice %arg2[%dma_start3A_112, %dma_start3A_113] : memref<10240x48xf32, #tpu.memory_space<hbm>> -> memref<10240x48xf32, #tpu.memory_space<hbm>>
          tpu.enqueue_indirect_dma source(%dma_start3A_114 : memref<10240x48xf32, #tpu.memory_space<hbm>>) target(%arg9 : memref<128x48xf32, #tpu.memory_space<vmem>>) offsets(%dma_start3A_111 : memref<128xi32, #tpu.memory_space<vmem>>) semaphore(%arg14 : memref<!tpu.dma_semaphore, #tpu.memory_space<semaphore_mem>>)
        } else {
        }
      } else {
      }
      %add3A_87 = arith.constant 3 : i32
      %add3A_88 = arith.addi %mul3A_66, %add3A_87 : i32
      %lt3A_89 = arith.constant 79 : i32
      %lt3A_90 = arith.cmpi slt, %add3A_88, %lt3A_89 : i32
      %convert_element_type3A_91 = arith.extui %lt3A_90 : i1 to i32
      %cond3A_92 = arith.constant 0 : i32
      %cond3A_93 = arith.cmpi ne, %convert_element_type3A_91, %cond3A_92 : i32
      scf.if %cond3A_93 {
        %dma_wait3A_94 = arith.constant 0 : i32
        %dma_wait3A_95 = tpu.memref_slice %arg6[%add3A_88, %dma_wait3A_94] : memref<79x128xi32, #tpu.memory_space<vmem>> -> memref<1x128xi32, #tpu.memory_space<vmem>>
        %dma_wait3A_96 = tpu.memref_squeeze %dma_wait3A_95 : memref<1x128xi32, #tpu.memory_space<vmem>> -> memref<128xi32, #tpu.memory_space<vmem>>
        %dma_wait3A_97 = arith.constant 0 : i32
        %dma_wait3A_98 = arith.constant 0 : i32
        %dma_wait3A_99 = tpu.memref_slice %arg2[%dma_wait3A_97, %dma_wait3A_98] : memref<10240x48xf32, #tpu.memory_space<hbm>> -> memref<10240x48xf32, #tpu.memory_space<hbm>>
        tpu.wait_indirect_dma semaphore(%arg17 : memref<!tpu.dma_semaphore, #tpu.memory_space<semaphore_mem>>) src(%dma_wait3A_99 : memref<10240x48xf32, #tpu.memory_space<hbm>>) dst(%arg12 : memref<128x48xf32, #tpu.memory_space<vmem>>)
        "tpu.region"() ({
          %run_scoped3A = tpu.sem_alloc : memref<!tpu.dma_semaphore, #tpu.memory_space<semaphore_mem>>
          %dma_start3A_107 = arith.constant 0 : i32
          %dma_start3A_108 = tpu.memref_slice %arg7[%add3A_88, %dma_start3A_107] : memref<79x128xi32, #tpu.memory_space<vmem>> -> memref<1x128xi32, #tpu.memory_space<vmem>>
          %dma_start3A_109 = tpu.memref_squeeze %dma_start3A_108 : memref<1x128xi32, #tpu.memory_space<vmem>> -> memref<128xi32, #tpu.memory_space<vmem>>
          %dma_start3A_110 = arith.constant 0 : i32
          %dma_start3A_111 = arith.constant 0 : i32
          %dma_start3A_112 = tpu.memref_slice %arg13[%dma_start3A_110, %dma_start3A_111] : memref<10240x48xf32, #tpu.memory_space<vmem_shared>> -> memref<10240x48xf32, #tpu.memory_space<vmem_shared>>
          tpu.enqueue_indirect_dma source(%arg12 : memref<128x48xf32, #tpu.memory_space<vmem>>) target(%dma_start3A_112 : memref<10240x48xf32, #tpu.memory_space<vmem_shared>>) offsets(%dma_start3A_109 : memref<128xi32, #tpu.memory_space<vmem>>) semaphore(%run_scoped3A : memref<!tpu.dma_semaphore, #tpu.memory_space<semaphore_mem>>) {add = true}
          %dma_wait3A_113 = arith.constant 0 : i32
          %dma_wait3A_114 = tpu.memref_slice %arg7[%add3A_88, %dma_wait3A_113] : memref<79x128xi32, #tpu.memory_space<vmem>> -> memref<1x128xi32, #tpu.memory_space<vmem>>
          %dma_wait3A_115 = tpu.memref_squeeze %dma_wait3A_114 : memref<1x128xi32, #tpu.memory_space<vmem>> -> memref<128xi32, #tpu.memory_space<vmem>>
          %dma_wait3A_116 = arith.constant 0 : i32
          %dma_wait3A_117 = arith.constant 0 : i32
          %dma_wait3A_118 = tpu.memref_slice %arg13[%dma_wait3A_116, %dma_wait3A_117] : memref<10240x48xf32, #tpu.memory_space<vmem_shared>> -> memref<10240x48xf32, #tpu.memory_space<vmem_shared>>
          tpu.wait_indirect_dma semaphore(%run_scoped3A : memref<!tpu.dma_semaphore, #tpu.memory_space<semaphore_mem>>) src(%arg12 : memref<128x48xf32, #tpu.memory_space<vmem>>) dst(%dma_wait3A_118 : memref<10240x48xf32, #tpu.memory_space<vmem_shared>>)
          tpu.yield
        }) : () -> ()
        %add3A_100 = arith.constant 2 : i32
        %add3A_101 = arith.addi %add3A_88, %add3A_100 : i32
        %lt3A_102 = arith.constant 79 : i32
        %lt3A_103 = arith.cmpi slt, %add3A_101, %lt3A_102 : i32
        %convert_element_type3A_104 = arith.extui %lt3A_103 : i1 to i32
        %cond3A_105 = arith.constant 0 : i32
        %cond3A_106 = arith.cmpi ne, %convert_element_type3A_104, %cond3A_105 : i32
        scf.if %cond3A_106 {
          %add3A_107 = arith.constant 2 : i32
          %add3A_108 = arith.addi %add3A_88, %add3A_107 : i32
          %dma_start3A_109 = arith.constant 0 : i32
          %dma_start3A_110 = tpu.memref_slice %arg6[%add3A_108, %dma_start3A_109] : memref<79x128xi32, #tpu.memory_space<vmem>> -> memref<1x128xi32, #tpu.memory_space<vmem>>
          %dma_start3A_111 = tpu.memref_squeeze %dma_start3A_110 : memref<1x128xi32, #tpu.memory_space<vmem>> -> memref<128xi32, #tpu.memory_space<vmem>>
          %dma_start3A_112 = arith.constant 0 : i32
          %dma_start3A_113 = arith.constant 0 : i32
          %dma_start3A_114 = tpu.memref_slice %arg2[%dma_start3A_112, %dma_start3A_113] : memref<10240x48xf32, #tpu.memory_space<hbm>> -> memref<10240x48xf32, #tpu.memory_space<hbm>>
          tpu.enqueue_indirect_dma source(%dma_start3A_114 : memref<10240x48xf32, #tpu.memory_space<hbm>>) target(%arg10 : memref<128x48xf32, #tpu.memory_space<vmem>>) offsets(%dma_start3A_111 : memref<128xi32, #tpu.memory_space<vmem>>) semaphore(%arg15 : memref<!tpu.dma_semaphore, #tpu.memory_space<semaphore_mem>>)
        } else {
        }
      } else {
      }
    }
    %scan3A_55 = arith.constant 20 : i32
    %barrier3A_56 = arith.constant 0 : index
    tpu.barrier barrier_id(%barrier3A_56)
    %eq3A = arith.constant 0 : i32
    %eq3A_57 = arith.cmpi eq, %arg0, %eq3A : i32
    %convert_element_type3A = arith.extui %eq3A_57 : i1 to i32
    %cond3A = arith.constant 0 : i32
    %cond3A_58 = arith.cmpi ne, %convert_element_type3A, %cond3A : i32
    scf.if %cond3A_58 {
      "tpu.region"() ({
        %run_scoped3A = tpu.sem_alloc : memref<!tpu.dma_semaphore, #tpu.memory_space<semaphore_mem>>
        %dma_start3A_64 = arith.constant 0 : i32
        %dma_start3A_65 = tpu.memref_slice %arg5[%mul3A_18, %dma_start3A_64] : memref<10240x128xf32, #tpu.memory_space<hbm>> -> memref<640x48xf32, #tpu.memory_space<hbm>>
        %dma_start3A_66 = arith.constant 0 : i32
        %dma_start3A_67 = tpu.memref_slice %arg13[%mul3A_18, %dma_start3A_66] : memref<10240x48xf32, #tpu.memory_space<vmem_shared>> -> memref<640x48xf32, #tpu.memory_space<vmem_shared>>
        tpu.enqueue_dma source(%dma_start3A_67 : memref<640x48xf32, #tpu.memory_space<vmem_shared>>) target(%dma_start3A_65 : memref<640x48xf32, #tpu.memory_space<hbm>>) target_semaphore(%run_scoped3A : memref<!tpu.dma_semaphore, #tpu.memory_space<semaphore_mem>>)
        %dma_wait3A_68 = arith.constant 0 : i32
        %dma_wait3A_69 = tpu.memref_slice %arg5[%mul3A_18, %dma_wait3A_68] : memref<10240x128xf32, #tpu.memory_space<hbm>> -> memref<640x48xf32, #tpu.memory_space<hbm>>
        %dma_wait3A_70 = arith.constant 0 : i32
        %dma_wait3A_71 = tpu.memref_slice %arg13[%mul3A_18, %dma_wait3A_70] : memref<10240x48xf32, #tpu.memory_space<vmem_shared>> -> memref<640x48xf32, #tpu.memory_space<vmem_shared>>
        tpu.wait_dma2 semaphore(%run_scoped3A : memref<!tpu.dma_semaphore, #tpu.memory_space<semaphore_mem>>) src(%dma_wait3A_71 : memref<640x48xf32, #tpu.memory_space<vmem_shared>>) dst(%dma_wait3A_69 : memref<640x48xf32, #tpu.memory_space<hbm>>)
        tpu.yield
      }) : () -> ()
    } else {
    }
    %eq3A_59 = arith.constant 1 : i32
    %eq3A_60 = arith.cmpi eq, %arg0, %eq3A_59 : i32
    %convert_element_type3A_61 = arith.extui %eq3A_60 : i1 to i32
    %cond3A_62 = arith.constant 0 : i32
    %cond3A_63 = arith.cmpi ne, %convert_element_type3A_61, %cond3A_62 : i32
    scf.if %cond3A_63 {
      "tpu.region"() ({
        %run_scoped3A = tpu.sem_alloc : memref<!tpu.dma_semaphore, #tpu.memory_space<semaphore_mem>>
        %dma_start3A_64 = arith.constant 64 : i32
        %dma_start3A_65 = tpu.memref_slice %arg5[%mul3A_18, %dma_start3A_64] : memref<10240x128xf32, #tpu.memory_space<hbm>> -> memref<640x48xf32, #tpu.memory_space<hbm>>
        %dma_start3A_66 = arith.constant 0 : i32
        %dma_start3A_67 = tpu.memref_slice %arg13[%mul3A_18, %dma_start3A_66] : memref<10240x48xf32, #tpu.memory_space<vmem_shared>> -> memref<640x48xf32, #tpu.memory_space<vmem_shared>>
        tpu.enqueue_dma source(%dma_start3A_67 : memref<640x48xf32, #tpu.memory_space<vmem_shared>>) target(%dma_start3A_65 : memref<640x48xf32, #tpu.memory_space<hbm>>) target_semaphore(%run_scoped3A : memref<!tpu.dma_semaphore, #tpu.memory_space<semaphore_mem>>)
        %dma_wait3A_68 = arith.constant 64 : i32
        %dma_wait3A_69 = tpu.memref_slice %arg5[%mul3A_18, %dma_wait3A_68] : memref<10240x128xf32, #tpu.memory_space<hbm>> -> memref<640x48xf32, #tpu.memory_space<hbm>>
        %dma_wait3A_70 = arith.constant 0 : i32
        %dma_wait3A_71 = tpu.memref_slice %arg13[%mul3A_18, %dma_wait3A_70] : memref<10240x48xf32, #tpu.memory_space<vmem_shared>> -> memref<640x48xf32, #tpu.memory_space<vmem_shared>>
        tpu.wait_dma2 semaphore(%run_scoped3A : memref<!tpu.dma_semaphore, #tpu.memory_space<semaphore_mem>>) src(%dma_wait3A_71 : memref<640x48xf32, #tpu.memory_space<vmem_shared>>) dst(%dma_wait3A_69 : memref<640x48xf32, #tpu.memory_space<hbm>>)
        tpu.yield
      }) : () -> ()
    } else {
    }
    return
  }
}

#map = affine_map<(d0, d1) -> (0, 0)>
#map1 = affine_map<(d0, d1) -> (0, 0, 0)>
module attributes {stable_mosaic.version = 14 : i64} {
  func.func @_sc_layer1(%arg0: i32, %arg1: i32, %arg2: memref<10240x64xf32, #tpu.memory_space<hbm>>, %arg3: memref<10240x64xf32, #tpu.memory_space<hbm>>, %arg4: memref<2528x128xi32, #tpu.memory_space<hbm>>, %arg5: memref<2528x128xi32, #tpu.memory_space<hbm>>, %arg6: memref<10240x128xf32, #tpu.memory_space<hbm>>, %arg7: memref<2x10240x16xf32, #tpu.memory_space<hbm>>, %arg8: memref<158x128xi32, #tpu.memory_space<vmem>>, %arg9: memref<158x128xi32, #tpu.memory_space<vmem>>, %arg10: memref<!tpu.dma_semaphore, #tpu.memory_space<semaphore_mem>>, %arg11: memref<128x64xf32, #tpu.memory_space<vmem>>, %arg12: memref<128x64xf32, #tpu.memory_space<vmem>>, %arg13: memref<128x64xf32, #tpu.memory_space<vmem>>, %arg14: memref<128x64xf32, #tpu.memory_space<vmem>>, %arg15: memref<128x16xf32, #tpu.memory_space<vmem>>, %arg16: memref<128x16xf32, #tpu.memory_space<vmem>>, %arg17: memref<10240x64xf32, #tpu.memory_space<vmem_shared>>, %arg18: memref<10240x16xf32, #tpu.memory_space<vmem_shared>>, %arg19: memref<!tpu.dma_semaphore, #tpu.memory_space<semaphore_mem>>, %arg20: memref<!tpu.dma_semaphore, #tpu.memory_space<semaphore_mem>>, %arg21: memref<!tpu.dma_semaphore, #tpu.memory_space<semaphore_mem>>, %arg22: memref<!tpu.dma_semaphore, #tpu.memory_space<semaphore_mem>>) attributes {dimension_semantics = [#tpu.dimension_semantics<core_parallel>, #tpu.dimension_semantics<subcore_parallel>], iteration_bounds = array<i64: 2, 16>, scalar_prefetch = 0 : i64, scratch_operands = 15 : i64, tpu.core_type = #tpu.core_type<sc_vector_subcore>, window_params = [{transform_indices = #map}, {transform_indices = #map}, {transform_indices = #map}, {transform_indices = #map}, {transform_indices = #map}, {transform_indices = #map1}]} {
    %mul3A = arith.constant 158 : i32
    %mul3A_0 = arith.muli %arg1, %mul3A : i32
    %mul3A_1 = arith.constant 158 : i32
    %mul3A_2 = arith.muli %arg1, %mul3A_1 : i32
    %dma_start3A = arith.constant 0 : i32
    %dma_start3A_3 = tpu.memref_slice %arg4[%mul3A_0, %dma_start3A] : memref<2528x128xi32, #tpu.memory_space<hbm>> -> memref<158x128xi32, #tpu.memory_space<hbm>>
    %dma_start3A_4 = arith.constant 0 : i32
    %dma_start3A_5 = tpu.memref_slice %arg4[%mul3A_0, %dma_start3A_4] : memref<2528x128xi32, #tpu.memory_space<hbm>> -> memref<158x128xi32, #tpu.memory_space<hbm>>
    tpu.enqueue_dma source(%dma_start3A_5 : memref<158x128xi32, #tpu.memory_space<hbm>>) target(%arg8 : memref<158x128xi32, #tpu.memory_space<vmem>>) target_semaphore(%arg10 : memref<!tpu.dma_semaphore, #tpu.memory_space<semaphore_mem>>)
    %dma_start3A_6 = arith.constant 0 : i32
    %dma_start3A_7 = tpu.memref_slice %arg5[%mul3A_2, %dma_start3A_6] : memref<2528x128xi32, #tpu.memory_space<hbm>> -> memref<158x128xi32, #tpu.memory_space<hbm>>
    %dma_start3A_8 = arith.constant 0 : i32
    %dma_start3A_9 = tpu.memref_slice %arg5[%mul3A_2, %dma_start3A_8] : memref<2528x128xi32, #tpu.memory_space<hbm>> -> memref<158x128xi32, #tpu.memory_space<hbm>>
    tpu.enqueue_dma source(%dma_start3A_9 : memref<158x128xi32, #tpu.memory_space<hbm>>) target(%arg9 : memref<158x128xi32, #tpu.memory_space<vmem>>) target_semaphore(%arg10 : memref<!tpu.dma_semaphore, #tpu.memory_space<semaphore_mem>>)
    %scan3A = arith.constant 0 : i32
    %scan3A_10 = arith.constant 0 : i32
    %scan3A_11 = arith.constant 128 : i32
    %scan3A_12 = arith.addi %scan3A_10, %scan3A_11 : i32
    %scan3A_13 = arith.constant 1 : i32
    scf.for %scan3A_61 = %scan3A_10 to %scan3A_12 step %scan3A_13  : i32 {
      %broadcast_in_dim3A = arith.constant 0.000000e+00 : f32
      %broadcast_in_dim3A_62 = vector.broadcast %broadcast_in_dim3A : f32 to vector<16xf32>
      %swap3A = arith.index_cast %scan3A_61 : i32 to index
      %swap3A_63 = arith.constant 0 : index
      %swap3A_64 = tpu.vector_load %arg11[%swap3A, %swap3A_63] {strides = array<i32>} : memref<128x64xf32, #tpu.memory_space<vmem>>, vector<1x16xf32>,
      %swap3A_65 = vector.shape_cast %swap3A_64 : vector<1x16xf32> to vector<16xf32>
      %swap3A_66 = vector.shape_cast %broadcast_in_dim3A_62 : vector<16xf32> to vector<1x16xf32>
      tpu.vector_store %arg11[%swap3A, %swap3A_63], %swap3A_66 {strides = array<i32>} : memref<128x64xf32, #tpu.memory_space<vmem>>, vector<1x16xf32>,
      %broadcast_in_dim3A_67 = arith.constant 0.000000e+00 : f32
      %broadcast_in_dim3A_68 = vector.broadcast %broadcast_in_dim3A_67 : f32 to vector<16xf32>
      %swap3A_69 = arith.index_cast %scan3A_61 : i32 to index
      %swap3A_70 = arith.constant 16 : index
      %swap3A_71 = tpu.vector_load %arg11[%swap3A_69, %swap3A_70] {strides = array<i32>} : memref<128x64xf32, #tpu.memory_space<vmem>>, vector<1x16xf32>,
      %swap3A_72 = vector.shape_cast %swap3A_71 : vector<1x16xf32> to vector<16xf32>
      %swap3A_73 = vector.shape_cast %broadcast_in_dim3A_68 : vector<16xf32> to vector<1x16xf32>
      tpu.vector_store %arg11[%swap3A_69, %swap3A_70], %swap3A_73 {strides = array<i32>} : memref<128x64xf32, #tpu.memory_space<vmem>>, vector<1x16xf32>,
      %broadcast_in_dim3A_74 = arith.constant 0.000000e+00 : f32
      %broadcast_in_dim3A_75 = vector.broadcast %broadcast_in_dim3A_74 : f32 to vector<16xf32>
      %swap3A_76 = arith.index_cast %scan3A_61 : i32 to index
      %swap3A_77 = arith.constant 32 : index
      %swap3A_78 = tpu.vector_load %arg11[%swap3A_76, %swap3A_77] {strides = array<i32>} : memref<128x64xf32, #tpu.memory_space<vmem>>, vector<1x16xf32>,
      %swap3A_79 = vector.shape_cast %swap3A_78 : vector<1x16xf32> to vector<16xf32>
      %swap3A_80 = vector.shape_cast %broadcast_in_dim3A_75 : vector<16xf32> to vector<1x16xf32>
      tpu.vector_store %arg11[%swap3A_76, %swap3A_77], %swap3A_80 {strides = array<i32>} : memref<128x64xf32, #tpu.memory_space<vmem>>, vector<1x16xf32>,
      %broadcast_in_dim3A_81 = arith.constant 0.000000e+00 : f32
      %broadcast_in_dim3A_82 = vector.broadcast %broadcast_in_dim3A_81 : f32 to vector<16xf32>
      %swap3A_83 = arith.index_cast %scan3A_61 : i32 to index
      %swap3A_84 = arith.constant 48 : index
      %swap3A_85 = tpu.vector_load %arg11[%swap3A_83, %swap3A_84] {strides = array<i32>} : memref<128x64xf32, #tpu.memory_space<vmem>>, vector<1x16xf32>,
      %swap3A_86 = vector.shape_cast %swap3A_85 : vector<1x16xf32> to vector<16xf32>
      %swap3A_87 = vector.shape_cast %broadcast_in_dim3A_82 : vector<16xf32> to vector<1x16xf32>
      tpu.vector_store %arg11[%swap3A_83, %swap3A_84], %swap3A_87 {strides = array<i32>} : memref<128x64xf32, #tpu.memory_space<vmem>>, vector<1x16xf32>,
      %broadcast_in_dim3A_88 = arith.constant 1.000000e+00 : f32
      %broadcast_in_dim3A_89 = vector.broadcast %broadcast_in_dim3A_88 : f32 to vector<16xf32>
      %swap3A_90 = arith.index_cast %scan3A_61 : i32 to index
      %swap3A_91 = arith.constant 0 : index
      %swap3A_92 = tpu.vector_load %arg15[%swap3A_90, %swap3A_91] {strides = array<i32>} : memref<128x16xf32, #tpu.memory_space<vmem>>, vector<1x16xf32>,
      %swap3A_93 = vector.shape_cast %swap3A_92 : vector<1x16xf32> to vector<16xf32>
      %swap3A_94 = vector.shape_cast %broadcast_in_dim3A_89 : vector<16xf32> to vector<1x16xf32>
      tpu.vector_store %arg15[%swap3A_90, %swap3A_91], %swap3A_94 {strides = array<i32>} : memref<128x16xf32, #tpu.memory_space<vmem>>, vector<1x16xf32>,
      %broadcast_in_dim3A_95 = arith.constant 0.000000e+00 : f32
      %broadcast_in_dim3A_96 = vector.broadcast %broadcast_in_dim3A_95 : f32 to vector<16xf32>
      %swap3A_97 = arith.index_cast %scan3A_61 : i32 to index
      %swap3A_98 = arith.constant 0 : index
      %swap3A_99 = tpu.vector_load %arg16[%swap3A_97, %swap3A_98] {strides = array<i32>} : memref<128x16xf32, #tpu.memory_space<vmem>>, vector<1x16xf32>,
      %swap3A_100 = vector.shape_cast %swap3A_99 : vector<1x16xf32> to vector<16xf32>
      %swap3A_101 = vector.shape_cast %broadcast_in_dim3A_96 : vector<16xf32> to vector<1x16xf32>
      tpu.vector_store %arg16[%swap3A_97, %swap3A_98], %swap3A_101 {strides = array<i32>} : memref<128x16xf32, #tpu.memory_space<vmem>>, vector<1x16xf32>,
    }
    %scan3A_14 = arith.constant 128 : i32
    %mul3A_15 = arith.constant 640 : i32
    %mul3A_16 = arith.muli %arg1, %mul3A_15 : i32
    %add3A = arith.constant 0 : i32
    %add3A_17 = arith.addi %mul3A_16, %add3A : i32
    "tpu.region"() ({
      %run_scoped3A = tpu.sem_alloc : memref<!tpu.dma_semaphore, #tpu.memory_space<semaphore_mem>>
      %dma_start3A_61 = arith.constant 0 : i32
      %dma_start3A_62 = tpu.memref_slice %arg17[%add3A_17, %dma_start3A_61] : memref<10240x64xf32, #tpu.memory_space<vmem_shared>> -> memref<128x64xf32, #tpu.memory_space<vmem_shared>>
      %dma_start3A_63 = arith.constant 0 : i32
      %dma_start3A_64 = tpu.memref_slice %arg17[%add3A_17, %dma_start3A_63] : memref<10240x64xf32, #tpu.memory_space<vmem_shared>> -> memref<128x64xf32, #tpu.memory_space<vmem_shared>>
      tpu.enqueue_dma source(%arg11 : memref<128x64xf32, #tpu.memory_space<vmem>>) target(%dma_start3A_64 : memref<128x64xf32, #tpu.memory_space<vmem_shared>>) target_semaphore(%run_scoped3A : memref<!tpu.dma_semaphore, #tpu.memory_space<semaphore_mem>>)
      %dma_wait3A_65 = arith.constant 0 : i32
      %dma_wait3A_66 = tpu.memref_slice %arg17[%add3A_17, %dma_wait3A_65] : memref<10240x64xf32, #tpu.memory_space<vmem_shared>> -> memref<128x64xf32, #tpu.memory_space<vmem_shared>>
      %dma_wait3A_67 = arith.constant 0 : i32
      %dma_wait3A_68 = tpu.memref_slice %arg17[%add3A_17, %dma_wait3A_67] : memref<10240x64xf32, #tpu.memory_space<vmem_shared>> -> memref<128x64xf32, #tpu.memory_space<vmem_shared>>
      tpu.wait_dma2 semaphore(%run_scoped3A : memref<!tpu.dma_semaphore, #tpu.memory_space<semaphore_mem>>) src(%arg11 : memref<128x64xf32, #tpu.memory_space<vmem>>) dst(%dma_wait3A_68 : memref<128x64xf32, #tpu.memory_space<vmem_shared>>)
      tpu.yield
    }) : () -> ()
    %add3A_18 = arith.constant 0 : i32
    %add3A_19 = arith.addi %mul3A_16, %add3A_18 : i32
    "tpu.region"() ({
      %run_scoped3A = tpu.sem_alloc : memref<!tpu.dma_semaphore, #tpu.memory_space<semaphore_mem>>
      %dma_start3A_61 = arith.constant 0 : i32
      %dma_start3A_62 = tpu.memref_slice %arg18[%add3A_19, %dma_start3A_61] : memref<10240x16xf32, #tpu.memory_space<vmem_shared>> -> memref<128x16xf32, #tpu.memory_space<vmem_shared>>
      %dma_start3A_63 = arith.constant 0 : i32
      %dma_start3A_64 = tpu.memref_slice %arg18[%add3A_19, %dma_start3A_63] : memref<10240x16xf32, #tpu.memory_space<vmem_shared>> -> memref<128x16xf32, #tpu.memory_space<vmem_shared>>
      tpu.enqueue_dma source(%arg16 : memref<128x16xf32, #tpu.memory_space<vmem>>) target(%dma_start3A_64 : memref<128x16xf32, #tpu.memory_space<vmem_shared>>) target_semaphore(%run_scoped3A : memref<!tpu.dma_semaphore, #tpu.memory_space<semaphore_mem>>)
      %dma_wait3A_65 = arith.constant 0 : i32
      %dma_wait3A_66 = tpu.memref_slice %arg18[%add3A_19, %dma_wait3A_65] : memref<10240x16xf32, #tpu.memory_space<vmem_shared>> -> memref<128x16xf32, #tpu.memory_space<vmem_shared>>
      %dma_wait3A_67 = arith.constant 0 : i32
      %dma_wait3A_68 = tpu.memref_slice %arg18[%add3A_19, %dma_wait3A_67] : memref<10240x16xf32, #tpu.memory_space<vmem_shared>> -> memref<128x16xf32, #tpu.memory_space<vmem_shared>>
      tpu.wait_dma2 semaphore(%run_scoped3A : memref<!tpu.dma_semaphore, #tpu.memory_space<semaphore_mem>>) src(%arg16 : memref<128x16xf32, #tpu.memory_space<vmem>>) dst(%dma_wait3A_68 : memref<128x16xf32, #tpu.memory_space<vmem_shared>>)
      tpu.yield
    }) : () -> ()
    %add3A_20 = arith.constant 128 : i32
    %add3A_21 = arith.addi %mul3A_16, %add3A_20 : i32
    "tpu.region"() ({
      %run_scoped3A = tpu.sem_alloc : memref<!tpu.dma_semaphore, #tpu.memory_space<semaphore_mem>>
      %dma_start3A_61 = arith.constant 0 : i32
      %dma_start3A_62 = tpu.memref_slice %arg17[%add3A_21, %dma_start3A_61] : memref<10240x64xf32, #tpu.memory_space<vmem_shared>> -> memref<128x64xf32, #tpu.memory_space<vmem_shared>>
      %dma_start3A_63 = arith.constant 0 : i32
      %dma_start3A_64 = tpu.memref_slice %arg17[%add3A_21, %dma_start3A_63] : memref<10240x64xf32, #tpu.memory_space<vmem_shared>> -> memref<128x64xf32, #tpu.memory_space<vmem_shared>>
      tpu.enqueue_dma source(%arg11 : memref<128x64xf32, #tpu.memory_space<vmem>>) target(%dma_start3A_64 : memref<128x64xf32, #tpu.memory_space<vmem_shared>>) target_semaphore(%run_scoped3A : memref<!tpu.dma_semaphore, #tpu.memory_space<semaphore_mem>>)
      %dma_wait3A_65 = arith.constant 0 : i32
      %dma_wait3A_66 = tpu.memref_slice %arg17[%add3A_21, %dma_wait3A_65] : memref<10240x64xf32, #tpu.memory_space<vmem_shared>> -> memref<128x64xf32, #tpu.memory_space<vmem_shared>>
      %dma_wait3A_67 = arith.constant 0 : i32
      %dma_wait3A_68 = tpu.memref_slice %arg17[%add3A_21, %dma_wait3A_67] : memref<10240x64xf32, #tpu.memory_space<vmem_shared>> -> memref<128x64xf32, #tpu.memory_space<vmem_shared>>
      tpu.wait_dma2 semaphore(%run_scoped3A : memref<!tpu.dma_semaphore, #tpu.memory_space<semaphore_mem>>) src(%arg11 : memref<128x64xf32, #tpu.memory_space<vmem>>) dst(%dma_wait3A_68 : memref<128x64xf32, #tpu.memory_space<vmem_shared>>)
      tpu.yield
    }) : () -> ()
    %add3A_22 = arith.constant 128 : i32
    %add3A_23 = arith.addi %mul3A_16, %add3A_22 : i32
    "tpu.region"() ({
      %run_scoped3A = tpu.sem_alloc : memref<!tpu.dma_semaphore, #tpu.memory_space<semaphore_mem>>
      %dma_start3A_61 = arith.constant 0 : i32
      %dma_start3A_62 = tpu.memref_slice %arg18[%add3A_23, %dma_start3A_61] : memref<10240x16xf32, #tpu.memory_space<vmem_shared>> -> memref<128x16xf32, #tpu.memory_space<vmem_shared>>
      %dma_start3A_63 = arith.constant 0 : i32
      %dma_start3A_64 = tpu.memref_slice %arg18[%add3A_23, %dma_start3A_63] : memref<10240x16xf32, #tpu.memory_space<vmem_shared>> -> memref<128x16xf32, #tpu.memory_space<vmem_shared>>
      tpu.enqueue_dma source(%arg16 : memref<128x16xf32, #tpu.memory_space<vmem>>) target(%dma_start3A_64 : memref<128x16xf32, #tpu.memory_space<vmem_shared>>) target_semaphore(%run_scoped3A : memref<!tpu.dma_semaphore, #tpu.memory_space<semaphore_mem>>)
      %dma_wait3A_65 = arith.constant 0 : i32
      %dma_wait3A_66 = tpu.memref_slice %arg18[%add3A_23, %dma_wait3A_65] : memref<10240x16xf32, #tpu.memory_space<vmem_shared>> -> memref<128x16xf32, #tpu.memory_space<vmem_shared>>
      %dma_wait3A_67 = arith.constant 0 : i32
      %dma_wait3A_68 = tpu.memref_slice %arg18[%add3A_23, %dma_wait3A_67] : memref<10240x16xf32, #tpu.memory_space<vmem_shared>> -> memref<128x16xf32, #tpu.memory_space<vmem_shared>>
      tpu.wait_dma2 semaphore(%run_scoped3A : memref<!tpu.dma_semaphore, #tpu.memory_space<semaphore_mem>>) src(%arg16 : memref<128x16xf32, #tpu.memory_space<vmem>>) dst(%dma_wait3A_68 : memref<128x16xf32, #tpu.memory_space<vmem_shared>>)
      tpu.yield
    }) : () -> ()
    %add3A_24 = arith.constant 256 : i32
    %add3A_25 = arith.addi %mul3A_16, %add3A_24 : i32
    "tpu.region"() ({
      %run_scoped3A = tpu.sem_alloc : memref<!tpu.dma_semaphore, #tpu.memory_space<semaphore_mem>>
      %dma_start3A_61 = arith.constant 0 : i32
      %dma_start3A_62 = tpu.memref_slice %arg17[%add3A_25, %dma_start3A_61] : memref<10240x64xf32, #tpu.memory_space<vmem_shared>> -> memref<128x64xf32, #tpu.memory_space<vmem_shared>>
      %dma_start3A_63 = arith.constant 0 : i32
      %dma_start3A_64 = tpu.memref_slice %arg17[%add3A_25, %dma_start3A_63] : memref<10240x64xf32, #tpu.memory_space<vmem_shared>> -> memref<128x64xf32, #tpu.memory_space<vmem_shared>>
      tpu.enqueue_dma source(%arg11 : memref<128x64xf32, #tpu.memory_space<vmem>>) target(%dma_start3A_64 : memref<128x64xf32, #tpu.memory_space<vmem_shared>>) target_semaphore(%run_scoped3A : memref<!tpu.dma_semaphore, #tpu.memory_space<semaphore_mem>>)
      %dma_wait3A_65 = arith.constant 0 : i32
      %dma_wait3A_66 = tpu.memref_slice %arg17[%add3A_25, %dma_wait3A_65] : memref<10240x64xf32, #tpu.memory_space<vmem_shared>> -> memref<128x64xf32, #tpu.memory_space<vmem_shared>>
      %dma_wait3A_67 = arith.constant 0 : i32
      %dma_wait3A_68 = tpu.memref_slice %arg17[%add3A_25, %dma_wait3A_67] : memref<10240x64xf32, #tpu.memory_space<vmem_shared>> -> memref<128x64xf32, #tpu.memory_space<vmem_shared>>
      tpu.wait_dma2 semaphore(%run_scoped3A : memref<!tpu.dma_semaphore, #tpu.memory_space<semaphore_mem>>) src(%arg11 : memref<128x64xf32, #tpu.memory_space<vmem>>) dst(%dma_wait3A_68 : memref<128x64xf32, #tpu.memory_space<vmem_shared>>)
      tpu.yield
    }) : () -> ()
    %add3A_26 = arith.constant 256 : i32
    %add3A_27 = arith.addi %mul3A_16, %add3A_26 : i32
    "tpu.region"() ({
      %run_scoped3A = tpu.sem_alloc : memref<!tpu.dma_semaphore, #tpu.memory_space<semaphore_mem>>
      %dma_start3A_61 = arith.constant 0 : i32
      %dma_start3A_62 = tpu.memref_slice %arg18[%add3A_27, %dma_start3A_61] : memref<10240x16xf32, #tpu.memory_space<vmem_shared>> -> memref<128x16xf32, #tpu.memory_space<vmem_shared>>
      %dma_start3A_63 = arith.constant 0 : i32
      %dma_start3A_64 = tpu.memref_slice %arg18[%add3A_27, %dma_start3A_63] : memref<10240x16xf32, #tpu.memory_space<vmem_shared>> -> memref<128x16xf32, #tpu.memory_space<vmem_shared>>
      tpu.enqueue_dma source(%arg16 : memref<128x16xf32, #tpu.memory_space<vmem>>) target(%dma_start3A_64 : memref<128x16xf32, #tpu.memory_space<vmem_shared>>) target_semaphore(%run_scoped3A : memref<!tpu.dma_semaphore, #tpu.memory_space<semaphore_mem>>)
      %dma_wait3A_65 = arith.constant 0 : i32
      %dma_wait3A_66 = tpu.memref_slice %arg18[%add3A_27, %dma_wait3A_65] : memref<10240x16xf32, #tpu.memory_space<vmem_shared>> -> memref<128x16xf32, #tpu.memory_space<vmem_shared>>
      %dma_wait3A_67 = arith.constant 0 : i32
      %dma_wait3A_68 = tpu.memref_slice %arg18[%add3A_27, %dma_wait3A_67] : memref<10240x16xf32, #tpu.memory_space<vmem_shared>> -> memref<128x16xf32, #tpu.memory_space<vmem_shared>>
      tpu.wait_dma2 semaphore(%run_scoped3A : memref<!tpu.dma_semaphore, #tpu.memory_space<semaphore_mem>>) src(%arg16 : memref<128x16xf32, #tpu.memory_space<vmem>>) dst(%dma_wait3A_68 : memref<128x16xf32, #tpu.memory_space<vmem_shared>>)
      tpu.yield
    }) : () -> ()
    %add3A_28 = arith.constant 384 : i32
    %add3A_29 = arith.addi %mul3A_16, %add3A_28 : i32
    "tpu.region"() ({
      %run_scoped3A = tpu.sem_alloc : memref<!tpu.dma_semaphore, #tpu.memory_space<semaphore_mem>>
      %dma_start3A_61 = arith.constant 0 : i32
      %dma_start3A_62 = tpu.memref_slice %arg17[%add3A_29, %dma_start3A_61] : memref<10240x64xf32, #tpu.memory_space<vmem_shared>> -> memref<128x64xf32, #tpu.memory_space<vmem_shared>>
      %dma_start3A_63 = arith.constant 0 : i32
      %dma_start3A_64 = tpu.memref_slice %arg17[%add3A_29, %dma_start3A_63] : memref<10240x64xf32, #tpu.memory_space<vmem_shared>> -> memref<128x64xf32, #tpu.memory_space<vmem_shared>>
      tpu.enqueue_dma source(%arg11 : memref<128x64xf32, #tpu.memory_space<vmem>>) target(%dma_start3A_64 : memref<128x64xf32, #tpu.memory_space<vmem_shared>>) target_semaphore(%run_scoped3A : memref<!tpu.dma_semaphore, #tpu.memory_space<semaphore_mem>>)
      %dma_wait3A_65 = arith.constant 0 : i32
      %dma_wait3A_66 = tpu.memref_slice %arg17[%add3A_29, %dma_wait3A_65] : memref<10240x64xf32, #tpu.memory_space<vmem_shared>> -> memref<128x64xf32, #tpu.memory_space<vmem_shared>>
      %dma_wait3A_67 = arith.constant 0 : i32
      %dma_wait3A_68 = tpu.memref_slice %arg17[%add3A_29, %dma_wait3A_67] : memref<10240x64xf32, #tpu.memory_space<vmem_shared>> -> memref<128x64xf32, #tpu.memory_space<vmem_shared>>
      tpu.wait_dma2 semaphore(%run_scoped3A : memref<!tpu.dma_semaphore, #tpu.memory_space<semaphore_mem>>) src(%arg11 : memref<128x64xf32, #tpu.memory_space<vmem>>) dst(%dma_wait3A_68 : memref<128x64xf32, #tpu.memory_space<vmem_shared>>)
      tpu.yield
    }) : () -> ()
    %add3A_30 = arith.constant 384 : i32
    %add3A_31 = arith.addi %mul3A_16, %add3A_30 : i32
    "tpu.region"() ({
      %run_scoped3A = tpu.sem_alloc : memref<!tpu.dma_semaphore, #tpu.memory_space<semaphore_mem>>
      %dma_start3A_61 = arith.constant 0 : i32
      %dma_start3A_62 = tpu.memref_slice %arg18[%add3A_31, %dma_start3A_61] : memref<10240x16xf32, #tpu.memory_space<vmem_shared>> -> memref<128x16xf32, #tpu.memory_space<vmem_shared>>
      %dma_start3A_63 = arith.constant 0 : i32
      %dma_start3A_64 = tpu.memref_slice %arg18[%add3A_31, %dma_start3A_63] : memref<10240x16xf32, #tpu.memory_space<vmem_shared>> -> memref<128x16xf32, #tpu.memory_space<vmem_shared>>
      tpu.enqueue_dma source(%arg16 : memref<128x16xf32, #tpu.memory_space<vmem>>) target(%dma_start3A_64 : memref<128x16xf32, #tpu.memory_space<vmem_shared>>) target_semaphore(%run_scoped3A : memref<!tpu.dma_semaphore, #tpu.memory_space<semaphore_mem>>)
      %dma_wait3A_65 = arith.constant 0 : i32
      %dma_wait3A_66 = tpu.memref_slice %arg18[%add3A_31, %dma_wait3A_65] : memref<10240x16xf32, #tpu.memory_space<vmem_shared>> -> memref<128x16xf32, #tpu.memory_space<vmem_shared>>
      %dma_wait3A_67 = arith.constant 0 : i32
      %dma_wait3A_68 = tpu.memref_slice %arg18[%add3A_31, %dma_wait3A_67] : memref<10240x16xf32, #tpu.memory_space<vmem_shared>> -> memref<128x16xf32, #tpu.memory_space<vmem_shared>>
      tpu.wait_dma2 semaphore(%run_scoped3A : memref<!tpu.dma_semaphore, #tpu.memory_space<semaphore_mem>>) src(%arg16 : memref<128x16xf32, #tpu.memory_space<vmem>>) dst(%dma_wait3A_68 : memref<128x16xf32, #tpu.memory_space<vmem_shared>>)
      tpu.yield
    }) : () -> ()
    %add3A_32 = arith.constant 512 : i32
    %add3A_33 = arith.addi %mul3A_16, %add3A_32 : i32
    "tpu.region"() ({
      %run_scoped3A = tpu.sem_alloc : memref<!tpu.dma_semaphore, #tpu.memory_space<semaphore_mem>>
      %dma_start3A_61 = arith.constant 0 : i32
      %dma_start3A_62 = tpu.memref_slice %arg17[%add3A_33, %dma_start3A_61] : memref<10240x64xf32, #tpu.memory_space<vmem_shared>> -> memref<128x64xf32, #tpu.memory_space<vmem_shared>>
      %dma_start3A_63 = arith.constant 0 : i32
      %dma_start3A_64 = tpu.memref_slice %arg17[%add3A_33, %dma_start3A_63] : memref<10240x64xf32, #tpu.memory_space<vmem_shared>> -> memref<128x64xf32, #tpu.memory_space<vmem_shared>>
      tpu.enqueue_dma source(%arg11 : memref<128x64xf32, #tpu.memory_space<vmem>>) target(%dma_start3A_64 : memref<128x64xf32, #tpu.memory_space<vmem_shared>>) target_semaphore(%run_scoped3A : memref<!tpu.dma_semaphore, #tpu.memory_space<semaphore_mem>>)
      %dma_wait3A_65 = arith.constant 0 : i32
      %dma_wait3A_66 = tpu.memref_slice %arg17[%add3A_33, %dma_wait3A_65] : memref<10240x64xf32, #tpu.memory_space<vmem_shared>> -> memref<128x64xf32, #tpu.memory_space<vmem_shared>>
      %dma_wait3A_67 = arith.constant 0 : i32
      %dma_wait3A_68 = tpu.memref_slice %arg17[%add3A_33, %dma_wait3A_67] : memref<10240x64xf32, #tpu.memory_space<vmem_shared>> -> memref<128x64xf32, #tpu.memory_space<vmem_shared>>
      tpu.wait_dma2 semaphore(%run_scoped3A : memref<!tpu.dma_semaphore, #tpu.memory_space<semaphore_mem>>) src(%arg11 : memref<128x64xf32, #tpu.memory_space<vmem>>) dst(%dma_wait3A_68 : memref<128x64xf32, #tpu.memory_space<vmem_shared>>)
      tpu.yield
    }) : () -> ()
    %add3A_34 = arith.constant 512 : i32
    %add3A_35 = arith.addi %mul3A_16, %add3A_34 : i32
    "tpu.region"() ({
      %run_scoped3A = tpu.sem_alloc : memref<!tpu.dma_semaphore, #tpu.memory_space<semaphore_mem>>
      %dma_start3A_61 = arith.constant 0 : i32
      %dma_start3A_62 = tpu.memref_slice %arg18[%add3A_35, %dma_start3A_61] : memref<10240x16xf32, #tpu.memory_space<vmem_shared>> -> memref<128x16xf32, #tpu.memory_space<vmem_shared>>
      %dma_start3A_63 = arith.constant 0 : i32
      %dma_start3A_64 = tpu.memref_slice %arg18[%add3A_35, %dma_start3A_63] : memref<10240x16xf32, #tpu.memory_space<vmem_shared>> -> memref<128x16xf32, #tpu.memory_space<vmem_shared>>
      tpu.enqueue_dma source(%arg16 : memref<128x16xf32, #tpu.memory_space<vmem>>) target(%dma_start3A_64 : memref<128x16xf32, #tpu.memory_space<vmem_shared>>) target_semaphore(%run_scoped3A : memref<!tpu.dma_semaphore, #tpu.memory_space<semaphore_mem>>)
      %dma_wait3A_65 = arith.constant 0 : i32
      %dma_wait3A_66 = tpu.memref_slice %arg18[%add3A_35, %dma_wait3A_65] : memref<10240x16xf32, #tpu.memory_space<vmem_shared>> -> memref<128x16xf32, #tpu.memory_space<vmem_shared>>
      %dma_wait3A_67 = arith.constant 0 : i32
      %dma_wait3A_68 = tpu.memref_slice %arg18[%add3A_35, %dma_wait3A_67] : memref<10240x16xf32, #tpu.memory_space<vmem_shared>> -> memref<128x16xf32, #tpu.memory_space<vmem_shared>>
      tpu.wait_dma2 semaphore(%run_scoped3A : memref<!tpu.dma_semaphore, #tpu.memory_space<semaphore_mem>>) src(%arg16 : memref<128x16xf32, #tpu.memory_space<vmem>>) dst(%dma_wait3A_68 : memref<128x16xf32, #tpu.memory_space<vmem_shared>>)
      tpu.yield
    }) : () -> ()
    %barrier3A = arith.constant 0 : index
    tpu.barrier barrier_id(%barrier3A)
    %dma_wait3A = arith.constant 0 : i32
    %dma_wait3A_36 = tpu.memref_slice %arg4[%mul3A_0, %dma_wait3A] : memref<2528x128xi32, #tpu.memory_space<hbm>> -> memref<158x128xi32, #tpu.memory_space<hbm>>
    %dma_wait3A_37 = arith.constant 0 : i32
    %dma_wait3A_38 = tpu.memref_slice %arg4[%mul3A_0, %dma_wait3A_37] : memref<2528x128xi32, #tpu.memory_space<hbm>> -> memref<158x128xi32, #tpu.memory_space<hbm>>
    tpu.wait_dma2 semaphore(%arg10 : memref<!tpu.dma_semaphore, #tpu.memory_space<semaphore_mem>>) src(%dma_wait3A_38 : memref<158x128xi32, #tpu.memory_space<hbm>>) dst(%arg8 : memref<158x128xi32, #tpu.memory_space<vmem>>)
    %dma_wait3A_39 = arith.constant 0 : i32
    %dma_wait3A_40 = tpu.memref_slice %arg5[%mul3A_2, %dma_wait3A_39] : memref<2528x128xi32, #tpu.memory_space<hbm>> -> memref<158x128xi32, #tpu.memory_space<hbm>>
    %dma_wait3A_41 = arith.constant 0 : i32
    %dma_wait3A_42 = tpu.memref_slice %arg5[%mul3A_2, %dma_wait3A_41] : memref<2528x128xi32, #tpu.memory_space<hbm>> -> memref<158x128xi32, #tpu.memory_space<hbm>>
    tpu.wait_dma2 semaphore(%arg10 : memref<!tpu.dma_semaphore, #tpu.memory_space<semaphore_mem>>) src(%dma_wait3A_42 : memref<158x128xi32, #tpu.memory_space<hbm>>) dst(%arg9 : memref<158x128xi32, #tpu.memory_space<vmem>>)
    %eq3A = arith.constant 0 : i32
    %eq3A_43 = arith.cmpi eq, %arg0, %eq3A : i32
    %convert_element_type3A = arith.extui %eq3A_43 : i1 to i32
    %cond3A = arith.constant 0 : i32
    %cond3A_44 = arith.cmpi ne, %convert_element_type3A, %cond3A : i32
    scf.if %cond3A_44 {
      %dma_start3A_61 = arith.constant 0 : i32
      %dma_start3A_62 = arith.constant 0 : i32
      %dma_start3A_63 = tpu.memref_slice %arg8[%dma_start3A_61, %dma_start3A_62] : memref<158x128xi32, #tpu.memory_space<vmem>> -> memref<1x128xi32, #tpu.memory_space<vmem>>
      %dma_start3A_64 = tpu.memref_squeeze %dma_start3A_63 : memref<1x128xi32, #tpu.memory_space<vmem>> -> memref<128xi32, #tpu.memory_space<vmem>>
      %dma_start3A_65 = arith.constant 0 : i32
      %dma_start3A_66 = arith.constant 0 : i32
      %dma_start3A_67 = tpu.memref_slice %arg2[%dma_start3A_65, %dma_start3A_66] : memref<10240x64xf32, #tpu.memory_space<hbm>> -> memref<10240x64xf32, #tpu.memory_space<hbm>>
      tpu.enqueue_indirect_dma source(%dma_start3A_67 : memref<10240x64xf32, #tpu.memory_space<hbm>>) target(%arg11 : memref<128x64xf32, #tpu.memory_space<vmem>>) offsets(%dma_start3A_64 : memref<128xi32, #tpu.memory_space<vmem>>) semaphore(%arg19 : memref<!tpu.dma_semaphore, #tpu.memory_space<semaphore_mem>>)
      %dma_start3A_68 = arith.constant 1 : i32
      %dma_start3A_69 = arith.constant 0 : i32
      %dma_start3A_70 = tpu.memref_slice %arg8[%dma_start3A_68, %dma_start3A_69] : memref<158x128xi32, #tpu.memory_space<vmem>> -> memref<1x128xi32, #tpu.memory_space<vmem>>
      %dma_start3A_71 = tpu.memref_squeeze %dma_start3A_70 : memref<1x128xi32, #tpu.memory_space<vmem>> -> memref<128xi32, #tpu.memory_space<vmem>>
      %dma_start3A_72 = arith.constant 0 : i32
      %dma_start3A_73 = arith.constant 0 : i32
      %dma_start3A_74 = tpu.memref_slice %arg2[%dma_start3A_72, %dma_start3A_73] : memref<10240x64xf32, #tpu.memory_space<hbm>> -> memref<10240x64xf32, #tpu.memory_space<hbm>>
      tpu.enqueue_indirect_dma source(%dma_start3A_74 : memref<10240x64xf32, #tpu.memory_space<hbm>>) target(%arg12 : memref<128x64xf32, #tpu.memory_space<vmem>>) offsets(%dma_start3A_71 : memref<128xi32, #tpu.memory_space<vmem>>) semaphore(%arg20 : memref<!tpu.dma_semaphore, #tpu.memory_space<semaphore_mem>>)
      %scan3A_75 = arith.constant 0 : i32
      %scan3A_76 = arith.constant 0 : i32
      %scan3A_77 = arith.constant 40 : i32
      %scan3A_78 = arith.addi %scan3A_76, %scan3A_77 : i32
      %scan3A_79 = arith.constant 1 : i32
      scf.for %scan3A_81 = %scan3A_76 to %scan3A_78 step %scan3A_79  : i32 {
        %mul3A_82 = arith.constant 4 : i32
        %mul3A_83 = arith.muli %scan3A_81, %mul3A_82 : i32
        %add3A_84 = arith.constant 0 : i32
        %add3A_85 = arith.addi %mul3A_83, %add3A_84 : i32
        %lt3A = arith.constant 158 : i32
        %lt3A_86 = arith.cmpi slt, %add3A_85, %lt3A : i32
        %convert_element_type3A_87 = arith.extui %lt3A_86 : i1 to i32
        %cond3A_88 = arith.constant 0 : i32
        %cond3A_89 = arith.cmpi ne, %convert_element_type3A_87, %cond3A_88 : i32
        scf.if %cond3A_89 {
          %dma_wait3A_111 = arith.constant 0 : i32
          %dma_wait3A_112 = tpu.memref_slice %arg8[%add3A_85, %dma_wait3A_111] : memref<158x128xi32, #tpu.memory_space<vmem>> -> memref<1x128xi32, #tpu.memory_space<vmem>>
          %dma_wait3A_113 = tpu.memref_squeeze %dma_wait3A_112 : memref<1x128xi32, #tpu.memory_space<vmem>> -> memref<128xi32, #tpu.memory_space<vmem>>
          %dma_wait3A_114 = arith.constant 0 : i32
          %dma_wait3A_115 = arith.constant 0 : i32
          %dma_wait3A_116 = tpu.memref_slice %arg2[%dma_wait3A_114, %dma_wait3A_115] : memref<10240x64xf32, #tpu.memory_space<hbm>> -> memref<10240x64xf32, #tpu.memory_space<hbm>>
          tpu.wait_indirect_dma semaphore(%arg19 : memref<!tpu.dma_semaphore, #tpu.memory_space<semaphore_mem>>) src(%dma_wait3A_116 : memref<10240x64xf32, #tpu.memory_space<hbm>>) dst(%arg11 : memref<128x64xf32, #tpu.memory_space<vmem>>)
          "tpu.region"() ({
            %run_scoped3A = tpu.sem_alloc : memref<!tpu.dma_semaphore, #tpu.memory_space<semaphore_mem>>
            %dma_start3A_140 = arith.constant 0 : i32
            %dma_start3A_141 = tpu.memref_slice %arg9[%add3A_85, %dma_start3A_140] : memref<158x128xi32, #tpu.memory_space<vmem>> -> memref<1x128xi32, #tpu.memory_space<vmem>>
            %dma_start3A_142 = tpu.memref_squeeze %dma_start3A_141 : memref<1x128xi32, #tpu.memory_space<vmem>> -> memref<128xi32, #tpu.memory_space<vmem>>
            %dma_start3A_143 = arith.constant 0 : i32
            %dma_start3A_144 = arith.constant 0 : i32
            %dma_start3A_145 = tpu.memref_slice %arg17[%dma_start3A_143, %dma_start3A_144] : memref<10240x64xf32, #tpu.memory_space<vmem_shared>> -> memref<10240x64xf32, #tpu.memory_space<vmem_shared>>
            tpu.enqueue_indirect_dma source(%arg11 : memref<128x64xf32, #tpu.memory_space<vmem>>) target(%dma_start3A_145 : memref<10240x64xf32, #tpu.memory_space<vmem_shared>>) offsets(%dma_start3A_142 : memref<128xi32, #tpu.memory_space<vmem>>) semaphore(%run_scoped3A : memref<!tpu.dma_semaphore, #tpu.memory_space<semaphore_mem>>) {add = true}
            %dma_wait3A_146 = arith.constant 0 : i32
            %dma_wait3A_147 = tpu.memref_slice %arg9[%add3A_85, %dma_wait3A_146] : memref<158x128xi32, #tpu.memory_space<vmem>> -> memref<1x128xi32, #tpu.memory_space<vmem>>
            %dma_wait3A_148 = tpu.memref_squeeze %dma_wait3A_147 : memref<1x128xi32, #tpu.memory_space<vmem>> -> memref<128xi32, #tpu.memory_space<vmem>>
            %dma_wait3A_149 = arith.constant 0 : i32
            %dma_wait3A_150 = arith.constant 0 : i32
            %dma_wait3A_151 = tpu.memref_slice %arg17[%dma_wait3A_149, %dma_wait3A_150] : memref<10240x64xf32, #tpu.memory_space<vmem_shared>> -> memref<10240x64xf32, #tpu.memory_space<vmem_shared>>
            tpu.wait_indirect_dma semaphore(%run_scoped3A : memref<!tpu.dma_semaphore, #tpu.memory_space<semaphore_mem>>) src(%arg11 : memref<128x64xf32, #tpu.memory_space<vmem>>) dst(%dma_wait3A_151 : memref<10240x64xf32, #tpu.memory_space<vmem_shared>>)
            tpu.yield
          }) : () -> ()
          %jit3A = arith.constant 2 : i32
          %eq3A_117 = arith.constant 0 : i32
          %eq3A_118 = arith.cmpi eq, %jit3A, %eq3A_117 : i32
          %jit3A_119 = arith.constant 1 : i32
          %select_n3A = arith.select %eq3A_118, %jit3A_119, %jit3A : i32
          %rem3A = arith.remsi %add3A_85, %select_n3A : i32
          %ne3A = arith.constant 0 : i32
          %ne3A_120 = arith.cmpi ne, %rem3A, %ne3A : i32
          %lt3A_121 = arith.constant 0 : i32
          %lt3A_122 = arith.cmpi slt, %rem3A, %lt3A_121 : i32
          %lt3A_123 = arith.constant 0 : i32
          %lt3A_124 = arith.cmpi slt, %select_n3A, %lt3A_123 : i32
          %ne3A_125 = arith.xori %lt3A_122, %lt3A_124 : i1
          %and3A = arith.andi %ne3A_125, %ne3A_120 : i1
          %add3A_126 = arith.addi %rem3A, %select_n3A : i32
          %select_n3A_127 = arith.select %and3A, %add3A_126, %rem3A : i32
          %eq3A_128 = arith.constant 0 : i32
          %eq3A_129 = arith.cmpi eq, %select_n3A_127, %eq3A_128 : i32
          %convert_element_type3A_130 = arith.extui %eq3A_129 : i1 to i32
          %cond3A_131 = arith.constant 0 : i32
          %cond3A_132 = arith.cmpi ne, %convert_element_type3A_130, %cond3A_131 : i32
          scf.if %cond3A_132 {
            "tpu.region"() ({
              %run_scoped3A = tpu.sem_alloc : memref<!tpu.dma_semaphore, #tpu.memory_space<semaphore_mem>>
              %dma_start3A_140 = arith.constant 0 : i32
              %dma_start3A_141 = tpu.memref_slice %arg9[%add3A_85, %dma_start3A_140] : memref<158x128xi32, #tpu.memory_space<vmem>> -> memref<1x128xi32, #tpu.memory_space<vmem>>
              %dma_start3A_142 = tpu.memref_squeeze %dma_start3A_141 : memref<1x128xi32, #tpu.memory_space<vmem>> -> memref<128xi32, #tpu.memory_space<vmem>>
              %dma_start3A_143 = arith.constant 0 : i32
              %dma_start3A_144 = arith.constant 0 : i32
              %dma_start3A_145 = tpu.memref_slice %arg18[%dma_start3A_143, %dma_start3A_144] : memref<10240x16xf32, #tpu.memory_space<vmem_shared>> -> memref<10240x16xf32, #tpu.memory_space<vmem_shared>>
              tpu.enqueue_indirect_dma source(%arg15 : memref<128x16xf32, #tpu.memory_space<vmem>>) target(%dma_start3A_145 : memref<10240x16xf32, #tpu.memory_space<vmem_shared>>) offsets(%dma_start3A_142 : memref<128xi32, #tpu.memory_space<vmem>>) semaphore(%run_scoped3A : memref<!tpu.dma_semaphore, #tpu.memory_space<semaphore_mem>>) {add = true}
              %dma_wait3A_146 = arith.constant 0 : i32
              %dma_wait3A_147 = tpu.memref_slice %arg9[%add3A_85, %dma_wait3A_146] : memref<158x128xi32, #tpu.memory_space<vmem>> -> memref<1x128xi32, #tpu.memory_space<vmem>>
              %dma_wait3A_148 = tpu.memref_squeeze %dma_wait3A_147 : memref<1x128xi32, #tpu.memory_space<vmem>> -> memref<128xi32, #tpu.memory_space<vmem>>
              %dma_wait3A_149 = arith.constant 0 : i32
              %dma_wait3A_150 = arith.constant 0 : i32
              %dma_wait3A_151 = tpu.memref_slice %arg18[%dma_wait3A_149, %dma_wait3A_150] : memref<10240x16xf32, #tpu.memory_space<vmem_shared>> -> memref<10240x16xf32, #tpu.memory_space<vmem_shared>>
              tpu.wait_indirect_dma semaphore(%run_scoped3A : memref<!tpu.dma_semaphore, #tpu.memory_space<semaphore_mem>>) src(%arg15 : memref<128x16xf32, #tpu.memory_space<vmem>>) dst(%dma_wait3A_151 : memref<10240x16xf32, #tpu.memory_space<vmem_shared>>)
              tpu.yield
            }) : () -> ()
          } else {
          }
          %add3A_133 = arith.constant 2 : i32
          %add3A_134 = arith.addi %add3A_85, %add3A_133 : i32
          %lt3A_135 = arith.constant 158 : i32
          %lt3A_136 = arith.cmpi slt, %add3A_134, %lt3A_135 : i32
          %convert_element_type3A_137 = arith.extui %lt3A_136 : i1 to i32
          %cond3A_138 = arith.constant 0 : i32
          %cond3A_139 = arith.cmpi ne, %convert_element_type3A_137, %cond3A_138 : i32
          scf.if %cond3A_139 {
            %add3A_140 = arith.constant 2 : i32
            %add3A_141 = arith.addi %add3A_85, %add3A_140 : i32
            %dma_start3A_142 = arith.constant 0 : i32
            %dma_start3A_143 = tpu.memref_slice %arg8[%add3A_141, %dma_start3A_142] : memref<158x128xi32, #tpu.memory_space<vmem>> -> memref<1x128xi32, #tpu.memory_space<vmem>>
            %dma_start3A_144 = tpu.memref_squeeze %dma_start3A_143 : memref<1x128xi32, #tpu.memory_space<vmem>> -> memref<128xi32, #tpu.memory_space<vmem>>
            %dma_start3A_145 = arith.constant 0 : i32
            %dma_start3A_146 = arith.constant 0 : i32
            %dma_start3A_147 = tpu.memref_slice %arg2[%dma_start3A_145, %dma_start3A_146] : memref<10240x64xf32, #tpu.memory_space<hbm>> -> memref<10240x64xf32, #tpu.memory_space<hbm>>
            tpu.enqueue_indirect_dma source(%dma_start3A_147 : memref<10240x64xf32, #tpu.memory_space<hbm>>) target(%arg13 : memref<128x64xf32, #tpu.memory_space<vmem>>) offsets(%dma_start3A_144 : memref<128xi32, #tpu.memory_space<vmem>>) semaphore(%arg21 : memref<!tpu.dma_semaphore, #tpu.memory_space<semaphore_mem>>)
          } else {
          }
        } else {
        }
        %add3A_90 = arith.constant 1 : i32
        %add3A_91 = arith.addi %mul3A_83, %add3A_90 : i32
        %lt3A_92 = arith.constant 158 : i32
        %lt3A_93 = arith.cmpi slt, %add3A_91, %lt3A_92 : i32
        %convert_element_type3A_94 = arith.extui %lt3A_93 : i1 to i32
        %cond3A_95 = arith.constant 0 : i32
        %cond3A_96 = arith.cmpi ne, %convert_element_type3A_94, %cond3A_95 : i32
        scf.if %cond3A_96 {
          %dma_wait3A_111 = arith.constant 0 : i32
          %dma_wait3A_112 = tpu.memref_slice %arg8[%add3A_91, %dma_wait3A_111] : memref<158x128xi32, #tpu.memory_space<vmem>> -> memref<1x128xi32, #tpu.memory_space<vmem>>
          %dma_wait3A_113 = tpu.memref_squeeze %dma_wait3A_112 : memref<1x128xi32, #tpu.memory_space<vmem>> -> memref<128xi32, #tpu.memory_space<vmem>>
          %dma_wait3A_114 = arith.constant 0 : i32
          %dma_wait3A_115 = arith.constant 0 : i32
          %dma_wait3A_116 = tpu.memref_slice %arg2[%dma_wait3A_114, %dma_wait3A_115] : memref<10240x64xf32, #tpu.memory_space<hbm>> -> memref<10240x64xf32, #tpu.memory_space<hbm>>
          tpu.wait_indirect_dma semaphore(%arg20 : memref<!tpu.dma_semaphore, #tpu.memory_space<semaphore_mem>>) src(%dma_wait3A_116 : memref<10240x64xf32, #tpu.memory_space<hbm>>) dst(%arg12 : memref<128x64xf32, #tpu.memory_space<vmem>>)
          "tpu.region"() ({
            %run_scoped3A = tpu.sem_alloc : memref<!tpu.dma_semaphore, #tpu.memory_space<semaphore_mem>>
            %dma_start3A_140 = arith.constant 0 : i32
            %dma_start3A_141 = tpu.memref_slice %arg9[%add3A_91, %dma_start3A_140] : memref<158x128xi32, #tpu.memory_space<vmem>> -> memref<1x128xi32, #tpu.memory_space<vmem>>
            %dma_start3A_142 = tpu.memref_squeeze %dma_start3A_141 : memref<1x128xi32, #tpu.memory_space<vmem>> -> memref<128xi32, #tpu.memory_space<vmem>>
            %dma_start3A_143 = arith.constant 0 : i32
            %dma_start3A_144 = arith.constant 0 : i32
            %dma_start3A_145 = tpu.memref_slice %arg17[%dma_start3A_143, %dma_start3A_144] : memref<10240x64xf32, #tpu.memory_space<vmem_shared>> -> memref<10240x64xf32, #tpu.memory_space<vmem_shared>>
            tpu.enqueue_indirect_dma source(%arg12 : memref<128x64xf32, #tpu.memory_space<vmem>>) target(%dma_start3A_145 : memref<10240x64xf32, #tpu.memory_space<vmem_shared>>) offsets(%dma_start3A_142 : memref<128xi32, #tpu.memory_space<vmem>>) semaphore(%run_scoped3A : memref<!tpu.dma_semaphore, #tpu.memory_space<semaphore_mem>>) {add = true}
            %dma_wait3A_146 = arith.constant 0 : i32
            %dma_wait3A_147 = tpu.memref_slice %arg9[%add3A_91, %dma_wait3A_146] : memref<158x128xi32, #tpu.memory_space<vmem>> -> memref<1x128xi32, #tpu.memory_space<vmem>>
            %dma_wait3A_148 = tpu.memref_squeeze %dma_wait3A_147 : memref<1x128xi32, #tpu.memory_space<vmem>> -> memref<128xi32, #tpu.memory_space<vmem>>
            %dma_wait3A_149 = arith.constant 0 : i32
            %dma_wait3A_150 = arith.constant 0 : i32
            %dma_wait3A_151 = tpu.memref_slice %arg17[%dma_wait3A_149, %dma_wait3A_150] : memref<10240x64xf32, #tpu.memory_space<vmem_shared>> -> memref<10240x64xf32, #tpu.memory_space<vmem_shared>>
            tpu.wait_indirect_dma semaphore(%run_scoped3A : memref<!tpu.dma_semaphore, #tpu.memory_space<semaphore_mem>>) src(%arg12 : memref<128x64xf32, #tpu.memory_space<vmem>>) dst(%dma_wait3A_151 : memref<10240x64xf32, #tpu.memory_space<vmem_shared>>)
            tpu.yield
          }) : () -> ()
          %jit3A = arith.constant 2 : i32
          %eq3A_117 = arith.constant 0 : i32
          %eq3A_118 = arith.cmpi eq, %jit3A, %eq3A_117 : i32
          %jit3A_119 = arith.constant 1 : i32
          %select_n3A = arith.select %eq3A_118, %jit3A_119, %jit3A : i32
          %rem3A = arith.remsi %add3A_91, %select_n3A : i32
          %ne3A = arith.constant 0 : i32
          %ne3A_120 = arith.cmpi ne, %rem3A, %ne3A : i32
          %lt3A_121 = arith.constant 0 : i32
          %lt3A_122 = arith.cmpi slt, %rem3A, %lt3A_121 : i32
          %lt3A_123 = arith.constant 0 : i32
          %lt3A_124 = arith.cmpi slt, %select_n3A, %lt3A_123 : i32
          %ne3A_125 = arith.xori %lt3A_122, %lt3A_124 : i1
          %and3A = arith.andi %ne3A_125, %ne3A_120 : i1
          %add3A_126 = arith.addi %rem3A, %select_n3A : i32
          %select_n3A_127 = arith.select %and3A, %add3A_126, %rem3A : i32
          %eq3A_128 = arith.constant 0 : i32
          %eq3A_129 = arith.cmpi eq, %select_n3A_127, %eq3A_128 : i32
          %convert_element_type3A_130 = arith.extui %eq3A_129 : i1 to i32
          %cond3A_131 = arith.constant 0 : i32
          %cond3A_132 = arith.cmpi ne, %convert_element_type3A_130, %cond3A_131 : i32
          scf.if %cond3A_132 {
            "tpu.region"() ({
              %run_scoped3A = tpu.sem_alloc : memref<!tpu.dma_semaphore, #tpu.memory_space<semaphore_mem>>
              %dma_start3A_140 = arith.constant 0 : i32
              %dma_start3A_141 = tpu.memref_slice %arg9[%add3A_91, %dma_start3A_140] : memref<158x128xi32, #tpu.memory_space<vmem>> -> memref<1x128xi32, #tpu.memory_space<vmem>>
              %dma_start3A_142 = tpu.memref_squeeze %dma_start3A_141 : memref<1x128xi32, #tpu.memory_space<vmem>> -> memref<128xi32, #tpu.memory_space<vmem>>
              %dma_start3A_143 = arith.constant 0 : i32
              %dma_start3A_144 = arith.constant 0 : i32
              %dma_start3A_145 = tpu.memref_slice %arg18[%dma_start3A_143, %dma_start3A_144] : memref<10240x16xf32, #tpu.memory_space<vmem_shared>> -> memref<10240x16xf32, #tpu.memory_space<vmem_shared>>
              tpu.enqueue_indirect_dma source(%arg15 : memref<128x16xf32, #tpu.memory_space<vmem>>) target(%dma_start3A_145 : memref<10240x16xf32, #tpu.memory_space<vmem_shared>>) offsets(%dma_start3A_142 : memref<128xi32, #tpu.memory_space<vmem>>) semaphore(%run_scoped3A : memref<!tpu.dma_semaphore, #tpu.memory_space<semaphore_mem>>) {add = true}
              %dma_wait3A_146 = arith.constant 0 : i32
              %dma_wait3A_147 = tpu.memref_slice %arg9[%add3A_91, %dma_wait3A_146] : memref<158x128xi32, #tpu.memory_space<vmem>> -> memref<1x128xi32, #tpu.memory_space<vmem>>
              %dma_wait3A_148 = tpu.memref_squeeze %dma_wait3A_147 : memref<1x128xi32, #tpu.memory_space<vmem>> -> memref<128xi32, #tpu.memory_space<vmem>>
              %dma_wait3A_149 = arith.constant 0 : i32
              %dma_wait3A_150 = arith.constant 0 : i32
              %dma_wait3A_151 = tpu.memref_slice %arg18[%dma_wait3A_149, %dma_wait3A_150] : memref<10240x16xf32, #tpu.memory_space<vmem_shared>> -> memref<10240x16xf32, #tpu.memory_space<vmem_shared>>
              tpu.wait_indirect_dma semaphore(%run_scoped3A : memref<!tpu.dma_semaphore, #tpu.memory_space<semaphore_mem>>) src(%arg15 : memref<128x16xf32, #tpu.memory_space<vmem>>) dst(%dma_wait3A_151 : memref<10240x16xf32, #tpu.memory_space<vmem_shared>>)
              tpu.yield
            }) : () -> ()
          } else {
          }
          %add3A_133 = arith.constant 2 : i32
          %add3A_134 = arith.addi %add3A_91, %add3A_133 : i32
          %lt3A_135 = arith.constant 158 : i32
          %lt3A_136 = arith.cmpi slt, %add3A_134, %lt3A_135 : i32
          %convert_element_type3A_137 = arith.extui %lt3A_136 : i1 to i32
          %cond3A_138 = arith.constant 0 : i32
          %cond3A_139 = arith.cmpi ne, %convert_element_type3A_137, %cond3A_138 : i32
          scf.if %cond3A_139 {
            %add3A_140 = arith.constant 2 : i32
            %add3A_141 = arith.addi %add3A_91, %add3A_140 : i32
            %dma_start3A_142 = arith.constant 0 : i32
            %dma_start3A_143 = tpu.memref_slice %arg8[%add3A_141, %dma_start3A_142] : memref<158x128xi32, #tpu.memory_space<vmem>> -> memref<1x128xi32, #tpu.memory_space<vmem>>
            %dma_start3A_144 = tpu.memref_squeeze %dma_start3A_143 : memref<1x128xi32, #tpu.memory_space<vmem>> -> memref<128xi32, #tpu.memory_space<vmem>>
            %dma_start3A_145 = arith.constant 0 : i32
            %dma_start3A_146 = arith.constant 0 : i32
            %dma_start3A_147 = tpu.memref_slice %arg2[%dma_start3A_145, %dma_start3A_146] : memref<10240x64xf32, #tpu.memory_space<hbm>> -> memref<10240x64xf32, #tpu.memory_space<hbm>>
            tpu.enqueue_indirect_dma source(%dma_start3A_147 : memref<10240x64xf32, #tpu.memory_space<hbm>>) target(%arg14 : memref<128x64xf32, #tpu.memory_space<vmem>>) offsets(%dma_start3A_144 : memref<128xi32, #tpu.memory_space<vmem>>) semaphore(%arg22 : memref<!tpu.dma_semaphore, #tpu.memory_space<semaphore_mem>>)
          } else {
          }
        } else {
        }
        %add3A_97 = arith.constant 2 : i32
        %add3A_98 = arith.addi %mul3A_83, %add3A_97 : i32
        %lt3A_99 = arith.constant 158 : i32
        %lt3A_100 = arith.cmpi slt, %add3A_98, %lt3A_99 : i32
        %convert_element_type3A_101 = arith.extui %lt3A_100 : i1 to i32
        %cond3A_102 = arith.constant 0 : i32
        %cond3A_103 = arith.cmpi ne, %convert_element_type3A_101, %cond3A_102 : i32
        scf.if %cond3A_103 {
          %dma_wait3A_111 = arith.constant 0 : i32
          %dma_wait3A_112 = tpu.memref_slice %arg8[%add3A_98, %dma_wait3A_111] : memref<158x128xi32, #tpu.memory_space<vmem>> -> memref<1x128xi32, #tpu.memory_space<vmem>>
          %dma_wait3A_113 = tpu.memref_squeeze %dma_wait3A_112 : memref<1x128xi32, #tpu.memory_space<vmem>> -> memref<128xi32, #tpu.memory_space<vmem>>
          %dma_wait3A_114 = arith.constant 0 : i32
          %dma_wait3A_115 = arith.constant 0 : i32
          %dma_wait3A_116 = tpu.memref_slice %arg2[%dma_wait3A_114, %dma_wait3A_115] : memref<10240x64xf32, #tpu.memory_space<hbm>> -> memref<10240x64xf32, #tpu.memory_space<hbm>>
          tpu.wait_indirect_dma semaphore(%arg21 : memref<!tpu.dma_semaphore, #tpu.memory_space<semaphore_mem>>) src(%dma_wait3A_116 : memref<10240x64xf32, #tpu.memory_space<hbm>>) dst(%arg13 : memref<128x64xf32, #tpu.memory_space<vmem>>)
          "tpu.region"() ({
            %run_scoped3A = tpu.sem_alloc : memref<!tpu.dma_semaphore, #tpu.memory_space<semaphore_mem>>
            %dma_start3A_140 = arith.constant 0 : i32
            %dma_start3A_141 = tpu.memref_slice %arg9[%add3A_98, %dma_start3A_140] : memref<158x128xi32, #tpu.memory_space<vmem>> -> memref<1x128xi32, #tpu.memory_space<vmem>>
            %dma_start3A_142 = tpu.memref_squeeze %dma_start3A_141 : memref<1x128xi32, #tpu.memory_space<vmem>> -> memref<128xi32, #tpu.memory_space<vmem>>
            %dma_start3A_143 = arith.constant 0 : i32
            %dma_start3A_144 = arith.constant 0 : i32
            %dma_start3A_145 = tpu.memref_slice %arg17[%dma_start3A_143, %dma_start3A_144] : memref<10240x64xf32, #tpu.memory_space<vmem_shared>> -> memref<10240x64xf32, #tpu.memory_space<vmem_shared>>
            tpu.enqueue_indirect_dma source(%arg13 : memref<128x64xf32, #tpu.memory_space<vmem>>) target(%dma_start3A_145 : memref<10240x64xf32, #tpu.memory_space<vmem_shared>>) offsets(%dma_start3A_142 : memref<128xi32, #tpu.memory_space<vmem>>) semaphore(%run_scoped3A : memref<!tpu.dma_semaphore, #tpu.memory_space<semaphore_mem>>) {add = true}
            %dma_wait3A_146 = arith.constant 0 : i32
            %dma_wait3A_147 = tpu.memref_slice %arg9[%add3A_98, %dma_wait3A_146] : memref<158x128xi32, #tpu.memory_space<vmem>> -> memref<1x128xi32, #tpu.memory_space<vmem>>
            %dma_wait3A_148 = tpu.memref_squeeze %dma_wait3A_147 : memref<1x128xi32, #tpu.memory_space<vmem>> -> memref<128xi32, #tpu.memory_space<vmem>>
            %dma_wait3A_149 = arith.constant 0 : i32
            %dma_wait3A_150 = arith.constant 0 : i32
            %dma_wait3A_151 = tpu.memref_slice %arg17[%dma_wait3A_149, %dma_wait3A_150] : memref<10240x64xf32, #tpu.memory_space<vmem_shared>> -> memref<10240x64xf32, #tpu.memory_space<vmem_shared>>
            tpu.wait_indirect_dma semaphore(%run_scoped3A : memref<!tpu.dma_semaphore, #tpu.memory_space<semaphore_mem>>) src(%arg13 : memref<128x64xf32, #tpu.memory_space<vmem>>) dst(%dma_wait3A_151 : memref<10240x64xf32, #tpu.memory_space<vmem_shared>>)
            tpu.yield
          }) : () -> ()
          %jit3A = arith.constant 2 : i32
          %eq3A_117 = arith.constant 0 : i32
          %eq3A_118 = arith.cmpi eq, %jit3A, %eq3A_117 : i32
          %jit3A_119 = arith.constant 1 : i32
          %select_n3A = arith.select %eq3A_118, %jit3A_119, %jit3A : i32
          %rem3A = arith.remsi %add3A_98, %select_n3A : i32
          %ne3A = arith.constant 0 : i32
          %ne3A_120 = arith.cmpi ne, %rem3A, %ne3A : i32
          %lt3A_121 = arith.constant 0 : i32
          %lt3A_122 = arith.cmpi slt, %rem3A, %lt3A_121 : i32
          %lt3A_123 = arith.constant 0 : i32
          %lt3A_124 = arith.cmpi slt, %select_n3A, %lt3A_123 : i32
          %ne3A_125 = arith.xori %lt3A_122, %lt3A_124 : i1
          %and3A = arith.andi %ne3A_125, %ne3A_120 : i1
          %add3A_126 = arith.addi %rem3A, %select_n3A : i32
          %select_n3A_127 = arith.select %and3A, %add3A_126, %rem3A : i32
          %eq3A_128 = arith.constant 0 : i32
          %eq3A_129 = arith.cmpi eq, %select_n3A_127, %eq3A_128 : i32
          %convert_element_type3A_130 = arith.extui %eq3A_129 : i1 to i32
          %cond3A_131 = arith.constant 0 : i32
          %cond3A_132 = arith.cmpi ne, %convert_element_type3A_130, %cond3A_131 : i32
          scf.if %cond3A_132 {
            "tpu.region"() ({
              %run_scoped3A = tpu.sem_alloc : memref<!tpu.dma_semaphore, #tpu.memory_space<semaphore_mem>>
              %dma_start3A_140 = arith.constant 0 : i32
              %dma_start3A_141 = tpu.memref_slice %arg9[%add3A_98, %dma_start3A_140] : memref<158x128xi32, #tpu.memory_space<vmem>> -> memref<1x128xi32, #tpu.memory_space<vmem>>
              %dma_start3A_142 = tpu.memref_squeeze %dma_start3A_141 : memref<1x128xi32, #tpu.memory_space<vmem>> -> memref<128xi32, #tpu.memory_space<vmem>>
              %dma_start3A_143 = arith.constant 0 : i32
              %dma_start3A_144 = arith.constant 0 : i32
              %dma_start3A_145 = tpu.memref_slice %arg18[%dma_start3A_143, %dma_start3A_144] : memref<10240x16xf32, #tpu.memory_space<vmem_shared>> -> memref<10240x16xf32, #tpu.memory_space<vmem_shared>>
              tpu.enqueue_indirect_dma source(%arg15 : memref<128x16xf32, #tpu.memory_space<vmem>>) target(%dma_start3A_145 : memref<10240x16xf32, #tpu.memory_space<vmem_shared>>) offsets(%dma_start3A_142 : memref<128xi32, #tpu.memory_space<vmem>>) semaphore(%run_scoped3A : memref<!tpu.dma_semaphore, #tpu.memory_space<semaphore_mem>>) {add = true}
              %dma_wait3A_146 = arith.constant 0 : i32
              %dma_wait3A_147 = tpu.memref_slice %arg9[%add3A_98, %dma_wait3A_146] : memref<158x128xi32, #tpu.memory_space<vmem>> -> memref<1x128xi32, #tpu.memory_space<vmem>>
              %dma_wait3A_148 = tpu.memref_squeeze %dma_wait3A_147 : memref<1x128xi32, #tpu.memory_space<vmem>> -> memref<128xi32, #tpu.memory_space<vmem>>
              %dma_wait3A_149 = arith.constant 0 : i32
              %dma_wait3A_150 = arith.constant 0 : i32
              %dma_wait3A_151 = tpu.memref_slice %arg18[%dma_wait3A_149, %dma_wait3A_150] : memref<10240x16xf32, #tpu.memory_space<vmem_shared>> -> memref<10240x16xf32, #tpu.memory_space<vmem_shared>>
              tpu.wait_indirect_dma semaphore(%run_scoped3A : memref<!tpu.dma_semaphore, #tpu.memory_space<semaphore_mem>>) src(%arg15 : memref<128x16xf32, #tpu.memory_space<vmem>>) dst(%dma_wait3A_151 : memref<10240x16xf32, #tpu.memory_space<vmem_shared>>)
              tpu.yield
            }) : () -> ()
          } else {
          }
          %add3A_133 = arith.constant 2 : i32
          %add3A_134 = arith.addi %add3A_98, %add3A_133 : i32
          %lt3A_135 = arith.constant 158 : i32
          %lt3A_136 = arith.cmpi slt, %add3A_134, %lt3A_135 : i32
          %convert_element_type3A_137 = arith.extui %lt3A_136 : i1 to i32
          %cond3A_138 = arith.constant 0 : i32
          %cond3A_139 = arith.cmpi ne, %convert_element_type3A_137, %cond3A_138 : i32
          scf.if %cond3A_139 {
            %add3A_140 = arith.constant 2 : i32
            %add3A_141 = arith.addi %add3A_98, %add3A_140 : i32
            %dma_start3A_142 = arith.constant 0 : i32
            %dma_start3A_143 = tpu.memref_slice %arg8[%add3A_141, %dma_start3A_142] : memref<158x128xi32, #tpu.memory_space<vmem>> -> memref<1x128xi32, #tpu.memory_space<vmem>>
            %dma_start3A_144 = tpu.memref_squeeze %dma_start3A_143 : memref<1x128xi32, #tpu.memory_space<vmem>> -> memref<128xi32, #tpu.memory_space<vmem>>
            %dma_start3A_145 = arith.constant 0 : i32
            %dma_start3A_146 = arith.constant 0 : i32
            %dma_start3A_147 = tpu.memref_slice %arg2[%dma_start3A_145, %dma_start3A_146] : memref<10240x64xf32, #tpu.memory_space<hbm>> -> memref<10240x64xf32, #tpu.memory_space<hbm>>
            tpu.enqueue_indirect_dma source(%dma_start3A_147 : memref<10240x64xf32, #tpu.memory_space<hbm>>) target(%arg11 : memref<128x64xf32, #tpu.memory_space<vmem>>) offsets(%dma_start3A_144 : memref<128xi32, #tpu.memory_space<vmem>>) semaphore(%arg19 : memref<!tpu.dma_semaphore, #tpu.memory_space<semaphore_mem>>)
          } else {
          }
        } else {
        }
        %add3A_104 = arith.constant 3 : i32
        %add3A_105 = arith.addi %mul3A_83, %add3A_104 : i32
        %lt3A_106 = arith.constant 158 : i32
        %lt3A_107 = arith.cmpi slt, %add3A_105, %lt3A_106 : i32
        %convert_element_type3A_108 = arith.extui %lt3A_107 : i1 to i32
        %cond3A_109 = arith.constant 0 : i32
        %cond3A_110 = arith.cmpi ne, %convert_element_type3A_108, %cond3A_109 : i32
        scf.if %cond3A_110 {
          %dma_wait3A_111 = arith.constant 0 : i32
          %dma_wait3A_112 = tpu.memref_slice %arg8[%add3A_105, %dma_wait3A_111] : memref<158x128xi32, #tpu.memory_space<vmem>> -> memref<1x128xi32, #tpu.memory_space<vmem>>
          %dma_wait3A_113 = tpu.memref_squeeze %dma_wait3A_112 : memref<1x128xi32, #tpu.memory_space<vmem>> -> memref<128xi32, #tpu.memory_space<vmem>>
          %dma_wait3A_114 = arith.constant 0 : i32
          %dma_wait3A_115 = arith.constant 0 : i32
          %dma_wait3A_116 = tpu.memref_slice %arg2[%dma_wait3A_114, %dma_wait3A_115] : memref<10240x64xf32, #tpu.memory_space<hbm>> -> memref<10240x64xf32, #tpu.memory_space<hbm>>
          tpu.wait_indirect_dma semaphore(%arg22 : memref<!tpu.dma_semaphore, #tpu.memory_space<semaphore_mem>>) src(%dma_wait3A_116 : memref<10240x64xf32, #tpu.memory_space<hbm>>) dst(%arg14 : memref<128x64xf32, #tpu.memory_space<vmem>>)
          "tpu.region"() ({
            %run_scoped3A = tpu.sem_alloc : memref<!tpu.dma_semaphore, #tpu.memory_space<semaphore_mem>>
            %dma_start3A_140 = arith.constant 0 : i32
            %dma_start3A_141 = tpu.memref_slice %arg9[%add3A_105, %dma_start3A_140] : memref<158x128xi32, #tpu.memory_space<vmem>> -> memref<1x128xi32, #tpu.memory_space<vmem>>
            %dma_start3A_142 = tpu.memref_squeeze %dma_start3A_141 : memref<1x128xi32, #tpu.memory_space<vmem>> -> memref<128xi32, #tpu.memory_space<vmem>>
            %dma_start3A_143 = arith.constant 0 : i32
            %dma_start3A_144 = arith.constant 0 : i32
            %dma_start3A_145 = tpu.memref_slice %arg17[%dma_start3A_143, %dma_start3A_144] : memref<10240x64xf32, #tpu.memory_space<vmem_shared>> -> memref<10240x64xf32, #tpu.memory_space<vmem_shared>>
            tpu.enqueue_indirect_dma source(%arg14 : memref<128x64xf32, #tpu.memory_space<vmem>>) target(%dma_start3A_145 : memref<10240x64xf32, #tpu.memory_space<vmem_shared>>) offsets(%dma_start3A_142 : memref<128xi32, #tpu.memory_space<vmem>>) semaphore(%run_scoped3A : memref<!tpu.dma_semaphore, #tpu.memory_space<semaphore_mem>>) {add = true}
            %dma_wait3A_146 = arith.constant 0 : i32
            %dma_wait3A_147 = tpu.memref_slice %arg9[%add3A_105, %dma_wait3A_146] : memref<158x128xi32, #tpu.memory_space<vmem>> -> memref<1x128xi32, #tpu.memory_space<vmem>>
            %dma_wait3A_148 = tpu.memref_squeeze %dma_wait3A_147 : memref<1x128xi32, #tpu.memory_space<vmem>> -> memref<128xi32, #tpu.memory_space<vmem>>
            %dma_wait3A_149 = arith.constant 0 : i32
            %dma_wait3A_150 = arith.constant 0 : i32
            %dma_wait3A_151 = tpu.memref_slice %arg17[%dma_wait3A_149, %dma_wait3A_150] : memref<10240x64xf32, #tpu.memory_space<vmem_shared>> -> memref<10240x64xf32, #tpu.memory_space<vmem_shared>>
            tpu.wait_indirect_dma semaphore(%run_scoped3A : memref<!tpu.dma_semaphore, #tpu.memory_space<semaphore_mem>>) src(%arg14 : memref<128x64xf32, #tpu.memory_space<vmem>>) dst(%dma_wait3A_151 : memref<10240x64xf32, #tpu.memory_space<vmem_shared>>)
            tpu.yield
          }) : () -> ()
          %jit3A = arith.constant 2 : i32
          %eq3A_117 = arith.constant 0 : i32
          %eq3A_118 = arith.cmpi eq, %jit3A, %eq3A_117 : i32
          %jit3A_119 = arith.constant 1 : i32
          %select_n3A = arith.select %eq3A_118, %jit3A_119, %jit3A : i32
          %rem3A = arith.remsi %add3A_105, %select_n3A : i32
          %ne3A = arith.constant 0 : i32
          %ne3A_120 = arith.cmpi ne, %rem3A, %ne3A : i32
          %lt3A_121 = arith.constant 0 : i32
          %lt3A_122 = arith.cmpi slt, %rem3A, %lt3A_121 : i32
          %lt3A_123 = arith.constant 0 : i32
          %lt3A_124 = arith.cmpi slt, %select_n3A, %lt3A_123 : i32
          %ne3A_125 = arith.xori %lt3A_122, %lt3A_124 : i1
          %and3A = arith.andi %ne3A_125, %ne3A_120 : i1
          %add3A_126 = arith.addi %rem3A, %select_n3A : i32
          %select_n3A_127 = arith.select %and3A, %add3A_126, %rem3A : i32
          %eq3A_128 = arith.constant 0 : i32
          %eq3A_129 = arith.cmpi eq, %select_n3A_127, %eq3A_128 : i32
          %convert_element_type3A_130 = arith.extui %eq3A_129 : i1 to i32
          %cond3A_131 = arith.constant 0 : i32
          %cond3A_132 = arith.cmpi ne, %convert_element_type3A_130, %cond3A_131 : i32
          scf.if %cond3A_132 {
            "tpu.region"() ({
              %run_scoped3A = tpu.sem_alloc : memref<!tpu.dma_semaphore, #tpu.memory_space<semaphore_mem>>
              %dma_start3A_140 = arith.constant 0 : i32
              %dma_start3A_141 = tpu.memref_slice %arg9[%add3A_105, %dma_start3A_140] : memref<158x128xi32, #tpu.memory_space<vmem>> -> memref<1x128xi32, #tpu.memory_space<vmem>>
              %dma_start3A_142 = tpu.memref_squeeze %dma_start3A_141 : memref<1x128xi32, #tpu.memory_space<vmem>> -> memref<128xi32, #tpu.memory_space<vmem>>
              %dma_start3A_143 = arith.constant 0 : i32
              %dma_start3A_144 = arith.constant 0 : i32
              %dma_start3A_145 = tpu.memref_slice %arg18[%dma_start3A_143, %dma_start3A_144] : memref<10240x16xf32, #tpu.memory_space<vmem_shared>> -> memref<10240x16xf32, #tpu.memory_space<vmem_shared>>
              tpu.enqueue_indirect_dma source(%arg15 : memref<128x16xf32, #tpu.memory_space<vmem>>) target(%dma_start3A_145 : memref<10240x16xf32, #tpu.memory_space<vmem_shared>>) offsets(%dma_start3A_142 : memref<128xi32, #tpu.memory_space<vmem>>) semaphore(%run_scoped3A : memref<!tpu.dma_semaphore, #tpu.memory_space<semaphore_mem>>) {add = true}
              %dma_wait3A_146 = arith.constant 0 : i32
              %dma_wait3A_147 = tpu.memref_slice %arg9[%add3A_105, %dma_wait3A_146] : memref<158x128xi32, #tpu.memory_space<vmem>> -> memref<1x128xi32, #tpu.memory_space<vmem>>
              %dma_wait3A_148 = tpu.memref_squeeze %dma_wait3A_147 : memref<1x128xi32, #tpu.memory_space<vmem>> -> memref<128xi32, #tpu.memory_space<vmem>>
              %dma_wait3A_149 = arith.constant 0 : i32
              %dma_wait3A_150 = arith.constant 0 : i32
              %dma_wait3A_151 = tpu.memref_slice %arg18[%dma_wait3A_149, %dma_wait3A_150] : memref<10240x16xf32, #tpu.memory_space<vmem_shared>> -> memref<10240x16xf32, #tpu.memory_space<vmem_shared>>
              tpu.wait_indirect_dma semaphore(%run_scoped3A : memref<!tpu.dma_semaphore, #tpu.memory_space<semaphore_mem>>) src(%arg15 : memref<128x16xf32, #tpu.memory_space<vmem>>) dst(%dma_wait3A_151 : memref<10240x16xf32, #tpu.memory_space<vmem_shared>>)
              tpu.yield
            }) : () -> ()
          } else {
          }
          %add3A_133 = arith.constant 2 : i32
          %add3A_134 = arith.addi %add3A_105, %add3A_133 : i32
          %lt3A_135 = arith.constant 158 : i32
          %lt3A_136 = arith.cmpi slt, %add3A_134, %lt3A_135 : i32
          %convert_element_type3A_137 = arith.extui %lt3A_136 : i1 to i32
          %cond3A_138 = arith.constant 0 : i32
          %cond3A_139 = arith.cmpi ne, %convert_element_type3A_137, %cond3A_138 : i32
          scf.if %cond3A_139 {
            %add3A_140 = arith.constant 2 : i32
            %add3A_141 = arith.addi %add3A_105, %add3A_140 : i32
            %dma_start3A_142 = arith.constant 0 : i32
            %dma_start3A_143 = tpu.memref_slice %arg8[%add3A_141, %dma_start3A_142] : memref<158x128xi32, #tpu.memory_space<vmem>> -> memref<1x128xi32, #tpu.memory_space<vmem>>
            %dma_start3A_144 = tpu.memref_squeeze %dma_start3A_143 : memref<1x128xi32, #tpu.memory_space<vmem>> -> memref<128xi32, #tpu.memory_space<vmem>>
            %dma_start3A_145 = arith.constant 0 : i32
            %dma_start3A_146 = arith.constant 0 : i32
            %dma_start3A_147 = tpu.memref_slice %arg2[%dma_start3A_145, %dma_start3A_146] : memref<10240x64xf32, #tpu.memory_space<hbm>> -> memref<10240x64xf32, #tpu.memory_space<hbm>>
            tpu.enqueue_indirect_dma source(%dma_start3A_147 : memref<10240x64xf32, #tpu.memory_space<hbm>>) target(%arg12 : memref<128x64xf32, #tpu.memory_space<vmem>>) offsets(%dma_start3A_144 : memref<128xi32, #tpu.memory_space<vmem>>) semaphore(%arg20 : memref<!tpu.dma_semaphore, #tpu.memory_space<semaphore_mem>>)
          } else {
          }
        } else {
        }
      }
      %scan3A_80 = arith.constant 40 : i32
    } else {
    }
    %eq3A_45 = arith.constant 1 : i32
    %eq3A_46 = arith.cmpi eq, %arg0, %eq3A_45 : i32
    %convert_element_type3A_47 = arith.extui %eq3A_46 : i1 to i32
    %cond3A_48 = arith.constant 0 : i32
    %cond3A_49 = arith.cmpi ne, %convert_element_type3A_47, %cond3A_48 : i32
    scf.if %cond3A_49 {
      %dma_start3A_61 = arith.constant 0 : i32
      %dma_start3A_62 = arith.constant 0 : i32
      %dma_start3A_63 = tpu.memref_slice %arg8[%dma_start3A_61, %dma_start3A_62] : memref<158x128xi32, #tpu.memory_space<vmem>> -> memref<1x128xi32, #tpu.memory_space<vmem>>
      %dma_start3A_64 = tpu.memref_squeeze %dma_start3A_63 : memref<1x128xi32, #tpu.memory_space<vmem>> -> memref<128xi32, #tpu.memory_space<vmem>>
      %dma_start3A_65 = arith.constant 0 : i32
      %dma_start3A_66 = arith.constant 0 : i32
      %dma_start3A_67 = tpu.memref_slice %arg3[%dma_start3A_65, %dma_start3A_66] : memref<10240x64xf32, #tpu.memory_space<hbm>> -> memref<10240x64xf32, #tpu.memory_space<hbm>>
      tpu.enqueue_indirect_dma source(%dma_start3A_67 : memref<10240x64xf32, #tpu.memory_space<hbm>>) target(%arg11 : memref<128x64xf32, #tpu.memory_space<vmem>>) offsets(%dma_start3A_64 : memref<128xi32, #tpu.memory_space<vmem>>) semaphore(%arg19 : memref<!tpu.dma_semaphore, #tpu.memory_space<semaphore_mem>>)
      %dma_start3A_68 = arith.constant 1 : i32
      %dma_start3A_69 = arith.constant 0 : i32
      %dma_start3A_70 = tpu.memref_slice %arg8[%dma_start3A_68, %dma_start3A_69] : memref<158x128xi32, #tpu.memory_space<vmem>> -> memref<1x128xi32, #tpu.memory_space<vmem>>
      %dma_start3A_71 = tpu.memref_squeeze %dma_start3A_70 : memref<1x128xi32, #tpu.memory_space<vmem>> -> memref<128xi32, #tpu.memory_space<vmem>>
      %dma_start3A_72 = arith.constant 0 : i32
      %dma_start3A_73 = arith.constant 0 : i32
      %dma_start3A_74 = tpu.memref_slice %arg3[%dma_start3A_72, %dma_start3A_73] : memref<10240x64xf32, #tpu.memory_space<hbm>> -> memref<10240x64xf32, #tpu.memory_space<hbm>>
      tpu.enqueue_indirect_dma source(%dma_start3A_74 : memref<10240x64xf32, #tpu.memory_space<hbm>>) target(%arg12 : memref<128x64xf32, #tpu.memory_space<vmem>>) offsets(%dma_start3A_71 : memref<128xi32, #tpu.memory_space<vmem>>) semaphore(%arg20 : memref<!tpu.dma_semaphore, #tpu.memory_space<semaphore_mem>>)
      %scan3A_75 = arith.constant 0 : i32
      %scan3A_76 = arith.constant 0 : i32
      %scan3A_77 = arith.constant 40 : i32
      %scan3A_78 = arith.addi %scan3A_76, %scan3A_77 : i32
      %scan3A_79 = arith.constant 1 : i32
      scf.for %scan3A_81 = %scan3A_76 to %scan3A_78 step %scan3A_79  : i32 {
        %mul3A_82 = arith.constant 4 : i32
        %mul3A_83 = arith.muli %scan3A_81, %mul3A_82 : i32
        %add3A_84 = arith.constant 0 : i32
        %add3A_85 = arith.addi %mul3A_83, %add3A_84 : i32
        %lt3A = arith.constant 158 : i32
        %lt3A_86 = arith.cmpi slt, %add3A_85, %lt3A : i32
        %convert_element_type3A_87 = arith.extui %lt3A_86 : i1 to i32
        %cond3A_88 = arith.constant 0 : i32
        %cond3A_89 = arith.cmpi ne, %convert_element_type3A_87, %cond3A_88 : i32
        scf.if %cond3A_89 {
          %dma_wait3A_111 = arith.constant 0 : i32
          %dma_wait3A_112 = tpu.memref_slice %arg8[%add3A_85, %dma_wait3A_111] : memref<158x128xi32, #tpu.memory_space<vmem>> -> memref<1x128xi32, #tpu.memory_space<vmem>>
          %dma_wait3A_113 = tpu.memref_squeeze %dma_wait3A_112 : memref<1x128xi32, #tpu.memory_space<vmem>> -> memref<128xi32, #tpu.memory_space<vmem>>
          %dma_wait3A_114 = arith.constant 0 : i32
          %dma_wait3A_115 = arith.constant 0 : i32
          %dma_wait3A_116 = tpu.memref_slice %arg3[%dma_wait3A_114, %dma_wait3A_115] : memref<10240x64xf32, #tpu.memory_space<hbm>> -> memref<10240x64xf32, #tpu.memory_space<hbm>>
          tpu.wait_indirect_dma semaphore(%arg19 : memref<!tpu.dma_semaphore, #tpu.memory_space<semaphore_mem>>) src(%dma_wait3A_116 : memref<10240x64xf32, #tpu.memory_space<hbm>>) dst(%arg11 : memref<128x64xf32, #tpu.memory_space<vmem>>)
          "tpu.region"() ({
            %run_scoped3A = tpu.sem_alloc : memref<!tpu.dma_semaphore, #tpu.memory_space<semaphore_mem>>
            %dma_start3A_140 = arith.constant 0 : i32
            %dma_start3A_141 = tpu.memref_slice %arg9[%add3A_85, %dma_start3A_140] : memref<158x128xi32, #tpu.memory_space<vmem>> -> memref<1x128xi32, #tpu.memory_space<vmem>>
            %dma_start3A_142 = tpu.memref_squeeze %dma_start3A_141 : memref<1x128xi32, #tpu.memory_space<vmem>> -> memref<128xi32, #tpu.memory_space<vmem>>
            %dma_start3A_143 = arith.constant 0 : i32
            %dma_start3A_144 = arith.constant 0 : i32
            %dma_start3A_145 = tpu.memref_slice %arg17[%dma_start3A_143, %dma_start3A_144] : memref<10240x64xf32, #tpu.memory_space<vmem_shared>> -> memref<10240x64xf32, #tpu.memory_space<vmem_shared>>
            tpu.enqueue_indirect_dma source(%arg11 : memref<128x64xf32, #tpu.memory_space<vmem>>) target(%dma_start3A_145 : memref<10240x64xf32, #tpu.memory_space<vmem_shared>>) offsets(%dma_start3A_142 : memref<128xi32, #tpu.memory_space<vmem>>) semaphore(%run_scoped3A : memref<!tpu.dma_semaphore, #tpu.memory_space<semaphore_mem>>) {add = true}
            %dma_wait3A_146 = arith.constant 0 : i32
            %dma_wait3A_147 = tpu.memref_slice %arg9[%add3A_85, %dma_wait3A_146] : memref<158x128xi32, #tpu.memory_space<vmem>> -> memref<1x128xi32, #tpu.memory_space<vmem>>
            %dma_wait3A_148 = tpu.memref_squeeze %dma_wait3A_147 : memref<1x128xi32, #tpu.memory_space<vmem>> -> memref<128xi32, #tpu.memory_space<vmem>>
            %dma_wait3A_149 = arith.constant 0 : i32
            %dma_wait3A_150 = arith.constant 0 : i32
            %dma_wait3A_151 = tpu.memref_slice %arg17[%dma_wait3A_149, %dma_wait3A_150] : memref<10240x64xf32, #tpu.memory_space<vmem_shared>> -> memref<10240x64xf32, #tpu.memory_space<vmem_shared>>
            tpu.wait_indirect_dma semaphore(%run_scoped3A : memref<!tpu.dma_semaphore, #tpu.memory_space<semaphore_mem>>) src(%arg11 : memref<128x64xf32, #tpu.memory_space<vmem>>) dst(%dma_wait3A_151 : memref<10240x64xf32, #tpu.memory_space<vmem_shared>>)
            tpu.yield
          }) : () -> ()
          %jit3A = arith.constant 2 : i32
          %eq3A_117 = arith.constant 0 : i32
          %eq3A_118 = arith.cmpi eq, %jit3A, %eq3A_117 : i32
          %jit3A_119 = arith.constant 1 : i32
          %select_n3A = arith.select %eq3A_118, %jit3A_119, %jit3A : i32
          %rem3A = arith.remsi %add3A_85, %select_n3A : i32
          %ne3A = arith.constant 0 : i32
          %ne3A_120 = arith.cmpi ne, %rem3A, %ne3A : i32
          %lt3A_121 = arith.constant 0 : i32
          %lt3A_122 = arith.cmpi slt, %rem3A, %lt3A_121 : i32
          %lt3A_123 = arith.constant 0 : i32
          %lt3A_124 = arith.cmpi slt, %select_n3A, %lt3A_123 : i32
          %ne3A_125 = arith.xori %lt3A_122, %lt3A_124 : i1
          %and3A = arith.andi %ne3A_125, %ne3A_120 : i1
          %add3A_126 = arith.addi %rem3A, %select_n3A : i32
          %select_n3A_127 = arith.select %and3A, %add3A_126, %rem3A : i32
          %eq3A_128 = arith.constant 1 : i32
          %eq3A_129 = arith.cmpi eq, %select_n3A_127, %eq3A_128 : i32
          %convert_element_type3A_130 = arith.extui %eq3A_129 : i1 to i32
          %cond3A_131 = arith.constant 0 : i32
          %cond3A_132 = arith.cmpi ne, %convert_element_type3A_130, %cond3A_131 : i32
          scf.if %cond3A_132 {
            "tpu.region"() ({
              %run_scoped3A = tpu.sem_alloc : memref<!tpu.dma_semaphore, #tpu.memory_space<semaphore_mem>>
              %dma_start3A_140 = arith.constant 0 : i32
              %dma_start3A_141 = tpu.memref_slice %arg9[%add3A_85, %dma_start3A_140] : memref<158x128xi32, #tpu.memory_space<vmem>> -> memref<1x128xi32, #tpu.memory_space<vmem>>
              %dma_start3A_142 = tpu.memref_squeeze %dma_start3A_141 : memref<1x128xi32, #tpu.memory_space<vmem>> -> memref<128xi32, #tpu.memory_space<vmem>>
              %dma_start3A_143 = arith.constant 0 : i32
              %dma_start3A_144 = arith.constant 0 : i32
              %dma_start3A_145 = tpu.memref_slice %arg18[%dma_start3A_143, %dma_start3A_144] : memref<10240x16xf32, #tpu.memory_space<vmem_shared>> -> memref<10240x16xf32, #tpu.memory_space<vmem_shared>>
              tpu.enqueue_indirect_dma source(%arg15 : memref<128x16xf32, #tpu.memory_space<vmem>>) target(%dma_start3A_145 : memref<10240x16xf32, #tpu.memory_space<vmem_shared>>) offsets(%dma_start3A_142 : memref<128xi32, #tpu.memory_space<vmem>>) semaphore(%run_scoped3A : memref<!tpu.dma_semaphore, #tpu.memory_space<semaphore_mem>>) {add = true}
              %dma_wait3A_146 = arith.constant 0 : i32
              %dma_wait3A_147 = tpu.memref_slice %arg9[%add3A_85, %dma_wait3A_146] : memref<158x128xi32, #tpu.memory_space<vmem>> -> memref<1x128xi32, #tpu.memory_space<vmem>>
              %dma_wait3A_148 = tpu.memref_squeeze %dma_wait3A_147 : memref<1x128xi32, #tpu.memory_space<vmem>> -> memref<128xi32, #tpu.memory_space<vmem>>
              %dma_wait3A_149 = arith.constant 0 : i32
              %dma_wait3A_150 = arith.constant 0 : i32
              %dma_wait3A_151 = tpu.memref_slice %arg18[%dma_wait3A_149, %dma_wait3A_150] : memref<10240x16xf32, #tpu.memory_space<vmem_shared>> -> memref<10240x16xf32, #tpu.memory_space<vmem_shared>>
              tpu.wait_indirect_dma semaphore(%run_scoped3A : memref<!tpu.dma_semaphore, #tpu.memory_space<semaphore_mem>>) src(%arg15 : memref<128x16xf32, #tpu.memory_space<vmem>>) dst(%dma_wait3A_151 : memref<10240x16xf32, #tpu.memory_space<vmem_shared>>)
              tpu.yield
            }) : () -> ()
          } else {
          }
          %add3A_133 = arith.constant 2 : i32
          %add3A_134 = arith.addi %add3A_85, %add3A_133 : i32
          %lt3A_135 = arith.constant 158 : i32
          %lt3A_136 = arith.cmpi slt, %add3A_134, %lt3A_135 : i32
          %convert_element_type3A_137 = arith.extui %lt3A_136 : i1 to i32
          %cond3A_138 = arith.constant 0 : i32
          %cond3A_139 = arith.cmpi ne, %convert_element_type3A_137, %cond3A_138 : i32
          scf.if %cond3A_139 {
            %add3A_140 = arith.constant 2 : i32
            %add3A_141 = arith.addi %add3A_85, %add3A_140 : i32
            %dma_start3A_142 = arith.constant 0 : i32
            %dma_start3A_143 = tpu.memref_slice %arg8[%add3A_141, %dma_start3A_142] : memref<158x128xi32, #tpu.memory_space<vmem>> -> memref<1x128xi32, #tpu.memory_space<vmem>>
            %dma_start3A_144 = tpu.memref_squeeze %dma_start3A_143 : memref<1x128xi32, #tpu.memory_space<vmem>> -> memref<128xi32, #tpu.memory_space<vmem>>
            %dma_start3A_145 = arith.constant 0 : i32
            %dma_start3A_146 = arith.constant 0 : i32
            %dma_start3A_147 = tpu.memref_slice %arg3[%dma_start3A_145, %dma_start3A_146] : memref<10240x64xf32, #tpu.memory_space<hbm>> -> memref<10240x64xf32, #tpu.memory_space<hbm>>
            tpu.enqueue_indirect_dma source(%dma_start3A_147 : memref<10240x64xf32, #tpu.memory_space<hbm>>) target(%arg13 : memref<128x64xf32, #tpu.memory_space<vmem>>) offsets(%dma_start3A_144 : memref<128xi32, #tpu.memory_space<vmem>>) semaphore(%arg21 : memref<!tpu.dma_semaphore, #tpu.memory_space<semaphore_mem>>)
          } else {
          }
        } else {
        }
        %add3A_90 = arith.constant 1 : i32
        %add3A_91 = arith.addi %mul3A_83, %add3A_90 : i32
        %lt3A_92 = arith.constant 158 : i32
        %lt3A_93 = arith.cmpi slt, %add3A_91, %lt3A_92 : i32
        %convert_element_type3A_94 = arith.extui %lt3A_93 : i1 to i32
        %cond3A_95 = arith.constant 0 : i32
        %cond3A_96 = arith.cmpi ne, %convert_element_type3A_94, %cond3A_95 : i32
        scf.if %cond3A_96 {
          %dma_wait3A_111 = arith.constant 0 : i32
          %dma_wait3A_112 = tpu.memref_slice %arg8[%add3A_91, %dma_wait3A_111] : memref<158x128xi32, #tpu.memory_space<vmem>> -> memref<1x128xi32, #tpu.memory_space<vmem>>
          %dma_wait3A_113 = tpu.memref_squeeze %dma_wait3A_112 : memref<1x128xi32, #tpu.memory_space<vmem>> -> memref<128xi32, #tpu.memory_space<vmem>>
          %dma_wait3A_114 = arith.constant 0 : i32
          %dma_wait3A_115 = arith.constant 0 : i32
          %dma_wait3A_116 = tpu.memref_slice %arg3[%dma_wait3A_114, %dma_wait3A_115] : memref<10240x64xf32, #tpu.memory_space<hbm>> -> memref<10240x64xf32, #tpu.memory_space<hbm>>
          tpu.wait_indirect_dma semaphore(%arg20 : memref<!tpu.dma_semaphore, #tpu.memory_space<semaphore_mem>>) src(%dma_wait3A_116 : memref<10240x64xf32, #tpu.memory_space<hbm>>) dst(%arg12 : memref<128x64xf32, #tpu.memory_space<vmem>>)
          "tpu.region"() ({
            %run_scoped3A = tpu.sem_alloc : memref<!tpu.dma_semaphore, #tpu.memory_space<semaphore_mem>>
            %dma_start3A_140 = arith.constant 0 : i32
            %dma_start3A_141 = tpu.memref_slice %arg9[%add3A_91, %dma_start3A_140] : memref<158x128xi32, #tpu.memory_space<vmem>> -> memref<1x128xi32, #tpu.memory_space<vmem>>
            %dma_start3A_142 = tpu.memref_squeeze %dma_start3A_141 : memref<1x128xi32, #tpu.memory_space<vmem>> -> memref<128xi32, #tpu.memory_space<vmem>>
            %dma_start3A_143 = arith.constant 0 : i32
            %dma_start3A_144 = arith.constant 0 : i32
            %dma_start3A_145 = tpu.memref_slice %arg17[%dma_start3A_143, %dma_start3A_144] : memref<10240x64xf32, #tpu.memory_space<vmem_shared>> -> memref<10240x64xf32, #tpu.memory_space<vmem_shared>>
            tpu.enqueue_indirect_dma source(%arg12 : memref<128x64xf32, #tpu.memory_space<vmem>>) target(%dma_start3A_145 : memref<10240x64xf32, #tpu.memory_space<vmem_shared>>) offsets(%dma_start3A_142 : memref<128xi32, #tpu.memory_space<vmem>>) semaphore(%run_scoped3A : memref<!tpu.dma_semaphore, #tpu.memory_space<semaphore_mem>>) {add = true}
            %dma_wait3A_146 = arith.constant 0 : i32
            %dma_wait3A_147 = tpu.memref_slice %arg9[%add3A_91, %dma_wait3A_146] : memref<158x128xi32, #tpu.memory_space<vmem>> -> memref<1x128xi32, #tpu.memory_space<vmem>>
            %dma_wait3A_148 = tpu.memref_squeeze %dma_wait3A_147 : memref<1x128xi32, #tpu.memory_space<vmem>> -> memref<128xi32, #tpu.memory_space<vmem>>
            %dma_wait3A_149 = arith.constant 0 : i32
            %dma_wait3A_150 = arith.constant 0 : i32
            %dma_wait3A_151 = tpu.memref_slice %arg17[%dma_wait3A_149, %dma_wait3A_150] : memref<10240x64xf32, #tpu.memory_space<vmem_shared>> -> memref<10240x64xf32, #tpu.memory_space<vmem_shared>>
            tpu.wait_indirect_dma semaphore(%run_scoped3A : memref<!tpu.dma_semaphore, #tpu.memory_space<semaphore_mem>>) src(%arg12 : memref<128x64xf32, #tpu.memory_space<vmem>>) dst(%dma_wait3A_151 : memref<10240x64xf32, #tpu.memory_space<vmem_shared>>)
            tpu.yield
          }) : () -> ()
          %jit3A = arith.constant 2 : i32
          %eq3A_117 = arith.constant 0 : i32
          %eq3A_118 = arith.cmpi eq, %jit3A, %eq3A_117 : i32
          %jit3A_119 = arith.constant 1 : i32
          %select_n3A = arith.select %eq3A_118, %jit3A_119, %jit3A : i32
          %rem3A = arith.remsi %add3A_91, %select_n3A : i32
          %ne3A = arith.constant 0 : i32
          %ne3A_120 = arith.cmpi ne, %rem3A, %ne3A : i32
          %lt3A_121 = arith.constant 0 : i32
          %lt3A_122 = arith.cmpi slt, %rem3A, %lt3A_121 : i32
          %lt3A_123 = arith.constant 0 : i32
          %lt3A_124 = arith.cmpi slt, %select_n3A, %lt3A_123 : i32
          %ne3A_125 = arith.xori %lt3A_122, %lt3A_124 : i1
          %and3A = arith.andi %ne3A_125, %ne3A_120 : i1
          %add3A_126 = arith.addi %rem3A, %select_n3A : i32
          %select_n3A_127 = arith.select %and3A, %add3A_126, %rem3A : i32
          %eq3A_128 = arith.constant 1 : i32
          %eq3A_129 = arith.cmpi eq, %select_n3A_127, %eq3A_128 : i32
          %convert_element_type3A_130 = arith.extui %eq3A_129 : i1 to i32
          %cond3A_131 = arith.constant 0 : i32
          %cond3A_132 = arith.cmpi ne, %convert_element_type3A_130, %cond3A_131 : i32
          scf.if %cond3A_132 {
            "tpu.region"() ({
              %run_scoped3A = tpu.sem_alloc : memref<!tpu.dma_semaphore, #tpu.memory_space<semaphore_mem>>
              %dma_start3A_140 = arith.constant 0 : i32
              %dma_start3A_141 = tpu.memref_slice %arg9[%add3A_91, %dma_start3A_140] : memref<158x128xi32, #tpu.memory_space<vmem>> -> memref<1x128xi32, #tpu.memory_space<vmem>>
              %dma_start3A_142 = tpu.memref_squeeze %dma_start3A_141 : memref<1x128xi32, #tpu.memory_space<vmem>> -> memref<128xi32, #tpu.memory_space<vmem>>
              %dma_start3A_143 = arith.constant 0 : i32
              %dma_start3A_144 = arith.constant 0 : i32
              %dma_start3A_145 = tpu.memref_slice %arg18[%dma_start3A_143, %dma_start3A_144] : memref<10240x16xf32, #tpu.memory_space<vmem_shared>> -> memref<10240x16xf32, #tpu.memory_space<vmem_shared>>
              tpu.enqueue_indirect_dma source(%arg15 : memref<128x16xf32, #tpu.memory_space<vmem>>) target(%dma_start3A_145 : memref<10240x16xf32, #tpu.memory_space<vmem_shared>>) offsets(%dma_start3A_142 : memref<128xi32, #tpu.memory_space<vmem>>) semaphore(%run_scoped3A : memref<!tpu.dma_semaphore, #tpu.memory_space<semaphore_mem>>) {add = true}
              %dma_wait3A_146 = arith.constant 0 : i32
              %dma_wait3A_147 = tpu.memref_slice %arg9[%add3A_91, %dma_wait3A_146] : memref<158x128xi32, #tpu.memory_space<vmem>> -> memref<1x128xi32, #tpu.memory_space<vmem>>
              %dma_wait3A_148 = tpu.memref_squeeze %dma_wait3A_147 : memref<1x128xi32, #tpu.memory_space<vmem>> -> memref<128xi32, #tpu.memory_space<vmem>>
              %dma_wait3A_149 = arith.constant 0 : i32
              %dma_wait3A_150 = arith.constant 0 : i32
              %dma_wait3A_151 = tpu.memref_slice %arg18[%dma_wait3A_149, %dma_wait3A_150] : memref<10240x16xf32, #tpu.memory_space<vmem_shared>> -> memref<10240x16xf32, #tpu.memory_space<vmem_shared>>
              tpu.wait_indirect_dma semaphore(%run_scoped3A : memref<!tpu.dma_semaphore, #tpu.memory_space<semaphore_mem>>) src(%arg15 : memref<128x16xf32, #tpu.memory_space<vmem>>) dst(%dma_wait3A_151 : memref<10240x16xf32, #tpu.memory_space<vmem_shared>>)
              tpu.yield
            }) : () -> ()
          } else {
          }
          %add3A_133 = arith.constant 2 : i32
          %add3A_134 = arith.addi %add3A_91, %add3A_133 : i32
          %lt3A_135 = arith.constant 158 : i32
          %lt3A_136 = arith.cmpi slt, %add3A_134, %lt3A_135 : i32
          %convert_element_type3A_137 = arith.extui %lt3A_136 : i1 to i32
          %cond3A_138 = arith.constant 0 : i32
          %cond3A_139 = arith.cmpi ne, %convert_element_type3A_137, %cond3A_138 : i32
          scf.if %cond3A_139 {
            %add3A_140 = arith.constant 2 : i32
            %add3A_141 = arith.addi %add3A_91, %add3A_140 : i32
            %dma_start3A_142 = arith.constant 0 : i32
            %dma_start3A_143 = tpu.memref_slice %arg8[%add3A_141, %dma_start3A_142] : memref<158x128xi32, #tpu.memory_space<vmem>> -> memref<1x128xi32, #tpu.memory_space<vmem>>
            %dma_start3A_144 = tpu.memref_squeeze %dma_start3A_143 : memref<1x128xi32, #tpu.memory_space<vmem>> -> memref<128xi32, #tpu.memory_space<vmem>>
            %dma_start3A_145 = arith.constant 0 : i32
            %dma_start3A_146 = arith.constant 0 : i32
            %dma_start3A_147 = tpu.memref_slice %arg3[%dma_start3A_145, %dma_start3A_146] : memref<10240x64xf32, #tpu.memory_space<hbm>> -> memref<10240x64xf32, #tpu.memory_space<hbm>>
            tpu.enqueue_indirect_dma source(%dma_start3A_147 : memref<10240x64xf32, #tpu.memory_space<hbm>>) target(%arg14 : memref<128x64xf32, #tpu.memory_space<vmem>>) offsets(%dma_start3A_144 : memref<128xi32, #tpu.memory_space<vmem>>) semaphore(%arg22 : memref<!tpu.dma_semaphore, #tpu.memory_space<semaphore_mem>>)
          } else {
          }
        } else {
        }
        %add3A_97 = arith.constant 2 : i32
        %add3A_98 = arith.addi %mul3A_83, %add3A_97 : i32
        %lt3A_99 = arith.constant 158 : i32
        %lt3A_100 = arith.cmpi slt, %add3A_98, %lt3A_99 : i32
        %convert_element_type3A_101 = arith.extui %lt3A_100 : i1 to i32
        %cond3A_102 = arith.constant 0 : i32
        %cond3A_103 = arith.cmpi ne, %convert_element_type3A_101, %cond3A_102 : i32
        scf.if %cond3A_103 {
          %dma_wait3A_111 = arith.constant 0 : i32
          %dma_wait3A_112 = tpu.memref_slice %arg8[%add3A_98, %dma_wait3A_111] : memref<158x128xi32, #tpu.memory_space<vmem>> -> memref<1x128xi32, #tpu.memory_space<vmem>>
          %dma_wait3A_113 = tpu.memref_squeeze %dma_wait3A_112 : memref<1x128xi32, #tpu.memory_space<vmem>> -> memref<128xi32, #tpu.memory_space<vmem>>
          %dma_wait3A_114 = arith.constant 0 : i32
          %dma_wait3A_115 = arith.constant 0 : i32
          %dma_wait3A_116 = tpu.memref_slice %arg3[%dma_wait3A_114, %dma_wait3A_115] : memref<10240x64xf32, #tpu.memory_space<hbm>> -> memref<10240x64xf32, #tpu.memory_space<hbm>>
          tpu.wait_indirect_dma semaphore(%arg21 : memref<!tpu.dma_semaphore, #tpu.memory_space<semaphore_mem>>) src(%dma_wait3A_116 : memref<10240x64xf32, #tpu.memory_space<hbm>>) dst(%arg13 : memref<128x64xf32, #tpu.memory_space<vmem>>)
          "tpu.region"() ({
            %run_scoped3A = tpu.sem_alloc : memref<!tpu.dma_semaphore, #tpu.memory_space<semaphore_mem>>
            %dma_start3A_140 = arith.constant 0 : i32
            %dma_start3A_141 = tpu.memref_slice %arg9[%add3A_98, %dma_start3A_140] : memref<158x128xi32, #tpu.memory_space<vmem>> -> memref<1x128xi32, #tpu.memory_space<vmem>>
            %dma_start3A_142 = tpu.memref_squeeze %dma_start3A_141 : memref<1x128xi32, #tpu.memory_space<vmem>> -> memref<128xi32, #tpu.memory_space<vmem>>
            %dma_start3A_143 = arith.constant 0 : i32
            %dma_start3A_144 = arith.constant 0 : i32
            %dma_start3A_145 = tpu.memref_slice %arg17[%dma_start3A_143, %dma_start3A_144] : memref<10240x64xf32, #tpu.memory_space<vmem_shared>> -> memref<10240x64xf32, #tpu.memory_space<vmem_shared>>
            tpu.enqueue_indirect_dma source(%arg13 : memref<128x64xf32, #tpu.memory_space<vmem>>) target(%dma_start3A_145 : memref<10240x64xf32, #tpu.memory_space<vmem_shared>>) offsets(%dma_start3A_142 : memref<128xi32, #tpu.memory_space<vmem>>) semaphore(%run_scoped3A : memref<!tpu.dma_semaphore, #tpu.memory_space<semaphore_mem>>) {add = true}
            %dma_wait3A_146 = arith.constant 0 : i32
            %dma_wait3A_147 = tpu.memref_slice %arg9[%add3A_98, %dma_wait3A_146] : memref<158x128xi32, #tpu.memory_space<vmem>> -> memref<1x128xi32, #tpu.memory_space<vmem>>
            %dma_wait3A_148 = tpu.memref_squeeze %dma_wait3A_147 : memref<1x128xi32, #tpu.memory_space<vmem>> -> memref<128xi32, #tpu.memory_space<vmem>>
            %dma_wait3A_149 = arith.constant 0 : i32
            %dma_wait3A_150 = arith.constant 0 : i32
            %dma_wait3A_151 = tpu.memref_slice %arg17[%dma_wait3A_149, %dma_wait3A_150] : memref<10240x64xf32, #tpu.memory_space<vmem_shared>> -> memref<10240x64xf32, #tpu.memory_space<vmem_shared>>
            tpu.wait_indirect_dma semaphore(%run_scoped3A : memref<!tpu.dma_semaphore, #tpu.memory_space<semaphore_mem>>) src(%arg13 : memref<128x64xf32, #tpu.memory_space<vmem>>) dst(%dma_wait3A_151 : memref<10240x64xf32, #tpu.memory_space<vmem_shared>>)
            tpu.yield
          }) : () -> ()
          %jit3A = arith.constant 2 : i32
          %eq3A_117 = arith.constant 0 : i32
          %eq3A_118 = arith.cmpi eq, %jit3A, %eq3A_117 : i32
          %jit3A_119 = arith.constant 1 : i32
          %select_n3A = arith.select %eq3A_118, %jit3A_119, %jit3A : i32
          %rem3A = arith.remsi %add3A_98, %select_n3A : i32
          %ne3A = arith.constant 0 : i32
          %ne3A_120 = arith.cmpi ne, %rem3A, %ne3A : i32
          %lt3A_121 = arith.constant 0 : i32
          %lt3A_122 = arith.cmpi slt, %rem3A, %lt3A_121 : i32
          %lt3A_123 = arith.constant 0 : i32
          %lt3A_124 = arith.cmpi slt, %select_n3A, %lt3A_123 : i32
          %ne3A_125 = arith.xori %lt3A_122, %lt3A_124 : i1
          %and3A = arith.andi %ne3A_125, %ne3A_120 : i1
          %add3A_126 = arith.addi %rem3A, %select_n3A : i32
          %select_n3A_127 = arith.select %and3A, %add3A_126, %rem3A : i32
          %eq3A_128 = arith.constant 1 : i32
          %eq3A_129 = arith.cmpi eq, %select_n3A_127, %eq3A_128 : i32
          %convert_element_type3A_130 = arith.extui %eq3A_129 : i1 to i32
          %cond3A_131 = arith.constant 0 : i32
          %cond3A_132 = arith.cmpi ne, %convert_element_type3A_130, %cond3A_131 : i32
          scf.if %cond3A_132 {
            "tpu.region"() ({
              %run_scoped3A = tpu.sem_alloc : memref<!tpu.dma_semaphore, #tpu.memory_space<semaphore_mem>>
              %dma_start3A_140 = arith.constant 0 : i32
              %dma_start3A_141 = tpu.memref_slice %arg9[%add3A_98, %dma_start3A_140] : memref<158x128xi32, #tpu.memory_space<vmem>> -> memref<1x128xi32, #tpu.memory_space<vmem>>
              %dma_start3A_142 = tpu.memref_squeeze %dma_start3A_141 : memref<1x128xi32, #tpu.memory_space<vmem>> -> memref<128xi32, #tpu.memory_space<vmem>>
              %dma_start3A_143 = arith.constant 0 : i32
              %dma_start3A_144 = arith.constant 0 : i32
              %dma_start3A_145 = tpu.memref_slice %arg18[%dma_start3A_143, %dma_start3A_144] : memref<10240x16xf32, #tpu.memory_space<vmem_shared>> -> memref<10240x16xf32, #tpu.memory_space<vmem_shared>>
              tpu.enqueue_indirect_dma source(%arg15 : memref<128x16xf32, #tpu.memory_space<vmem>>) target(%dma_start3A_145 : memref<10240x16xf32, #tpu.memory_space<vmem_shared>>) offsets(%dma_start3A_142 : memref<128xi32, #tpu.memory_space<vmem>>) semaphore(%run_scoped3A : memref<!tpu.dma_semaphore, #tpu.memory_space<semaphore_mem>>) {add = true}
              %dma_wait3A_146 = arith.constant 0 : i32
              %dma_wait3A_147 = tpu.memref_slice %arg9[%add3A_98, %dma_wait3A_146] : memref<158x128xi32, #tpu.memory_space<vmem>> -> memref<1x128xi32, #tpu.memory_space<vmem>>
              %dma_wait3A_148 = tpu.memref_squeeze %dma_wait3A_147 : memref<1x128xi32, #tpu.memory_space<vmem>> -> memref<128xi32, #tpu.memory_space<vmem>>
              %dma_wait3A_149 = arith.constant 0 : i32
              %dma_wait3A_150 = arith.constant 0 : i32
              %dma_wait3A_151 = tpu.memref_slice %arg18[%dma_wait3A_149, %dma_wait3A_150] : memref<10240x16xf32, #tpu.memory_space<vmem_shared>> -> memref<10240x16xf32, #tpu.memory_space<vmem_shared>>
              tpu.wait_indirect_dma semaphore(%run_scoped3A : memref<!tpu.dma_semaphore, #tpu.memory_space<semaphore_mem>>) src(%arg15 : memref<128x16xf32, #tpu.memory_space<vmem>>) dst(%dma_wait3A_151 : memref<10240x16xf32, #tpu.memory_space<vmem_shared>>)
              tpu.yield
            }) : () -> ()
          } else {
          }
          %add3A_133 = arith.constant 2 : i32
          %add3A_134 = arith.addi %add3A_98, %add3A_133 : i32
          %lt3A_135 = arith.constant 158 : i32
          %lt3A_136 = arith.cmpi slt, %add3A_134, %lt3A_135 : i32
          %convert_element_type3A_137 = arith.extui %lt3A_136 : i1 to i32
          %cond3A_138 = arith.constant 0 : i32
          %cond3A_139 = arith.cmpi ne, %convert_element_type3A_137, %cond3A_138 : i32
          scf.if %cond3A_139 {
            %add3A_140 = arith.constant 2 : i32
            %add3A_141 = arith.addi %add3A_98, %add3A_140 : i32
            %dma_start3A_142 = arith.constant 0 : i32
            %dma_start3A_143 = tpu.memref_slice %arg8[%add3A_141, %dma_start3A_142] : memref<158x128xi32, #tpu.memory_space<vmem>> -> memref<1x128xi32, #tpu.memory_space<vmem>>
            %dma_start3A_144 = tpu.memref_squeeze %dma_start3A_143 : memref<1x128xi32, #tpu.memory_space<vmem>> -> memref<128xi32, #tpu.memory_space<vmem>>
            %dma_start3A_145 = arith.constant 0 : i32
            %dma_start3A_146 = arith.constant 0 : i32
            %dma_start3A_147 = tpu.memref_slice %arg3[%dma_start3A_145, %dma_start3A_146] : memref<10240x64xf32, #tpu.memory_space<hbm>> -> memref<10240x64xf32, #tpu.memory_space<hbm>>
            tpu.enqueue_indirect_dma source(%dma_start3A_147 : memref<10240x64xf32, #tpu.memory_space<hbm>>) target(%arg11 : memref<128x64xf32, #tpu.memory_space<vmem>>) offsets(%dma_start3A_144 : memref<128xi32, #tpu.memory_space<vmem>>) semaphore(%arg19 : memref<!tpu.dma_semaphore, #tpu.memory_space<semaphore_mem>>)
          } else {
          }
        } else {
        }
        %add3A_104 = arith.constant 3 : i32
        %add3A_105 = arith.addi %mul3A_83, %add3A_104 : i32
        %lt3A_106 = arith.constant 158 : i32
        %lt3A_107 = arith.cmpi slt, %add3A_105, %lt3A_106 : i32
        %convert_element_type3A_108 = arith.extui %lt3A_107 : i1 to i32
        %cond3A_109 = arith.constant 0 : i32
        %cond3A_110 = arith.cmpi ne, %convert_element_type3A_108, %cond3A_109 : i32
        scf.if %cond3A_110 {
          %dma_wait3A_111 = arith.constant 0 : i32
          %dma_wait3A_112 = tpu.memref_slice %arg8[%add3A_105, %dma_wait3A_111] : memref<158x128xi32, #tpu.memory_space<vmem>> -> memref<1x128xi32, #tpu.memory_space<vmem>>
          %dma_wait3A_113 = tpu.memref_squeeze %dma_wait3A_112 : memref<1x128xi32, #tpu.memory_space<vmem>> -> memref<128xi32, #tpu.memory_space<vmem>>
          %dma_wait3A_114 = arith.constant 0 : i32
          %dma_wait3A_115 = arith.constant 0 : i32
          %dma_wait3A_116 = tpu.memref_slice %arg3[%dma_wait3A_114, %dma_wait3A_115] : memref<10240x64xf32, #tpu.memory_space<hbm>> -> memref<10240x64xf32, #tpu.memory_space<hbm>>
          tpu.wait_indirect_dma semaphore(%arg22 : memref<!tpu.dma_semaphore, #tpu.memory_space<semaphore_mem>>) src(%dma_wait3A_116 : memref<10240x64xf32, #tpu.memory_space<hbm>>) dst(%arg14 : memref<128x64xf32, #tpu.memory_space<vmem>>)
          "tpu.region"() ({
            %run_scoped3A = tpu.sem_alloc : memref<!tpu.dma_semaphore, #tpu.memory_space<semaphore_mem>>
            %dma_start3A_140 = arith.constant 0 : i32
            %dma_start3A_141 = tpu.memref_slice %arg9[%add3A_105, %dma_start3A_140] : memref<158x128xi32, #tpu.memory_space<vmem>> -> memref<1x128xi32, #tpu.memory_space<vmem>>
            %dma_start3A_142 = tpu.memref_squeeze %dma_start3A_141 : memref<1x128xi32, #tpu.memory_space<vmem>> -> memref<128xi32, #tpu.memory_space<vmem>>
            %dma_start3A_143 = arith.constant 0 : i32
            %dma_start3A_144 = arith.constant 0 : i32
            %dma_start3A_145 = tpu.memref_slice %arg17[%dma_start3A_143, %dma_start3A_144] : memref<10240x64xf32, #tpu.memory_space<vmem_shared>> -> memref<10240x64xf32, #tpu.memory_space<vmem_shared>>
            tpu.enqueue_indirect_dma source(%arg14 : memref<128x64xf32, #tpu.memory_space<vmem>>) target(%dma_start3A_145 : memref<10240x64xf32, #tpu.memory_space<vmem_shared>>) offsets(%dma_start3A_142 : memref<128xi32, #tpu.memory_space<vmem>>) semaphore(%run_scoped3A : memref<!tpu.dma_semaphore, #tpu.memory_space<semaphore_mem>>) {add = true}
            %dma_wait3A_146 = arith.constant 0 : i32
            %dma_wait3A_147 = tpu.memref_slice %arg9[%add3A_105, %dma_wait3A_146] : memref<158x128xi32, #tpu.memory_space<vmem>> -> memref<1x128xi32, #tpu.memory_space<vmem>>
            %dma_wait3A_148 = tpu.memref_squeeze %dma_wait3A_147 : memref<1x128xi32, #tpu.memory_space<vmem>> -> memref<128xi32, #tpu.memory_space<vmem>>
            %dma_wait3A_149 = arith.constant 0 : i32
            %dma_wait3A_150 = arith.constant 0 : i32
            %dma_wait3A_151 = tpu.memref_slice %arg17[%dma_wait3A_149, %dma_wait3A_150] : memref<10240x64xf32, #tpu.memory_space<vmem_shared>> -> memref<10240x64xf32, #tpu.memory_space<vmem_shared>>
            tpu.wait_indirect_dma semaphore(%run_scoped3A : memref<!tpu.dma_semaphore, #tpu.memory_space<semaphore_mem>>) src(%arg14 : memref<128x64xf32, #tpu.memory_space<vmem>>) dst(%dma_wait3A_151 : memref<10240x64xf32, #tpu.memory_space<vmem_shared>>)
            tpu.yield
          }) : () -> ()
          %jit3A = arith.constant 2 : i32
          %eq3A_117 = arith.constant 0 : i32
          %eq3A_118 = arith.cmpi eq, %jit3A, %eq3A_117 : i32
          %jit3A_119 = arith.constant 1 : i32
          %select_n3A = arith.select %eq3A_118, %jit3A_119, %jit3A : i32
          %rem3A = arith.remsi %add3A_105, %select_n3A : i32
          %ne3A = arith.constant 0 : i32
          %ne3A_120 = arith.cmpi ne, %rem3A, %ne3A : i32
          %lt3A_121 = arith.constant 0 : i32
          %lt3A_122 = arith.cmpi slt, %rem3A, %lt3A_121 : i32
          %lt3A_123 = arith.constant 0 : i32
          %lt3A_124 = arith.cmpi slt, %select_n3A, %lt3A_123 : i32
          %ne3A_125 = arith.xori %lt3A_122, %lt3A_124 : i1
          %and3A = arith.andi %ne3A_125, %ne3A_120 : i1
          %add3A_126 = arith.addi %rem3A, %select_n3A : i32
          %select_n3A_127 = arith.select %and3A, %add3A_126, %rem3A : i32
          %eq3A_128 = arith.constant 1 : i32
          %eq3A_129 = arith.cmpi eq, %select_n3A_127, %eq3A_128 : i32
          %convert_element_type3A_130 = arith.extui %eq3A_129 : i1 to i32
          %cond3A_131 = arith.constant 0 : i32
          %cond3A_132 = arith.cmpi ne, %convert_element_type3A_130, %cond3A_131 : i32
          scf.if %cond3A_132 {
            "tpu.region"() ({
              %run_scoped3A = tpu.sem_alloc : memref<!tpu.dma_semaphore, #tpu.memory_space<semaphore_mem>>
              %dma_start3A_140 = arith.constant 0 : i32
              %dma_start3A_141 = tpu.memref_slice %arg9[%add3A_105, %dma_start3A_140] : memref<158x128xi32, #tpu.memory_space<vmem>> -> memref<1x128xi32, #tpu.memory_space<vmem>>
              %dma_start3A_142 = tpu.memref_squeeze %dma_start3A_141 : memref<1x128xi32, #tpu.memory_space<vmem>> -> memref<128xi32, #tpu.memory_space<vmem>>
              %dma_start3A_143 = arith.constant 0 : i32
              %dma_start3A_144 = arith.constant 0 : i32
              %dma_start3A_145 = tpu.memref_slice %arg18[%dma_start3A_143, %dma_start3A_144] : memref<10240x16xf32, #tpu.memory_space<vmem_shared>> -> memref<10240x16xf32, #tpu.memory_space<vmem_shared>>
              tpu.enqueue_indirect_dma source(%arg15 : memref<128x16xf32, #tpu.memory_space<vmem>>) target(%dma_start3A_145 : memref<10240x16xf32, #tpu.memory_space<vmem_shared>>) offsets(%dma_start3A_142 : memref<128xi32, #tpu.memory_space<vmem>>) semaphore(%run_scoped3A : memref<!tpu.dma_semaphore, #tpu.memory_space<semaphore_mem>>) {add = true}
              %dma_wait3A_146 = arith.constant 0 : i32
              %dma_wait3A_147 = tpu.memref_slice %arg9[%add3A_105, %dma_wait3A_146] : memref<158x128xi32, #tpu.memory_space<vmem>> -> memref<1x128xi32, #tpu.memory_space<vmem>>
              %dma_wait3A_148 = tpu.memref_squeeze %dma_wait3A_147 : memref<1x128xi32, #tpu.memory_space<vmem>> -> memref<128xi32, #tpu.memory_space<vmem>>
              %dma_wait3A_149 = arith.constant 0 : i32
              %dma_wait3A_150 = arith.constant 0 : i32
              %dma_wait3A_151 = tpu.memref_slice %arg18[%dma_wait3A_149, %dma_wait3A_150] : memref<10240x16xf32, #tpu.memory_space<vmem_shared>> -> memref<10240x16xf32, #tpu.memory_space<vmem_shared>>
              tpu.wait_indirect_dma semaphore(%run_scoped3A : memref<!tpu.dma_semaphore, #tpu.memory_space<semaphore_mem>>) src(%arg15 : memref<128x16xf32, #tpu.memory_space<vmem>>) dst(%dma_wait3A_151 : memref<10240x16xf32, #tpu.memory_space<vmem_shared>>)
              tpu.yield
            }) : () -> ()
          } else {
          }
          %add3A_133 = arith.constant 2 : i32
          %add3A_134 = arith.addi %add3A_105, %add3A_133 : i32
          %lt3A_135 = arith.constant 158 : i32
          %lt3A_136 = arith.cmpi slt, %add3A_134, %lt3A_135 : i32
          %convert_element_type3A_137 = arith.extui %lt3A_136 : i1 to i32
          %cond3A_138 = arith.constant 0 : i32
          %cond3A_139 = arith.cmpi ne, %convert_element_type3A_137, %cond3A_138 : i32
          scf.if %cond3A_139 {
            %add3A_140 = arith.constant 2 : i32
            %add3A_141 = arith.addi %add3A_105, %add3A_140 : i32
            %dma_start3A_142 = arith.constant 0 : i32
            %dma_start3A_143 = tpu.memref_slice %arg8[%add3A_141, %dma_start3A_142] : memref<158x128xi32, #tpu.memory_space<vmem>> -> memref<1x128xi32, #tpu.memory_space<vmem>>
            %dma_start3A_144 = tpu.memref_squeeze %dma_start3A_143 : memref<1x128xi32, #tpu.memory_space<vmem>> -> memref<128xi32, #tpu.memory_space<vmem>>
            %dma_start3A_145 = arith.constant 0 : i32
            %dma_start3A_146 = arith.constant 0 : i32
            %dma_start3A_147 = tpu.memref_slice %arg3[%dma_start3A_145, %dma_start3A_146] : memref<10240x64xf32, #tpu.memory_space<hbm>> -> memref<10240x64xf32, #tpu.memory_space<hbm>>
            tpu.enqueue_indirect_dma source(%dma_start3A_147 : memref<10240x64xf32, #tpu.memory_space<hbm>>) target(%arg12 : memref<128x64xf32, #tpu.memory_space<vmem>>) offsets(%dma_start3A_144 : memref<128xi32, #tpu.memory_space<vmem>>) semaphore(%arg20 : memref<!tpu.dma_semaphore, #tpu.memory_space<semaphore_mem>>)
          } else {
          }
        } else {
        }
      }
      %scan3A_80 = arith.constant 40 : i32
    } else {
    }
    %barrier3A_50 = arith.constant 0 : index
    tpu.barrier barrier_id(%barrier3A_50)
    %eq3A_51 = arith.constant 0 : i32
    %eq3A_52 = arith.cmpi eq, %arg0, %eq3A_51 : i32
    %convert_element_type3A_53 = arith.extui %eq3A_52 : i1 to i32
    %cond3A_54 = arith.constant 0 : i32
    %cond3A_55 = arith.cmpi ne, %convert_element_type3A_53, %cond3A_54 : i32
    scf.if %cond3A_55 {
      "tpu.region"() ({
        %run_scoped3A = tpu.sem_alloc : memref<!tpu.dma_semaphore, #tpu.memory_space<semaphore_mem>>
        %dma_start3A_61 = arith.constant 0 : i32
        %dma_start3A_62 = tpu.memref_slice %arg6[%mul3A_16, %dma_start3A_61] : memref<10240x128xf32, #tpu.memory_space<hbm>> -> memref<640x64xf32, #tpu.memory_space<hbm>>
        %dma_start3A_63 = arith.constant 0 : i32
        %dma_start3A_64 = tpu.memref_slice %arg17[%mul3A_16, %dma_start3A_63] : memref<10240x64xf32, #tpu.memory_space<vmem_shared>> -> memref<640x64xf32, #tpu.memory_space<vmem_shared>>
        tpu.enqueue_dma source(%dma_start3A_64 : memref<640x64xf32, #tpu.memory_space<vmem_shared>>) target(%dma_start3A_62 : memref<640x64xf32, #tpu.memory_space<hbm>>) target_semaphore(%run_scoped3A : memref<!tpu.dma_semaphore, #tpu.memory_space<semaphore_mem>>)
        %dma_wait3A_65 = arith.constant 0 : i32
        %dma_wait3A_66 = tpu.memref_slice %arg6[%mul3A_16, %dma_wait3A_65] : memref<10240x128xf32, #tpu.memory_space<hbm>> -> memref<640x64xf32, #tpu.memory_space<hbm>>
        %dma_wait3A_67 = arith.constant 0 : i32
        %dma_wait3A_68 = tpu.memref_slice %arg17[%mul3A_16, %dma_wait3A_67] : memref<10240x64xf32, #tpu.memory_space<vmem_shared>> -> memref<640x64xf32, #tpu.memory_space<vmem_shared>>
        tpu.wait_dma2 semaphore(%run_scoped3A : memref<!tpu.dma_semaphore, #tpu.memory_space<semaphore_mem>>) src(%dma_wait3A_68 : memref<640x64xf32, #tpu.memory_space<vmem_shared>>) dst(%dma_wait3A_66 : memref<640x64xf32, #tpu.memory_space<hbm>>)
        tpu.yield
      }) : () -> ()
    } else {
    }
    %eq3A_56 = arith.constant 1 : i32
    %eq3A_57 = arith.cmpi eq, %arg0, %eq3A_56 : i32
    %convert_element_type3A_58 = arith.extui %eq3A_57 : i1 to i32
    %cond3A_59 = arith.constant 0 : i32
    %cond3A_60 = arith.cmpi ne, %convert_element_type3A_58, %cond3A_59 : i32
    scf.if %cond3A_60 {
      "tpu.region"() ({
        %run_scoped3A = tpu.sem_alloc : memref<!tpu.dma_semaphore, #tpu.memory_space<semaphore_mem>>
        %dma_start3A_61 = arith.constant 64 : i32
        %dma_start3A_62 = tpu.memref_slice %arg6[%mul3A_16, %dma_start3A_61] : memref<10240x128xf32, #tpu.memory_space<hbm>> -> memref<640x64xf32, #tpu.memory_space<hbm>>
        %dma_start3A_63 = arith.constant 0 : i32
        %dma_start3A_64 = tpu.memref_slice %arg17[%mul3A_16, %dma_start3A_63] : memref<10240x64xf32, #tpu.memory_space<vmem_shared>> -> memref<640x64xf32, #tpu.memory_space<vmem_shared>>
        tpu.enqueue_dma source(%dma_start3A_64 : memref<640x64xf32, #tpu.memory_space<vmem_shared>>) target(%dma_start3A_62 : memref<640x64xf32, #tpu.memory_space<hbm>>) target_semaphore(%run_scoped3A : memref<!tpu.dma_semaphore, #tpu.memory_space<semaphore_mem>>)
        %dma_wait3A_65 = arith.constant 64 : i32
        %dma_wait3A_66 = tpu.memref_slice %arg6[%mul3A_16, %dma_wait3A_65] : memref<10240x128xf32, #tpu.memory_space<hbm>> -> memref<640x64xf32, #tpu.memory_space<hbm>>
        %dma_wait3A_67 = arith.constant 0 : i32
        %dma_wait3A_68 = tpu.memref_slice %arg17[%mul3A_16, %dma_wait3A_67] : memref<10240x64xf32, #tpu.memory_space<vmem_shared>> -> memref<640x64xf32, #tpu.memory_space<vmem_shared>>
        tpu.wait_dma2 semaphore(%run_scoped3A : memref<!tpu.dma_semaphore, #tpu.memory_space<semaphore_mem>>) src(%dma_wait3A_68 : memref<640x64xf32, #tpu.memory_space<vmem_shared>>) dst(%dma_wait3A_66 : memref<640x64xf32, #tpu.memory_space<hbm>>)
        tpu.yield
      }) : () -> ()
    } else {
    }
    "tpu.region"() ({
      %run_scoped3A = tpu.sem_alloc : memref<!tpu.dma_semaphore, #tpu.memory_space<semaphore_mem>>
      %dma_start3A_61 = arith.constant 0 : i32
      %dma_start3A_62 = tpu.memref_slice %arg7[%arg0, %mul3A_16, %dma_start3A_61] : memref<2x10240x16xf32, #tpu.memory_space<hbm>> -> memref<1x640x16xf32, #tpu.memory_space<hbm>>
      %dma_start3A_63 = tpu.memref_squeeze %dma_start3A_62 : memref<1x640x16xf32, #tpu.memory_space<hbm>> -> memref<640x16xf32, #tpu.memory_space<hbm>>
      %dma_start3A_64 = arith.constant 0 : i32
      %dma_start3A_65 = tpu.memref_slice %arg18[%mul3A_16, %dma_start3A_64] : memref<10240x16xf32, #tpu.memory_space<vmem_shared>> -> memref<640x16xf32, #tpu.memory_space<vmem_shared>>
      tpu.enqueue_dma source(%dma_start3A_65 : memref<640x16xf32, #tpu.memory_space<vmem_shared>>) target(%dma_start3A_63 : memref<640x16xf32, #tpu.memory_space<hbm>>) target_semaphore(%run_scoped3A : memref<!tpu.dma_semaphore, #tpu.memory_space<semaphore_mem>>)
      %dma_wait3A_66 = arith.constant 0 : i32
      %dma_wait3A_67 = tpu.memref_slice %arg7[%arg0, %mul3A_16, %dma_wait3A_66] : memref<2x10240x16xf32, #tpu.memory_space<hbm>> -> memref<1x640x16xf32, #tpu.memory_space<hbm>>
      %dma_wait3A_68 = tpu.memref_squeeze %dma_wait3A_67 : memref<1x640x16xf32, #tpu.memory_space<hbm>> -> memref<640x16xf32, #tpu.memory_space<hbm>>
      %dma_wait3A_69 = arith.constant 0 : i32
      %dma_wait3A_70 = tpu.memref_slice %arg18[%mul3A_16, %dma_wait3A_69] : memref<10240x16xf32, #tpu.memory_space<vmem_shared>> -> memref<640x16xf32, #tpu.memory_space<vmem_shared>>
      tpu.wait_dma2 semaphore(%run_scoped3A : memref<!tpu.dma_semaphore, #tpu.memory_space<semaphore_mem>>) src(%dma_wait3A_70 : memref<640x16xf32, #tpu.memory_space<vmem_shared>>) dst(%dma_wait3A_68 : memref<640x16xf32, #tpu.memory_space<hbm>>)
      tpu.yield
    }) : () -> ()
    return
  }
}

module attributes {stable_mosaic.version = 14 : i64} {
  func.func @body(%arg0: i32, %arg1: memref<1024x128xf32, #tpu.memory_space<vmem>>, %arg2: memref<2x1024x16xf32, #tpu.memory_space<vmem>>, %arg3: memref<1024x64xf32, #tpu.memory_space<vmem>>, %arg4: memref<1024x64xf32, #tpu.memory_space<vmem>>, %arg5: memref<128x256xf32, #tpu.memory_space<vmem>>, %arg6: memref<128x256xf32, #tpu.memory_space<vmem>>, %arg7: memref<1x256xf32, #tpu.memory_space<vmem>>, %arg8: memref<256x48xf32, #tpu.memory_space<vmem>>, %arg9: memref<256x40xf32, #tpu.memory_space<vmem>>, %arg10: memref<1024x48xf32, #tpu.memory_space<vmem>>, %arg11: memref<1024x40xf32, #tpu.memory_space<vmem>>, %arg12: memref<1024x1xf32, #tpu.memory_space<vmem>>) attributes {dimension_semantics = [#tpu.dimension_semantics<arbitrary>], iteration_bounds = array<i64: 10>, scalar_prefetch = 0 : i64, scratch_operands = 0 : i64, tpu.core_type = #tpu.core_type<tc>, window_params = [{transform_indices = @transform_0, window_bounds = array<i64: 1024, 128>}, {transform_indices = @transform_1, window_bounds = array<i64: 2, 1024, 16>}, {transform_indices = @transform_2, window_bounds = array<i64: 1024, 64>}, {transform_indices = @transform_3, window_bounds = array<i64: 1024, 64>}, {pipeline_mode = #tpu.pipeline_mode<synchronous>, transform_indices = @transform_4, window_bounds = array<i64: 128, 256>}, {pipeline_mode = #tpu.pipeline_mode<synchronous>, transform_indices = @transform_5, window_bounds = array<i64: 128, 256>}, {pipeline_mode = #tpu.pipeline_mode<synchronous>, transform_indices = @transform_6, window_bounds = array<i64: 1, 256>}, {pipeline_mode = #tpu.pipeline_mode<synchronous>, transform_indices = @transform_7, window_bounds = array<i64: 256, 48>}, {pipeline_mode = #tpu.pipeline_mode<synchronous>, transform_indices = @transform_8, window_bounds = array<i64: 256, 40>}, {transform_indices = @transform_9, window_bounds = array<i64: 1024, 48>}, {transform_indices = @transform_10, window_bounds = array<i64: 1024, 40>}, {transform_indices = @transform_11, window_bounds = array<i64: 1024, 1>}]} {
    %get3A = arith.constant 0 : index
    %get3A_0 = arith.constant 0 : index
    %get3A_1 = vector.load %arg3[%get3A, %get3A_0] : memref<1024x64xf32, #tpu.memory_space<vmem>>, vector<1024x64xf32>
    %get3A_2 = arith.constant 0 : index
    %get3A_3 = arith.constant 0 : index
    %get3A_4 = vector.load %arg4[%get3A_2, %get3A_3] : memref<1024x64xf32, #tpu.memory_space<vmem>>, vector<1024x64xf32>
    %concatenate3A = tpu.concatenate %get3A_1, %get3A_4 in 1 : vector<1024x64xf32>, vector<1024x64xf32> -> vector<1024x128xf32>
    %get3A_5 = arith.constant 0 : index
    %get3A_6 = arith.constant 0 : index
    %get3A_7 = arith.constant 0 : index
    %get3A_8 = vector.load %arg2[%get3A_5, %get3A_6, %get3A_7] : memref<2x1024x16xf32, #tpu.memory_space<vmem>>, vector<1x1024x1xf32>
    %get3A_9 = vector.shape_cast %get3A_8 : vector<1x1024x1xf32> to vector<1024x1xf32>
    %get3A_10 = arith.constant 1 : index
    %get3A_11 = arith.constant 0 : index
    %get3A_12 = arith.constant 0 : index
    %get3A_13 = vector.load %arg2[%get3A_10, %get3A_11, %get3A_12] : memref<2x1024x16xf32, #tpu.memory_space<vmem>>, vector<1x1024x1xf32>
    %get3A_14 = vector.shape_cast %get3A_13 : vector<1x1024x1xf32> to vector<1024x1xf32>
    %add3A = arith.addf %get3A_9, %get3A_14 : vector<1024x1xf32>
    %swap3A = arith.constant 0 : index
    %swap3A_15 = arith.constant 0 : index
    %swap3A_16 = vector.load %arg12[%swap3A, %swap3A_15] : memref<1024x1xf32, #tpu.memory_space<vmem>>, vector<1024x1xf32>
    tpu.vector_store %arg12[%swap3A, %swap3A_15], %add3A {strides = array<i32>} : memref<1024x1xf32, #tpu.memory_space<vmem>>, vector<1024x1xf32>,
    %get3A_17 = arith.constant 0 : index
    %get3A_18 = arith.constant 0 : index
    %get3A_19 = vector.load %arg1[%get3A_17, %get3A_18] : memref<1024x128xf32, #tpu.memory_space<vmem>>, vector<1024x128xf32>
    %max3A = arith.constant 1.000000e+00 : f32
    %max3A_20 = vector.broadcast %max3A : f32 to vector<1024x1xf32>
    %max3A_21 = arith.maximumf %add3A, %max3A_20 : vector<1024x1xf32>
    %div3A = vector.broadcast %max3A_21 : vector<1024x1xf32> to vector<1024x128xf32>
    %div3A_22 = arith.divf %get3A_19, %div3A : vector<1024x128xf32>
    %get3A_23 = arith.constant 0 : index
    %get3A_24 = arith.constant 0 : index
    %get3A_25 = vector.load %arg5[%get3A_23, %get3A_24] : memref<128x256xf32, #tpu.memory_space<vmem>>, vector<128x256xf32>
    %dot_general3A = arith.constant dense<0.000000e+00> : vector<1024x256xf32>
    %dot_general3A_26 = tpu.matmul %div3A_22, %get3A_25, %dot_general3A {dimension_numbers = #tpu.dot_dimension_numbers<[1], [0], [0], [1], [0, 0, 1, 1], [], []>, transpose_lhs_hint = false} : vector<1024x128xf32>, vector<128x256xf32>, vector<1024x256xf32> -> vector<1024x256xf32>
    %get3A_27 = arith.constant 0 : index
    %get3A_28 = arith.constant 0 : index
    %get3A_29 = vector.load %arg6[%get3A_27, %get3A_28] : memref<128x256xf32, #tpu.memory_space<vmem>>, vector<128x256xf32>
    %dot_general3A_30 = arith.constant dense<0.000000e+00> : vector<1024x256xf32>
    %dot_general3A_31 = tpu.matmul %concatenate3A, %get3A_29, %dot_general3A_30 {dimension_numbers = #tpu.dot_dimension_numbers<[1], [0], [0], [1], [0, 0, 1, 1], [], []>, transpose_lhs_hint = false} : vector<1024x128xf32>, vector<128x256xf32>, vector<1024x256xf32> -> vector<1024x256xf32>
    %add3A_32 = arith.addf %dot_general3A_26, %dot_general3A_31 : vector<1024x256xf32>
    %get3A_33 = arith.constant 0 : index
    %get3A_34 = arith.constant 0 : index
    %get3A_35 = vector.load %arg7[%get3A_33, %get3A_34] : memref<1x256xf32, #tpu.memory_space<vmem>>, vector<1x256xf32>
    %add3A_36 = vector.broadcast %get3A_35 : vector<1x256xf32> to vector<1024x256xf32>
    %add3A_37 = arith.addf %add3A_32, %add3A_36 : vector<1024x256xf32>
    %max3A_38 = arith.constant 0.000000e+00 : f32
    %max3A_39 = vector.broadcast %max3A_38 : f32 to vector<1024x256xf32>
    %max3A_40 = arith.maximumf %add3A_37, %max3A_39 : vector<1024x256xf32>
    %get3A_41 = arith.constant 0 : index
    %get3A_42 = arith.constant 0 : index
    %get3A_43 = vector.load %arg8[%get3A_41, %get3A_42] : memref<256x48xf32, #tpu.memory_space<vmem>>, vector<256x48xf32>
    %dot_general3A_44 = arith.constant dense<0.000000e+00> : vector<1024x48xf32>
    %dot_general3A_45 = tpu.matmul %max3A_40, %get3A_43, %dot_general3A_44 {dimension_numbers = #tpu.dot_dimension_numbers<[1], [0], [0], [1], [0, 0, 1, 1], [], []>, transpose_lhs_hint = false} : vector<1024x256xf32>, vector<256x48xf32>, vector<1024x48xf32> -> vector<1024x48xf32>
    %swap3A_46 = arith.constant 0 : index
    %swap3A_47 = arith.constant 0 : index
    %swap3A_48 = vector.load %arg10[%swap3A_46, %swap3A_47] : memref<1024x48xf32, #tpu.memory_space<vmem>>, vector<1024x48xf32>
    tpu.vector_store %arg10[%swap3A_46, %swap3A_47], %dot_general3A_45 {strides = array<i32>} : memref<1024x48xf32, #tpu.memory_space<vmem>>, vector<1024x48xf32>,
    %get3A_49 = arith.constant 0 : index
    %get3A_50 = arith.constant 0 : index
    %get3A_51 = vector.load %arg9[%get3A_49, %get3A_50] : memref<256x40xf32, #tpu.memory_space<vmem>>, vector<256x40xf32>
    %dot_general3A_52 = arith.constant dense<0.000000e+00> : vector<1024x40xf32>
    %dot_general3A_53 = tpu.matmul %max3A_40, %get3A_51, %dot_general3A_52 {dimension_numbers = #tpu.dot_dimension_numbers<[1], [0], [0], [1], [0, 0, 1, 1], [], []>, transpose_lhs_hint = false} : vector<1024x256xf32>, vector<256x40xf32>, vector<1024x40xf32> -> vector<1024x40xf32>
    %swap3A_54 = arith.constant 0 : index
    %swap3A_55 = arith.constant 0 : index
    %swap3A_56 = vector.load %arg11[%swap3A_54, %swap3A_55] : memref<1024x40xf32, #tpu.memory_space<vmem>>, vector<1024x40xf32>
    tpu.vector_store %arg11[%swap3A_54, %swap3A_55], %dot_general3A_53 {strides = array<i32>} : memref<1024x40xf32, #tpu.memory_space<vmem>>, vector<1024x40xf32>,
    return
  }
  func.func @transform_0(%arg0: i32) -> (i32, i32) {
    %c0_i32 = arith.constant 0 : i32
    %c0_i32_0 = arith.constant 0 : i32
    return %arg0, %c0_i32 : i32, i32
  }
  func.func @transform_1(%arg0: i32) -> (i32, i32, i32) {
    %c0_i32 = arith.constant 0 : i32
    %c0_i32_0 = arith.constant 0 : i32
    %c0_i32_1 = arith.constant 0 : i32
    return %c0_i32, %arg0, %c0_i32_0 : i32, i32, i32
  }
  func.func @transform_2(%arg0: i32) -> (i32, i32) {
    %c0_i32 = arith.constant 0 : i32
    %c0_i32_0 = arith.constant 0 : i32
    return %arg0, %c0_i32 : i32, i32
  }
  func.func @transform_3(%arg0: i32) -> (i32, i32) {
    %c0_i32 = arith.constant 0 : i32
    %c0_i32_0 = arith.constant 0 : i32
    return %arg0, %c0_i32 : i32, i32
  }
  func.func @transform_4(%arg0: i32) -> (i32, i32) {
    %c0_i32 = arith.constant 0 : i32
    %c0_i32_0 = arith.constant 0 : i32
    %c0_i32_1 = arith.constant 0 : i32
    return %c0_i32, %c0_i32_0 : i32, i32
  }
  func.func @transform_5(%arg0: i32) -> (i32, i32) {
    %c0_i32 = arith.constant 0 : i32
    %c0_i32_0 = arith.constant 0 : i32
    %c0_i32_1 = arith.constant 0 : i32
    return %c0_i32, %c0_i32_0 : i32, i32
  }
  func.func @transform_6(%arg0: i32) -> (i32, i32) {
    %c0_i32 = arith.constant 0 : i32
    %c0_i32_0 = arith.constant 0 : i32
    %c0_i32_1 = arith.constant 0 : i32
    return %c0_i32, %c0_i32_0 : i32, i32
  }
  func.func @transform_7(%arg0: i32) -> (i32, i32) {
    %c0_i32 = arith.constant 0 : i32
    %c0_i32_0 = arith.constant 0 : i32
    %c0_i32_1 = arith.constant 0 : i32
    return %c0_i32, %c0_i32_0 : i32, i32
  }
  func.func @transform_8(%arg0: i32) -> (i32, i32) {
    %c0_i32 = arith.constant 0 : i32
    %c0_i32_0 = arith.constant 0 : i32
    %c0_i32_1 = arith.constant 0 : i32
    return %c0_i32, %c0_i32_0 : i32, i32
  }
  func.func @transform_9(%arg0: i32) -> (i32, i32) {
    %c0_i32 = arith.constant 0 : i32
    %c0_i32_0 = arith.constant 0 : i32
    return %arg0, %c0_i32 : i32, i32
  }
  func.func @transform_10(%arg0: i32) -> (i32, i32) {
    %c0_i32 = arith.constant 0 : i32
    %c0_i32_0 = arith.constant 0 : i32
    return %arg0, %c0_i32 : i32, i32
  }
  func.func @transform_11(%arg0: i32) -> (i32, i32) {
    %c0_i32 = arith.constant 0 : i32
    %c0_i32_0 = arith.constant 0 : i32
    return %arg0, %c0_i32 : i32, i32
  }
}

module attributes {stable_mosaic.version = 14 : i64} {
  func.func @body(%arg0: i32, %arg1: memref<2000x128xf32, #tpu.memory_space<vmem>>, %arg2: memref<2000x1xf32, #tpu.memory_space<vmem>>, %arg3: memref<2000x40xf32, #tpu.memory_space<vmem>>, %arg4: memref<1x40xf32, #tpu.memory_space<vmem>>, %arg5: memref<2000x40xf32, #tpu.memory_space<vmem>>) attributes {dimension_semantics = [#tpu.dimension_semantics<arbitrary>], iteration_bounds = array<i64: 5>, scalar_prefetch = 0 : i64, scratch_operands = 0 : i64, tpu.core_type = #tpu.core_type<tc>, window_params = [{transform_indices = @transform_0, window_bounds = array<i64: 2000, 128>}, {transform_indices = @transform_1, window_bounds = array<i64: 2000, 1>}, {transform_indices = @transform_2, window_bounds = array<i64: 2000, 40>}, {pipeline_mode = #tpu.pipeline_mode<synchronous>, transform_indices = @transform_3, window_bounds = array<i64: 1, 40>}, {transform_indices = @transform_4, window_bounds = array<i64: 2000, 40>}]} {
    %get3A = arith.constant 0 : index
    %get3A_0 = arith.constant 0 : index
    %get3A_1 = vector.load %arg1[%get3A, %get3A_0] : memref<2000x128xf32, #tpu.memory_space<vmem>>, vector<2000x40xf32>
    %get3A_2 = arith.constant 0 : index
    %get3A_3 = arith.constant 64 : index
    %get3A_4 = vector.load %arg1[%get3A_2, %get3A_3] : memref<2000x128xf32, #tpu.memory_space<vmem>>, vector<2000x40xf32>
    %add3A = arith.addf %get3A_1, %get3A_4 : vector<2000x40xf32>
    %get3A_5 = arith.constant 0 : index
    %get3A_6 = arith.constant 0 : index
    %get3A_7 = vector.load %arg2[%get3A_5, %get3A_6] : memref<2000x1xf32, #tpu.memory_space<vmem>>, vector<2000x1xf32>
    %max3A = arith.constant 1.000000e+00 : f32
    %max3A_8 = vector.broadcast %max3A : f32 to vector<2000x1xf32>
    %max3A_9 = arith.maximumf %get3A_7, %max3A_8 : vector<2000x1xf32>
    %div3A = vector.broadcast %max3A_9 : vector<2000x1xf32> to vector<2000x40xf32>
    %div3A_10 = arith.divf %add3A, %div3A : vector<2000x40xf32>
    %get3A_11 = arith.constant 0 : index
    %get3A_12 = arith.constant 0 : index
    %get3A_13 = vector.load %arg3[%get3A_11, %get3A_12] : memref<2000x40xf32, #tpu.memory_space<vmem>>, vector<2000x40xf32>
    %add3A_14 = arith.addf %div3A_10, %get3A_13 : vector<2000x40xf32>
    %get3A_15 = arith.constant 0 : index
    %get3A_16 = arith.constant 0 : index
    %get3A_17 = vector.load %arg4[%get3A_15, %get3A_16] : memref<1x40xf32, #tpu.memory_space<vmem>>, vector<1x40xf32>
    %add3A_18 = vector.broadcast %get3A_17 : vector<1x40xf32> to vector<2000x40xf32>
    %add3A_19 = arith.addf %add3A_14, %add3A_18 : vector<2000x40xf32>
    %reduce_max3A = arith.constant dense<0xFF800000> : vector<2000xf32>
    %reduce_max3A_20 = vector.multi_reduction <maximumf>, %add3A_19, %reduce_max3A [1] : vector<2000x40xf32> to vector<2000xf32>
    %broadcast_in_dim3A = vector.shape_cast %reduce_max3A_20 : vector<2000xf32> to vector<2000x1xf32>
    %sub3A = vector.broadcast %broadcast_in_dim3A : vector<2000x1xf32> to vector<2000x40xf32>
    %sub3A_21 = arith.subf %add3A_19, %sub3A : vector<2000x40xf32>
    %exp3A = math.exp %sub3A_21 : vector<2000x40xf32>
    %reduce_sum3A = arith.constant dense<0.000000e+00> : vector<2000xf32>
    %reduce_sum3A_22 = vector.multi_reduction <add>, %exp3A, %reduce_sum3A [1] : vector<2000x40xf32> to vector<2000xf32>
    %broadcast_in_dim3A_23 = vector.shape_cast %reduce_sum3A_22 : vector<2000xf32> to vector<2000x1xf32>
    %log3A = math.log %broadcast_in_dim3A_23 : vector<2000x1xf32>
    %add3A_24 = arith.addf %log3A, %broadcast_in_dim3A : vector<2000x1xf32>
    %sub3A_25 = vector.broadcast %add3A_24 : vector<2000x1xf32> to vector<2000x40xf32>
    %sub3A_26 = arith.subf %add3A_19, %sub3A_25 : vector<2000x40xf32>
    %swap3A = arith.constant 0 : index
    %swap3A_27 = arith.constant 0 : index
    %swap3A_28 = vector.load %arg5[%swap3A, %swap3A_27] : memref<2000x40xf32, #tpu.memory_space<vmem>>, vector<2000x40xf32>
    tpu.vector_store %arg5[%swap3A, %swap3A_27], %sub3A_26 {strides = array<i32>} : memref<2000x40xf32, #tpu.memory_space<vmem>>, vector<2000x40xf32>,
    return
  }
  func.func @transform_0(%arg0: i32) -> (i32, i32) {
    %c0_i32 = arith.constant 0 : i32
    %c0_i32_0 = arith.constant 0 : i32
    return %arg0, %c0_i32 : i32, i32
  }
  func.func @transform_1(%arg0: i32) -> (i32, i32) {
    %c0_i32 = arith.constant 0 : i32
    %c0_i32_0 = arith.constant 0 : i32
    return %arg0, %c0_i32 : i32, i32
  }
  func.func @transform_2(%arg0: i32) -> (i32, i32) {
    %c0_i32 = arith.constant 0 : i32
    %c0_i32_0 = arith.constant 0 : i32
    return %arg0, %c0_i32 : i32, i32
  }
  func.func @transform_3(%arg0: i32) -> (i32, i32) {
    %c0_i32 = arith.constant 0 : i32
    %c0_i32_0 = arith.constant 0 : i32
    %c0_i32_1 = arith.constant 0 : i32
    return %c0_i32, %c0_i32_0 : i32, i32
  }
  func.func @transform_4(%arg0: i32) -> (i32, i32) {
    %c0_i32 = arith.constant 0 : i32
    %c0_i32_0 = arith.constant 0 : i32
    return %arg0, %c0_i32 : i32, i32
  }
}

</mosaic_0001>

<sc_bundles>
// kernel: kernel.6.cloned.1.call-start
scs
__scs_entry_jumppad:
0x0: {  	(pc) =	sbr.rel $0x88, $3  }
0x1: {  	(tag) =	ssettag $0x0;
	lr =	simm.s32 $0x1  }
0x2: {  	[smem:$0x3F99] =	sst lr;
	_ =	strace $0xD0000000  }
0x3: {  	_ = 	snop  }
0x4: {  	_ = 	snop  }
0x5: {  	_ = 	snop  }
0x6: {  	_ = 	snop  }
0x7: {  	_ = 	snop  }
__scs_overlays_trampoline_lowered:
0x8: {  	[smem:$0x3FA8] =	sst s0  }
0x9: {  	[smem:$0x3FA9] =	sst s1  }
0xa: {  	[smem:$0x3FAA] =	sst s2  }
0xb: {  	[smem:$0x3FAB] =	sst s3  }
0xc: {  	[smem:$0x3FAC] =	sst s4  }
0xd: {  	[smem:$0x3FAD] =	sst s5  }
0xe: {  	[smem:$0x3FAE] =	sst s6  }
0xf: {  	[smem:$0x3FAF] =	sst s7  }
0x10: {  	[smem:$0x3FB0] =	sst s8  }
0x11: {  	[smem:$0x3FB1] =	sst s9;
	s0 =	simm.s32 @!p0 $0x0  }
0x12: {  	s1 =	sld [smem:$0x3F97];
	s0 =	simm.s32 @p0 $0x1  }
0x13: {  	[smem:$0x3FB2] =	sst s0;
	s0 =	simm.s32 @!p1 $0x0  }
0x14: {  	s2 =	sld [smem:$0x3F96];
	s0 =	simm.s32 @p1 $0x1  }
0x15: {  	[smem:$0x3FB3] =	sst s0;
	s0 =	simm.s32 @!p2 $0x0  }
0x16: {  	s3 =	sld [smem:$0x3FDB];
	s0 =	simm.s32 @p2 $0x1  }
0x17: {  	s4 =	simm.s32 $0x1BF5;
	[smem:$0x3FB5] =	sst s0  }
0x18: {  	s0 =	sld [smem:$0x3F98];
	_ =	swait.ge [sflag:s4], $0x0  }
0x19: {  	s7 =	sld [smem:$0x3F99]  }
0x1a: {  	s8 =	sadd.s32 $0xFFFFE003, lr  }
0x1b: {  	s9 =	sadd.s32 $0xFFFFFEF7, lr;
	s5 =	simm.s32 $0xFFFFFFFF;
	p2 =	slt.u32 s8, $0xFFFFF086  }
0x1c: {  	p1 =	slt.u32 s9, $0xF7A;
	s5 =	simm.s32 @!p2 $0x0  }
0x1d: {  	s5 =	simm.s32 @p1 $0x1;
	p0 =	seq.s32 s7, s2  }
0x1e: {  	s7 =	smul.u32 @!p0 $0xF7A, s2;
	p2 =	seq.s32 @!p0 s5, $0x0  }
0x1f: {  	s9 =	smul.u32 $0xF7A, s1;
	s8 =	simm.s32 @!p0 $0x1BF5;
	p2 =	por !p2, p0  }
0x20: {  	[sflag:s8] =	ssyncset.s32 @!p0 $0xFFFFF086;
	s6 =	sadd.s32 @!p0 s3, s7;
	s7 =	simm.s32 @!p0 $0x108  }
0x21: {  	s3 =	sadd.s32 s3, s9;
	s6 =	sadd.s32 @!p0 $0x88, s6;
	s7 =	simm.s32 @p2 $0x1082  }
0x22: {  	[simem:s7], [sflag:s8] =	dma.local @!p0 [hbm:s6], $0xF7A  }
0x23: {  	s9 =	sor.u32 $0xD0000000, s2;
	s6 =	simm.s32 $0x108;
	_ =	swait.ge @!p0 [sflag:s8], $0x0  }
0x24: {  	s3 =	sadd.s32 $0x88, s3;
	s6 =	simm.s32 @!p1 $0x1082;
	[sflag:s4] =	ssyncset.s32 $0xFFFFF086  }
0x25: {  	[simem:s6], [sflag:s4] =	dma.local [hbm:s3], $0xF7A  }
0x26: {  	[smem:$0x3F99] =	sst s1;
	(tag) =	ssettag s2;
	_ =	strace s9  }
0x27: {  	s1 =	sld [smem:$0x3FA9]  }
0x28: {  	s2 =	sld [smem:$0x3FAA]  }
0x29: {  	s4 =	sld [smem:$0x3FAC]  }
0x2a: {  	p0 =	seq.s32 s5, $0x0;
	s5 =	sld [smem:$0x3FAD]  }
0x2b: {  	s6 =	sld [smem:$0x3FAE]  }
0x2c: {  	s7 =	sld [smem:$0x3FAF]  }
0x2d: {  	s3 =	simm.s32 $0x108;
	s8 =	sld [smem:$0x3FB0]  }
0x2e: {  	s3 =	simm.s32 @!p0 $0x1082;
	s9 =	sld [smem:$0x3FB1]  }
0x2f: {  	lr =	sadd.s32 s0, s3;
	s0 =	sld [smem:$0x3FA8]  }
0x30: {  	s3 =	sld [smem:$0x3FAB]  }
0x31: {  	[smem:$0x3FB4] =	sst s10  }
0x32: {  	s10 =	sld [smem:$0x3FB2];
	_ =	sdelay $0x3  }
0x33: {  	p0 =	seq.s32 s10, $0x1;
	s10 =	sld [smem:$0x3FB4];
	_ =	sdelay $0x3  }
0x34: {  	[smem:$0x3FB4] =	sst s10  }
0x35: {  	s10 =	sld [smem:$0x3FB3];
	_ =	sdelay $0x3  }
0x36: {  	p1 =	seq.s32 s10, $0x1;
	s10 =	sld [smem:$0x3FB4];
	_ =	sdelay $0x3  }
0x37: {  	[smem:$0x3FB4] =	sst s10  }
0x38: {  	s10 =	sld [smem:$0x3FB5]  }
0x39: {  	_ = 	snop;
	(pc) =	sbr.ind lr, $3  }
0x3a: {  	_ = 	snop  }
0x3b: {  	_ = 	snop  }
0x3c: {  	p2 =	seq.s32 s10, $0x1;
	s10 =	sld [smem:$0x3FB4]  }
0x3d: {  	_ =	shalt  }
0x3e: {  	_ =	shalt  }
0x3f: {  	_ =	shalt  }
0x40: {  	_ =	shalt  }
0x41: {  	_ =	shalt  }
0x42: {  	_ =	shalt  }
0x43: {  	_ =	shalt  }
0x44: {  	_ =	shalt  }
0x45: {  	_ =	shalt  }
0x46: {  	_ =	shalt  }
0x47: {  	_ =	shalt  }
0x48: {  	_ =	shalt  }
0x49: {  	_ =	shalt  }
0x4a: {  	_ =	shalt  }
0x4b: {  	_ =	shalt  }
0x4c: {  	_ =	shalt  }
0x4d: {  	_ =	shalt  }
0x4e: {  	_ =	shalt  }
0x4f: {  	_ =	shalt  }
0x50: {  	_ =	shalt  }
0x51: {  	_ =	shalt  }
0x52: {  	_ =	shalt  }
0x53: {  	_ =	shalt  }
0x54: {  	_ =	shalt  }
0x55: {  	_ =	shalt  }
0x56: {  	_ =	shalt  }
0x57: {  	_ =	shalt  }
0x58: {  	_ =	shalt  }
0x59: {  	_ =	shalt  }
0x5a: {  	_ =	shalt  }
0x5b: {  	_ =	shalt  }
0x5c: {  	_ =	shalt  }
0x5d: {  	_ =	shalt  }
0x5e: {  	_ =	shalt  }
0x5f: {  	_ =	shalt  }
0x60: {  	_ =	shalt  }
0x61: {  	_ =	shalt  }
0x62: {  	_ =	shalt  }
0x63: {  	_ =	shalt  }
0x64: {  	_ =	shalt  }
0x65: {  	_ =	shalt  }
0x66: {  	_ =	shalt  }
0x67: {  	_ =	shalt  }
0x68: {  	_ =	shalt  }
0x69: {  	_ =	shalt  }
0x6a: {  	_ =	shalt  }
0x6b: {  	_ =	shalt  }
0x6c: {  	_ =	shalt  }
0x6d: {  	_ =	shalt  }
0x6e: {  	_ =	shalt  }
0x6f: {  	_ =	shalt  }
0x70: {  	_ =	shalt  }
0x71: {  	_ =	shalt  }
0x72: {  	_ =	shalt  }
0x73: {  	_ =	shalt  }
0x74: {  	_ =	shalt  }
0x75: {  	_ =	shalt  }
0x76: {  	_ =	shalt  }
0x77: {  	_ =	shalt  }
0x78: {  	_ =	shalt  }
0x79: {  	_ =	shalt  }
0x7a: {  	_ =	shalt  }
0x7b: {  	_ =	shalt  }
0x7c: {  	_ =	shalt  }
0x7d: {  	_ =	shalt  }
0x7e: {  	_ =	shalt  }
0x7f: {  	_ =	shalt  }
0x80: {  	_ =	shalt  }
0x81: {  	_ =	shalt  }
0x82: {  	_ =	shalt  }
0x83: {  	_ =	shalt  }
0x84: {  	_ =	shalt  }
0x85: {  	_ =	shalt  }
0x86: {  	_ =	shalt  }
0x87: {  	_ =	shalt  }
.Lfunc_end0:
.L_simem_size_0:
called_computation_lowered:
.L_overlay_start_0:
0x88: {  	s2 =	sld [smem:$0x3FD9]  }
0x89: {  	s3 =	sld [smem:$0x3FFE];
	_ =	sdelay $0x1  }
0x8a: {  	s1 =	srdreg.scid  }
0x8b: {  	s0 =	sand.u32 $0x1, s1  }
0x8c: {  	s17 =	sshll.u32 s0, $0xA;
	s2 =	sadd.s32 s3, s2  }
0x8d: {  	s2 =	sadd.s32 s2, s17  }
0x8e: {  	[smem:$0x3FC0] =	sst s2  }
0x8f: {  	_ = 	snop  }
0x90: {  	s2 =	sld [smem:$0x3FD0];
	(tm) =	ssettm $0x1  }
0x91: {  	s18 =	sld [smem:$0x3FFB];
	_ =	sdelay $0x3  }
0x92: {  	_ =	strace s18  }
0x93: {  	s3 =	sld [smem:$0x3FFC];
	_ =	sdelay $0x3  }
0x94: {  	_ =	strace s3  }
0x95: {  	s3 =	sld [smem:$0x3FFD];
	_ =	sdelay $0x3  }
0x96: {  	_ =	strace s3  }
0x97: {  	_ =	strace $0x8FFFFFFF  }
0x98: {  	s19 =	sld [smem:$0x3FDB];
	_ =	sdelay $0x1  }
0x99: {  	s4 =	simm.s32 $_scs_section_size  }
0x9a: {  	s5 =	simm.s32 $_size__tile_overlayer_lowered;
	s6 =	simm.s32 $_tile_overlayer_lowered  }
0x9b: {  	s22 =	simm.s32 $0x1BFF;
	s21 =	sshll.u32 s6, $0x1;
	s3 =	sadd.s32 s4, s19  }
0x9c: {  	s7 =	simm.s32 $0x0;
	s20 =	sshll.u32 s5, $0x1;
	s5 =	sadd.s32 s21, s3  }
0x9d: {  	[timem:s7], [sflag:s22] =	dma.local [hbm:s5], s20  }
0x9e: {  	_ =	swait.ge [sflag:s22], s20  }
0x9f: {  	s4 =	ssub.s32 $0x0, s20;
	[sflag:s22] =	ssyncset.done $0x0  }
0xa0: {  	[sflag:s22] =	ssyncadd.s32 s4;
	_ =	sdelay $0x1  }
0xa1: {  	s23 =	simm.s32 $0x1B8B  }
0xa2: {  	_ =	swait.ge [sflag:s23], $0x1  }
0xa3: {  	[sflag:s23] =	ssyncset.done $0x0  }
0xa4: {  	s25 =	simm.s32 $0x1B8E;
	s24 =	sld [smem:$0x3FFE];
	[sflag:s23] =	ssyncadd.s32 $0xFFFFFFFF  }
0xa5: {  	s26 =	simm.s32 $execute0_lowered;
	[smem:$0x3FD2] =	sst s25  }
0xa6: {  	s5 =	sshll.u32 s26, $0x1;
	_ =	strace $0x80000046;
	[dreg:$0x1] =	wrdreg $0xFFFFFFFF  }
0xa7: {  	s28 =	simm.s32 $_size_execute0_lowered;
	s3 =	sadd.s32 s3, s5;
	[dreg:$0x0] =	wrdreg $0x0  }
0xa8: {  	s5 =	sshll.u32 s28, $0x1;
	[dreg:$0x2] =	wrdreg s3  }
0xa9: {  	[dreg:$0x3] =	wrdreg s5  }
0xaa: {  	[dreg:$0x4] =	wrdreg $0xC0  }
0xab: {  	_ =	task [dreg:s7], $0x5FFFF  }
0xac: {  	[dreg:$0x1] =	wrdreg $0xFFFFFFFF  }
0xad: {  	[dreg:$0x0] =	wrdreg $0x60  }
0xae: {  	[dreg:$0x2] =	wrdreg s24  }
0xaf: {  	[dreg:$0x3] =	wrdreg s2  }
0xb0: {  	[dreg:$0x4] =	wrdreg $0x12E000  }
0xb1: {  	[dreg:$0x5] =	wrdreg $0x1CE000  }
0xb2: {  	[dreg:$0x6] =	wrdreg $0x9  }
0xb3: {  	_ =	task.clear_ibuf [dreg:s7], $0x7FFFF;
	_ =	strace $0x90000046  }
0xb4: {  	s29 =	simm.s32 $0x9;
	_ =	strace $0x80000048  }
0xb5: {  	_ =	swait.ge [sflag:s29], $0x1  }
0xb6: {  	[sflag:s29] =	ssyncadd.s32 $0xFFFFFFFF  }
0xb7: {  	_ =	strace $0x90000048  }
0xb8: {  	_ =	sfence  }
0xb9: {  	s30 =	sld [smem:$0x0];
	_ =	sdelay $0x2  }
0xba: {  	s31 =	sshll.u32 s1, $0xD;
	s1 =	sshrl.u32 s1, $0x2  }
0xbb: {  	s3 =	sand.u32 $0x4000, s31;
	s1 =	sadd.s32 s1, s30  }
0xbc: {  	s0 =	sor.u32 s3, s0;
	s1 =	sshll.u32 s1, $0x11  }
0xbd: {  	s0 =	sor.u32 s1, s0  }
0xbe: {  	s0 =	sadd.s32 $0x8F2B, s0  }
0xbf: {  	[sflag:s0] =	ssyncadd.remote.s32 $0x1  }
0xc0: {  	_ =	sfence.sel $0xFFFF  }
0xc1: {  	[dreg:$0x0] =	wrdreg $0xFFFFFFFF;
	(pc) =	sbr.abs _section_cstart, $3  }
0xc2: {  	[dreg:$0x1] =	wrdreg $0xFFFFFFFF  }
0xc3: {  	_ =	task.clear_ibuf [dreg:s7], $0x2FFFF;
	_ =	strace $0x9FFFFFFF  }
0xc4: {  	(tm) =	ssettm $0x7FFFFFFF  }
0xc5: {  	_ =	shalt  }
tec
execute0_lowered:
.L_overlay_start_1:
0x0: {  	(tag) =	ssettag $0x1  }
0x1: {  	s0 =	rddreg [dreg:$0x0]  }
0x2: {  	s2 =	rddreg [dreg:$0x1]  }
0x3: {  	s1 =	rddreg [dreg:$0x2]  }
0x4: {  	s3 =	rddreg [dreg:$0x3]  }
0x5: {  	s4 =	simm.s32 $0x0;
	s12 =	stileid.u32;
	s6 =	srdreg.scid  }
0x6: {  	s28 =	simm.s32 $0x1;
	s29 =	simm.s32 $0x80;
	s10 =	smul.u32 $0x9E0, s12  }
0x7: {  	s30 =	simm.s32 $0xBE00;
	s31 =	simm.s32 $0x2;
	s7 =	smul.u32 $0x2800, s12  }
0x8: {  	[smem:$0x7FF] =	sst s4;
	s5 =	sadd.s32 $0x52000, s0;
	s11 =	smul.u32 $0x280, s12  }
0x9: {  	s8 =	sand.u32 $0x1, s6;
	s6 =	sadd.s32 $0x66000, s0;
	s12 =	smul.u32 $0x28000, s12  }
0xa: {  	_ =	strace $0x80000047;
	s9 =	ssub.s32 $0x2, s8;
	p0 =	sne.s32 s8, $0x0  }
0xb: {  	s4 =	sadd.s32 s10, s0;
	s10 =	sshrl.u32 s9, $0x1;
	s0 =	sadd.s32 s7, s0  }
0xc: {  	s14 =	sshrl.u32 s12, $0x2;
	s15 =	sadd.s32 $0x80, s11;
	s18 =	sadd.s32 $0x100, s11  }
0xd: {  	s22 =	sadd.s32 $0x180, s11;
	s24 =	sadd.s32 $0x200, s11;
	s19 =	ssub.s32 s9, s10  }
0xe: {  	s13 =	sadd.s32 $0x83E00, s4;
	s4 =	sadd.s32 $0x7A000, s4;
	s9 =	sadd.s32 s14, s1  }
0xf: {  	s10 =	sadd.s32 s7, s3;
	s16 =	sshll.u32 s15, $0x6;
	s17 =	sshll.u32 s15, $0x4  }
0x10: {  	s20 =	sshll.u32 s18, $0x6;
	s12 =	sshll.u32 s18, $0x4;
	s23 =	sshll.u32 s22, $0x6  }
0x11: {  	s11 =	sshll.u32 s24, $0x6;
	s26 =	sadd.s32 $0x8DC08, s0;
	[dreg:$0x5] =	wrdreg s13  }
0x12: {  	s0 =	sadd.s32 $0x8DC00, s0;
	s14 =	simm.s32 $0x9D00;
	[dreg:$0x6] =	wrdreg s4  }
0x13: {  	s15 =	simm.s32 $0x9D80;
	s4 =	sadd.s32 s16, s1;
	[dreg:$0xa] =	wrdreg s26  }
0x14: {  	s21 =	sadd.s32 s12, s3;
	s12 =	sadd.s32 s23, s1;
	[dreg:$0xb] =	wrdreg s0  }
0x15: {  	s26 =	simm.s32 $0x12600;
	s0 =	simm.s32 $0x11E00;
	[dreg:$0x7] =	wrdreg s4  }
0x16: {  	s23 =	simm.s32 $0xDE00;
	s16 =	simm.s32 $0x8;
	[dreg:$0xc] =	wrdreg s21  }
0x17: {  	s4 =	sadd.s32 s17, s3;
	s17 =	smul.u32 $0x28000, s8;
	[dreg:$0xd] =	wrdreg s12  }
0x18: {  	[dreg:$0x8] =	wrdreg s4;
	s4 =	sadd.s32 s20, s1;
	s20 =	simm.s32 $0xFE00  }
0x19: {  	[dreg:$0x9] =	wrdreg s4;
	s4 =	sshll.u32 s22, $0x4;
	s7 =	sadd.s32 s7, s17  }
.Ltmp0:
0x1a: {  	s17 =	sadd.s32 s11, s1;
	s22 =	smax.u32 s19, $0x1;
	(pc) =	sbr.rel .LBB2_1-.Ltmp0, $4  }
0x1b: {  	s19 =	simm.s32 $0x3;
	s4 =	sadd.s32 s4, s3;
	s25 =	sshrl.u32 s7, $0x3  }
0x1c: {  	s7 =	simm.s32 $0x0;
	[dreg:$0xe] =	wrdreg s4;
	s4 =	sshll.u32 s24, $0x4  }
0x1d: {  	s21 =	sadd.s32 s2, s25;
	s24 =	simm.s32 $0x9E00;
	s25 =	simm.s32 $0x6  }
0x1e: {  	v0 =	vimm.f32 $0.0e+00;
	v1 =	vimm.f32 $1.000000000e+00;
	s2 =	simm.s32 $0x4;
	s18 =	sadd.s32 s4, s3;
	s4 =	simm.s32 $0x5  }
.LBB2_9:
0x1f: {  	[tilespmem:s30], [sflag:$0x3] =	stream.indirect.gather [hbm4b:s6+s29], $0x40, s11, s29, $0xb8;
	[tilespmem:$0x1F600] =	vst v63  }
0x20: {  	_ =	swait.ge [sflag:s31], $0x2000  }
0x21: {  	[sflag:s31] =	ssyncset.done $0x0  }
0x22: {  	[sflag:s31] =	ssyncadd.s32 $0xFFFFE000  }
0x23: {  	[spmem:s1] =	stream.indirect.scatter.add.f32 [tilespmem:s24], [sflag:$0x6], $0x40, s14, s29, $0xb8;
	[tilespmem:$0x1F600] =	vst v63  }
0x24: {  	_ =	swait.ge [sflag:s25], $0x2000  }
0x25: {  	[sflag:s25] =	ssyncset.done $0x0  }
0x26: {  	[sflag:s25] =	ssyncadd.s32 $0xFFFFE000  }
0x27: {  	_ =	swait.ge [sflag:s19], $0x2000  }
0x28: {  	[sflag:s19] =	ssyncset.done $0x0  }
0x29: {  	s8 =	simm.s32 $0x9D80;
	[sflag:s19] =	ssyncadd.s32 $0xFFFFE000  }
0x2a: {  	[spmem:s1] =	stream.indirect.scatter.add.f32 [tilespmem:s30], [sflag:$0x6], $0x40, s8, s29, $0xb8;
	[tilespmem:$0x1F600] =	vst v63  }
0x2b: {  	_ =	swait.ge [sflag:s25], $0x2000  }
0x2c: {  	[sflag:s25] =	ssyncset.done $0x0  }
0x2d: {  	[sflag:s25] =	ssyncadd.s32 $0xFFFFE000  }
0x2e: {  	[spmem:s3] =	stream.indirect.scatter.add.f32 [tilespmem:s0], [sflag:$0x6], $0x10, s8, s29, $0xb8;
	[tilespmem:$0x1F600] =	vst v63  }
0x2f: {  	_ =	swait.ge [sflag:s25], $0x800  }
0x30: {  	[sflag:s25] =	ssyncset.done $0x0  }
0x31: {  	s15 =	simm.s32 $0x9D80;
	s8 =	rddreg [dreg:$0xa];
	[sflag:s25] =	ssyncadd.s32 $0xFFFFF800  }
.LBB2_10:
0x32: {  	s11 =	stileid.u32  }
0x33: {  	[bflag:$0x0] =	sbarrier.arrive $0xFFFF;
	s11 =	sshll.u32 s11, $0x6  }
0x34: {  	s12 =	sshrl.u32 s9, $0x3;
	s13 =	simm.s32 $0x10;
	s11 =	sor.u32 $0x1C06, s11  }
0x35: {  	[hbm:s8@s13], [sflag:s11] =	dma.strided [spmem:s12@s16], $0x1400, s28, $0x8   }
0x36: {  	s7 =	sadd.s32 $0x1, s7;
	_ =	swait.ge [sflag:s25], $0x1400  }
0x37: {  	p1 =	sne.s32 s7, s22;
	[sflag:s25] =	ssyncset.done $0x0  }
.Ltmp1:
0x38: {  	s13 =	sshrl.u32 s10, $0x3;
	[sflag:s25] =	ssyncadd.s32 $0xFFFFEC00;
	(pc) =	sbr.rel @!p1 .LBB2_11-.Ltmp1, $4  }
0x39: {  	[hbm:s21], [sflag:s11] =	dma.local [spmem:s13], $0x500  }
0x3a: {  	_ =	swait.ge [sflag:s25], $0x500  }
0x3b: {  	[sflag:s25] =	ssyncset.done $0x0  }
0x3c: {  	[sflag:s25] =	ssyncadd.s32 $0xFFFFFB00  }
.LBB2_1:
0x3d: {  	s8 =	simm.s32 $0x0;
	s11 =	rddreg [dreg:$0x5]  }
0x3e: {  	[tilespmem:s8], [sflag:$0x1] =	stream.linear.gather [hbm4b:s11+s8], $0x4F00, $0x38;
	[tilespmem:$0x1F600] =	vst v63  }
0x3f: {  	s13 =	rddreg [dreg:$0x6];
	s12 =	simm.s32 $0x4F00  }
0x40: {  	[tilespmem:s12], [sflag:$0x1] =	stream.linear.gather [hbm4b:s13+s8], $0x4F00, $0x38;
	[tilespmem:$0x1F600] =	vst v63  }
0x41: {  	s8 =	simm.s32 $0x9E20  }
0x42: {  	[tilespmem:s8+$0xFFFFFFE0] =	vst v0  }
0x43: {  	[tilespmem:s8+$0x10] =	vst v0  }
0x44: {  	[tilespmem:s8+$0x0] =	vst v0  }
0x45: {  	s11 =	simm.s32 $0x40;
	s12 =	simm.s32 $0x0;
	[tilespmem:s8+$0xFFFFFFF0] =	vst v0  }
.LBB2_2:
0x46: {  	p1 =	sne.s32 s11, $0x1FC0  }
0x47: {  	[tilespmem:s12+$0x11E00] =	vst v1;
	s8 =	sadd.s32 $0x40, s8;
	s13 =	smov.u32 s11;
	s11 =	sadd.s32 $0x40, s11  }
.Ltmp2:
0x48: {  	[tilespmem:s12+$0x12600] =	vst v0;
	(pc) =	sbr.rel @p1 .LBB2_2-.Ltmp2, $4  }
0x49: {  	[tilespmem:s8+$0xFFFFFFE0] =	vst v0  }
0x4a: {  	[tilespmem:s8+$0x10] =	vst v0  }
0x4b: {  	[tilespmem:s8+$0x0] =	vst v0  }
0x4c: {  	s12 =	sshra.s32 s13, $0x2;
	[tilespmem:s8+$0xFFFFFFF0] =	vst v0  }
0x4d: {  	[tilespmem:s12+$0x11E00] =	vst v1  }
0x4e: {  	[tilespmem:s12+$0x12600] =	vst v0  }
0x4f: {  	[spmem:s9] =	stream.linear.scatter [tilespmem:s24], [sflag:$0x6], $0x2000, $0x38;
	[tilespmem:$0x1F600] =	vst v63  }
0x50: {  	_ =	swait.ge [sflag:s25], $0x2000  }
0x51: {  	[sflag:s25] =	ssyncset.done $0x0  }
0x52: {  	[sflag:s25] =	ssyncadd.s32 $0xFFFFE000  }
0x53: {  	[spmem:s10] =	stream.linear.scatter [tilespmem:s26], [sflag:$0x6], $0x800, $0x38;
	[tilespmem:$0x1F600] =	vst v63  }
0x54: {  	_ =	swait.ge [sflag:s25], $0x800  }
0x55: {  	[sflag:s25] =	ssyncset.done $0x0  }
0x56: {  	s8 =	rddreg [dreg:$0x7];
	[sflag:s25] =	ssyncadd.s32 $0xFFFFF800  }
0x57: {  	[spmem:s8] =	stream.linear.scatter [tilespmem:s24], [sflag:$0x6], $0x2000, $0x38;
	[tilespmem:$0x1F600] =	vst v63  }
0x58: {  	_ =	swait.ge [sflag:s25], $0x2000  }
0x59: {  	[sflag:s25] =	ssyncset.done $0x0  }
0x5a: {  	s12 =	rddreg [dreg:$0x8];
	[sflag:s25] =	ssyncadd.s32 $0xFFFFE000  }
0x5b: {  	[spmem:s12] =	stream.linear.scatter [tilespmem:s26], [sflag:$0x6], $0x800, $0x38;
	[tilespmem:$0x1F600] =	vst v63  }
0x5c: {  	_ =	swait.ge [sflag:s25], $0x800  }
0x5d: {  	[sflag:s25] =	ssyncset.done $0x0  }
0x5e: {  	s13 =	rddreg [dreg:$0x9];
	[sflag:s25] =	ssyncadd.s32 $0xFFFFF800  }
0x5f: {  	[spmem:s13] =	stream.linear.scatter [tilespmem:s24], [sflag:$0x6], $0x2000, $0x38;
	[tilespmem:$0x1F600] =	vst v63  }
0x60: {  	_ =	swait.ge [sflag:s25], $0x2000  }
0x61: {  	[sflag:s25] =	ssyncset.done $0x0  }
0x62: {  	s11 =	rddreg [dreg:$0xc];
	[sflag:s25] =	ssyncadd.s32 $0xFFFFE000  }
0x63: {  	[spmem:s11] =	stream.linear.scatter [tilespmem:s26], [sflag:$0x6], $0x800, $0x38;
	[tilespmem:$0x1F600] =	vst v63  }
0x64: {  	_ =	swait.ge [sflag:s25], $0x800  }
0x65: {  	[sflag:s25] =	ssyncset.done $0x0  }
0x66: {  	s12 =	rddreg [dreg:$0xd];
	[sflag:s25] =	ssyncadd.s32 $0xFFFFF800  }
0x67: {  	[spmem:s12] =	stream.linear.scatter [tilespmem:s24], [sflag:$0x6], $0x2000, $0x38;
	[tilespmem:$0x1F600] =	vst v63  }
0x68: {  	_ =	swait.ge [sflag:s25], $0x2000  }
0x69: {  	[sflag:s25] =	ssyncset.done $0x0  }
0x6a: {  	s13 =	rddreg [dreg:$0xe];
	[sflag:s25] =	ssyncadd.s32 $0xFFFFE000  }
0x6b: {  	[spmem:s13] =	stream.linear.scatter [tilespmem:s26], [sflag:$0x6], $0x800, $0x38;
	[tilespmem:$0x1F600] =	vst v63  }
0x6c: {  	_ =	swait.ge [sflag:s25], $0x800  }
0x6d: {  	[sflag:s25] =	ssyncset.done $0x0  }
0x6e: {  	[sflag:s25] =	ssyncadd.s32 $0xFFFFF800  }
0x6f: {  	[spmem:s17] =	stream.linear.scatter [tilespmem:s24], [sflag:$0x6], $0x2000, $0x38;
	[tilespmem:$0x1F600] =	vst v63  }
0x70: {  	_ =	swait.ge [sflag:s25], $0x2000  }
0x71: {  	[sflag:s25] =	ssyncset.done $0x0  }
0x72: {  	[sflag:s25] =	ssyncadd.s32 $0xFFFFE000  }
0x73: {  	[spmem:s18] =	stream.linear.scatter [tilespmem:s26], [sflag:$0x6], $0x800, $0x38;
	[tilespmem:$0x1F600] =	vst v63  }
0x74: {  	_ =	swait.ge [sflag:s25], $0x800  }
0x75: {  	[sflag:s25] =	ssyncset.done $0x0  }
0x76: {  	[sflag:s25] =	ssyncadd.s32 $0xFFFFF800  }
0x77: {  	[bflag:$0x0] =	sbarrier.arrive $0xFFFF  }
0x78: {  	_ =	swait.ge [sflag:s28], $0x4F00  }
.Ltmp3:
0x79: {  	[sflag:s28] =	ssyncset.done $0x0;
	(pc) =	sbr.rel @p0 .LBB2_7-.Ltmp3, $4  }
0x7a: {  	[sflag:s28] =	ssyncadd.s32 $0xFFFFB100  }
0x7b: {  	_ =	swait.ge [sflag:s28], $0x4F00  }
0x7c: {  	[sflag:s28] =	ssyncset.done $0x0  }
0x7d: {  	s8 =	simm.s32 $0x0;
	[sflag:s28] =	ssyncadd.s32 $0xFFFFB100  }
0x7e: {  	[tilespmem:s24], [sflag:$0x2] =	stream.indirect.gather [hbm4b:s5+s29], $0x40, s8, s29, $0xb8;
	[tilespmem:$0x1F600] =	vst v63  }
0x7f: {  	_ = 	snop  }
0x80: {  	[tilespmem:s30], [sflag:$0x3] =	stream.indirect.gather [hbm4b:s5+s29], $0x40, s29, s29, $0xb8;
	[tilespmem:$0x1F600] =	vst v63  }
0x81: {  	_ =	swait.ge [sflag:s31], $0x2000  }
0x82: {  	[sflag:s31] =	ssyncset.done $0x0  }
0x83: {  	s12 =	simm.s32 $0x4F00;
	[sflag:s31] =	ssyncadd.s32 $0xFFFFE000  }
0x84: {  	[spmem:s1] =	stream.indirect.scatter.add.f32 [tilespmem:s24], [sflag:$0x6], $0x40, s12, s29, $0xb8;
	[tilespmem:$0x1F600] =	vst v63  }
0x85: {  	_ =	swait.ge [sflag:s25], $0x2000  }
0x86: {  	[sflag:s25] =	ssyncset.done $0x0  }
0x87: {  	[sflag:s25] =	ssyncadd.s32 $0xFFFFE000  }
0x88: {  	[spmem:s3] =	stream.indirect.scatter.add.f32 [tilespmem:s0], [sflag:$0x6], $0x10, s12, s29, $0xb8;
	[tilespmem:$0x1F600] =	vst v63  }
0x89: {  	_ =	swait.ge [sflag:s25], $0x800  }
0x8a: {  	[sflag:s25] =	ssyncset.done $0x0  }
0x8b: {  	s13 =	simm.s32 $0x100;
	[sflag:s25] =	ssyncadd.s32 $0xFFFFF800  }
0x8c: {  	[tilespmem:s23], [sflag:$0x4] =	stream.indirect.gather [hbm4b:s5+s29], $0x40, s13, s29, $0xb8;
	[tilespmem:$0x1F600] =	vst v63  }
0x8d: {  	_ =	swait.ge [sflag:s19], $0x2000  }
0x8e: {  	[sflag:s19] =	ssyncset.done $0x0  }
0x8f: {  	s14 =	simm.s32 $0x4F80;
	[sflag:s19] =	ssyncadd.s32 $0xFFFFE000  }
0x90: {  	[spmem:s1] =	stream.indirect.scatter.add.f32 [tilespmem:s30], [sflag:$0x6], $0x40, s14, s29, $0xb8;
	[tilespmem:$0x1F600] =	vst v63  }
0x91: {  	_ =	swait.ge [sflag:s25], $0x2000  }
0x92: {  	[sflag:s25] =	ssyncset.done $0x0  }
0x93: {  	s11 =	simm.s32 $0x180;
	[sflag:s25] =	ssyncadd.s32 $0xFFFFE000  }
0x94: {  	[tilespmem:s20], [sflag:$0x5] =	stream.indirect.gather [hbm4b:s5+s29], $0x40, s11, s29, $0xb8;
	[tilespmem:$0x1F600] =	vst v63  }
0x95: {  	_ =	swait.ge [sflag:s2], $0x2000  }
0x96: {  	[sflag:s2] =	ssyncset.done $0x0  }
0x97: {  	s12 =	simm.s32 $0x5000;
	[sflag:s2] =	ssyncadd.s32 $0xFFFFE000  }
0x98: {  	[spmem:s1] =	stream.indirect.scatter.add.f32 [tilespmem:s23], [sflag:$0x6], $0x40, s12, s29, $0xb8;
	[tilespmem:$0x1F600] =	vst v63  }
0x99: {  	_ =	swait.ge [sflag:s25], $0x2000  }
0x9a: {  	[sflag:s25] =	ssyncset.done $0x0  }
0x9b: {  	[sflag:s25] =	ssyncadd.s32 $0xFFFFE000  }
0x9c: {  	[spmem:s3] =	stream.indirect.scatter.add.f32 [tilespmem:s0], [sflag:$0x6], $0x10, s12, s29, $0xb8;
	[tilespmem:$0x1F600] =	vst v63  }
0x9d: {  	_ =	swait.ge [sflag:s25], $0x800  }
0x9e: {  	[sflag:s25] =	ssyncset.done $0x0  }
0x9f: {  	s13 =	simm.s32 $0x200;
	[sflag:s25] =	ssyncadd.s32 $0xFFFFF800  }
0xa0: {  	[tilespmem:s24], [sflag:$0x2] =	stream.indirect.gather [hbm4b:s5+s29], $0x40, s13, s29, $0xb8;
	[tilespmem:$0x1F600] =	vst v63  }
0xa1: {  	_ =	swait.ge [sflag:s4], $0x2000  }
0xa2: {  	[sflag:s4] =	ssyncset.done $0x0  }
0xa3: {  	s14 =	simm.s32 $0x5080;
	[sflag:s4] =	ssyncadd.s32 $0xFFFFE000  }
0xa4: {  	[spmem:s1] =	stream.indirect.scatter.add.f32 [tilespmem:s20], [sflag:$0x6], $0x40, s14, s29, $0xb8;
	[tilespmem:$0x1F600] =	vst v63  }
0xa5: {  	_ =	swait.ge [sflag:s25], $0x2000  }
0xa6: {  	[sflag:s25] =	ssyncset.done $0x0  }
0xa7: {  	s8 =	simm.s32 $0x800;
	s11 =	simm.s32 $0x280;
	[sflag:s25] =	ssyncadd.s32 $0xFFFFE000  }
.LBB2_5:
0xa8: {  	[tilespmem:s30], [sflag:$0x3] =	stream.indirect.gather [hbm4b:s5+s29], $0x40, s11, s29, $0xb8;
	[tilespmem:$0x1F600] =	vst v63  }
0xa9: {  	s11 =	smov.u32 s8  }
0xaa: {  	p1 =	sne.s32 s8, $0x13000;
	s8 =	sadd.s32 $0x800, s8;
	_ =	swait.ge [sflag:s31], $0x2000  }
0xab: {  	s11 =	sshra.s32 s11, $0x2;
	[sflag:s31] =	ssyncset.done $0x0  }
0xac: {  	s12 =	sadd.s32 $0x4F00, s11;
	[sflag:s31] =	ssyncadd.s32 $0xFFFFE000  }
0xad: {  	[spmem:s1] =	stream.indirect.scatter.add.f32 [tilespmem:s24], [sflag:$0x6], $0x40, s12, s29, $0xb8;
	[tilespmem:$0x1F600] =	vst v63  }
0xae: {  	_ =	swait.ge [sflag:s25], $0x2000  }
0xaf: {  	[sflag:s25] =	ssyncset.done $0x0  }
0xb0: {  	[sflag:s25] =	ssyncadd.s32 $0xFFFFE000  }
0xb1: {  	[spmem:s3] =	stream.indirect.scatter.add.f32 [tilespmem:s0], [sflag:$0x6], $0x10, s12, s29, $0xb8;
	[tilespmem:$0x1F600] =	vst v63  }
0xb2: {  	_ =	swait.ge [sflag:s25], $0x800  }
0xb3: {  	[sflag:s25] =	ssyncset.done $0x0  }
0xb4: {  	s12 =	sadd.s32 $0x100, s11;
	[sflag:s25] =	ssyncadd.s32 $0xFFFFF800  }
0xb5: {  	[tilespmem:s23], [sflag:$0x4] =	stream.indirect.gather [hbm4b:s5+s29], $0x40, s12, s29, $0xb8;
	[tilespmem:$0x1F600] =	vst v63  }
0xb6: {  	_ =	swait.ge [sflag:s19], $0x2000  }
0xb7: {  	[sflag:s19] =	ssyncset.done $0x0  }
0xb8: {  	s12 =	sadd.s32 $0x4F80, s11;
	[sflag:s19] =	ssyncadd.s32 $0xFFFFE000  }
0xb9: {  	[spmem:s1] =	stream.indirect.scatter.add.f32 [tilespmem:s30], [sflag:$0x6], $0x40, s12, s29, $0xb8;
	[tilespmem:$0x1F600] =	vst v63  }
0xba: {  	_ =	swait.ge [sflag:s25], $0x2000  }
0xbb: {  	[sflag:s25] =	ssyncset.done $0x0  }
0xbc: {  	s12 =	sadd.s32 $0x180, s11;
	[sflag:s25] =	ssyncadd.s32 $0xFFFFE000  }
0xbd: {  	[tilespmem:s20], [sflag:$0x5] =	stream.indirect.gather [hbm4b:s5+s29], $0x40, s12, s29, $0xb8;
	[tilespmem:$0x1F600] =	vst v63  }
0xbe: {  	_ =	swait.ge [sflag:s2], $0x2000  }
0xbf: {  	[sflag:s2] =	ssyncset.done $0x0  }
0xc0: {  	s12 =	sadd.s32 $0x5000, s11;
	[sflag:s2] =	ssyncadd.s32 $0xFFFFE000  }
0xc1: {  	[spmem:s1] =	stream.indirect.scatter.add.f32 [tilespmem:s23], [sflag:$0x6], $0x40, s12, s29, $0xb8;
	[tilespmem:$0x1F600] =	vst v63  }
0xc2: {  	_ =	swait.ge [sflag:s25], $0x2000  }
0xc3: {  	[sflag:s25] =	ssyncset.done $0x0  }
0xc4: {  	[sflag:s25] =	ssyncadd.s32 $0xFFFFE000  }
0xc5: {  	[spmem:s3] =	stream.indirect.scatter.add.f32 [tilespmem:s0], [sflag:$0x6], $0x10, s12, s29, $0xb8;
	[tilespmem:$0x1F600] =	vst v63  }
0xc6: {  	_ =	swait.ge [sflag:s25], $0x800  }
0xc7: {  	[sflag:s25] =	ssyncset.done $0x0  }
0xc8: {  	s12 =	sadd.s32 $0x200, s11;
	[sflag:s25] =	ssyncadd.s32 $0xFFFFF800  }
0xc9: {  	[tilespmem:s24], [sflag:$0x2] =	stream.indirect.gather [hbm4b:s5+s29], $0x40, s12, s29, $0xb8;
	[tilespmem:$0x1F600] =	vst v63  }
0xca: {  	_ =	swait.ge [sflag:s4], $0x2000  }
0xcb: {  	[sflag:s4] =	ssyncset.done $0x0  }
.Ltmp4:
0xcc: {  	s12 =	sadd.s32 $0x5080, s11;
	[sflag:s4] =	ssyncadd.s32 $0xFFFFE000;
	(pc) =	sbr.rel @p1 .LBB2_5-.Ltmp4, $4  }
0xcd: {  	[spmem:s1] =	stream.indirect.scatter.add.f32 [tilespmem:s20], [sflag:$0x6], $0x40, s12, s29, $0xb8;
	[tilespmem:$0x1F600] =	vst v63  }
0xce: {  	_ =	swait.ge [sflag:s25], $0x2000  }
0xcf: {  	[sflag:s25] =	ssyncset.done $0x0  }
0xd0: {  	s11 =	sadd.s32 $0x280, s11;
	[sflag:s25] =	ssyncadd.s32 $0xFFFFE000  }
0xd1: {  	[tilespmem:s30], [sflag:$0x3] =	stream.indirect.gather [hbm4b:s5+s29], $0x40, s11, s29, $0xb8;
	[tilespmem:$0x1F600] =	vst v63  }
0xd2: {  	_ =	swait.ge [sflag:s31], $0x2000  }
0xd3: {  	[sflag:s31] =	ssyncset.done $0x0  }
0xd4: {  	s8 =	simm.s32 $0x9D00;
	[sflag:s31] =	ssyncadd.s32 $0xFFFFE000  }
0xd5: {  	[spmem:s1] =	stream.indirect.scatter.add.f32 [tilespmem:s24], [sflag:$0x6], $0x40, s8, s29, $0xb8;
	[tilespmem:$0x1F600] =	vst v63  }
0xd6: {  	_ =	swait.ge [sflag:s25], $0x2000  }
0xd7: {  	[sflag:s25] =	ssyncset.done $0x0  }
0xd8: {  	[sflag:s25] =	ssyncadd.s32 $0xFFFFE000  }
0xd9: {  	[spmem:s3] =	stream.indirect.scatter.add.f32 [tilespmem:s0], [sflag:$0x6], $0x10, s8, s29, $0xb8;
	[tilespmem:$0x1F600] =	vst v63  }
0xda: {  	_ =	swait.ge [sflag:s25], $0x800  }
0xdb: {  	[sflag:s25] =	ssyncset.done $0x0  }
0xdc: {  	[sflag:s25] =	ssyncadd.s32 $0xFFFFF800  }
0xdd: {  	_ =	swait.ge [sflag:s19], $0x2000  }
0xde: {  	[sflag:s19] =	ssyncset.done $0x0  }
.Ltmp5:
0xdf: {  	[sflag:s19] =	ssyncadd.s32 $0xFFFFE000;
	(pc) =	sbr.rel .LBB2_10-.Ltmp5, $4  }
0xe0: {  	[spmem:s1] =	stream.indirect.scatter.add.f32 [tilespmem:s30], [sflag:$0x6], $0x40, s15, s29, $0xb8;
	[tilespmem:$0x1F600] =	vst v63  }
0xe1: {  	_ =	swait.ge [sflag:s25], $0x2000  }
0xe2: {  	[sflag:s25] =	ssyncset.done $0x0  }
0xe3: {  	s14 =	simm.s32 $0x9D00;
	s8 =	rddreg [dreg:$0xb];
	[sflag:s25] =	ssyncadd.s32 $0xFFFFE000  }
.LBB2_7:
0xe4: {  	[tilespmem:s24], [sflag:$0x2] =	stream.indirect.gather [hbm4b:s6+s29], $0x40, s8, s29, $0xb8;
	[tilespmem:$0x1F600] =	vst v63  }
0xe5: {  	_ = 	snop  }
0xe6: {  	[tilespmem:s30], [sflag:$0x3] =	stream.indirect.gather [hbm4b:s6+s29], $0x40, s29, s29, $0xb8;
	[tilespmem:$0x1F600] =	vst v63  }
0xe7: {  	_ =	swait.ge [sflag:s31], $0x2000  }
0xe8: {  	[sflag:s31] =	ssyncset.done $0x0  }
0xe9: {  	s12 =	simm.s32 $0x4F00;
	[sflag:s31] =	ssyncadd.s32 $0xFFFFE000  }
0xea: {  	[spmem:s1] =	stream.indirect.scatter.add.f32 [tilespmem:s24], [sflag:$0x6], $0x40, s12, s29, $0xb8;
	[tilespmem:$0x1F600] =	vst v63  }
0xeb: {  	_ =	swait.ge [sflag:s25], $0x2000  }
0xec: {  	[sflag:s25] =	ssyncset.done $0x0  }
0xed: {  	s13 =	simm.s32 $0x100;
	[sflag:s25] =	ssyncadd.s32 $0xFFFFE000  }
0xee: {  	[tilespmem:s23], [sflag:$0x4] =	stream.indirect.gather [hbm4b:s6+s29], $0x40, s13, s29, $0xb8;
	[tilespmem:$0x1F600] =	vst v63  }
0xef: {  	_ =	swait.ge [sflag:s19], $0x2000  }
0xf0: {  	[sflag:s19] =	ssyncset.done $0x0  }
0xf1: {  	s15 =	simm.s32 $0x4F80;
	[sflag:s19] =	ssyncadd.s32 $0xFFFFE000  }
0xf2: {  	[spmem:s1] =	stream.indirect.scatter.add.f32 [tilespmem:s30], [sflag:$0x6], $0x40, s15, s29, $0xb8;
	[tilespmem:$0x1F600] =	vst v63  }
0xf3: {  	_ =	swait.ge [sflag:s25], $0x2000  }
0xf4: {  	[sflag:s25] =	ssyncset.done $0x0  }
0xf5: {  	[sflag:s25] =	ssyncadd.s32 $0xFFFFE000  }
0xf6: {  	[spmem:s3] =	stream.indirect.scatter.add.f32 [tilespmem:s0], [sflag:$0x6], $0x10, s15, s29, $0xb8;
	[tilespmem:$0x1F600] =	vst v63  }
0xf7: {  	_ =	swait.ge [sflag:s25], $0x800  }
0xf8: {  	[sflag:s25] =	ssyncset.done $0x0  }
0xf9: {  	s11 =	simm.s32 $0x180;
	[sflag:s25] =	ssyncadd.s32 $0xFFFFF800  }
0xfa: {  	[tilespmem:s20], [sflag:$0x5] =	stream.indirect.gather [hbm4b:s6+s29], $0x40, s11, s29, $0xb8;
	[tilespmem:$0x1F600] =	vst v63  }
0xfb: {  	_ =	swait.ge [sflag:s2], $0x2000  }
0xfc: {  	[sflag:s2] =	ssyncset.done $0x0  }
0xfd: {  	s12 =	simm.s32 $0x5000;
	[sflag:s2] =	ssyncadd.s32 $0xFFFFE000  }
0xfe: {  	[spmem:s1] =	stream.indirect.scatter.add.f32 [tilespmem:s23], [sflag:$0x6], $0x40, s12, s29, $0xb8;
	[tilespmem:$0x1F600] =	vst v63  }
0xff: {  	_ =	swait.ge [sflag:s25], $0x2000  }
0x100: {  	[sflag:s25] =	ssyncset.done $0x0  }
0x101: {  	s13 =	simm.s32 $0x200;
	[sflag:s25] =	ssyncadd.s32 $0xFFFFE000  }
0x102: {  	[tilespmem:s24], [sflag:$0x2] =	stream.indirect.gather [hbm4b:s6+s29], $0x40, s13, s29, $0xb8;
	[tilespmem:$0x1F600] =	vst v63  }
0x103: {  	_ =	swait.ge [sflag:s4], $0x2000  }
0x104: {  	[sflag:s4] =	ssyncset.done $0x0  }
0x105: {  	s15 =	simm.s32 $0x5080;
	[sflag:s4] =	ssyncadd.s32 $0xFFFFE000  }
0x106: {  	[spmem:s1] =	stream.indirect.scatter.add.f32 [tilespmem:s20], [sflag:$0x6], $0x40, s15, s29, $0xb8;
	[tilespmem:$0x1F600] =	vst v63  }
0x107: {  	_ =	swait.ge [sflag:s25], $0x2000  }
0x108: {  	[sflag:s25] =	ssyncset.done $0x0  }
0x109: {  	[sflag:s25] =	ssyncadd.s32 $0xFFFFE000  }
0x10a: {  	[spmem:s3] =	stream.indirect.scatter.add.f32 [tilespmem:s0], [sflag:$0x6], $0x10, s15, s29, $0xb8;
	[tilespmem:$0x1F600] =	vst v63  }
0x10b: {  	_ =	swait.ge [sflag:s25], $0x800  }
0x10c: {  	[sflag:s25] =	ssyncset.done $0x0  }
0x10d: {  	s8 =	simm.s32 $0x800;
	s11 =	simm.s32 $0x280;
	[sflag:s25] =	ssyncadd.s32 $0xFFFFF800  }
.LBB2_8:
0x10e: {  	[tilespmem:s30], [sflag:$0x3] =	stream.indirect.gather [hbm4b:s6+s29], $0x40, s11, s29, $0xb8;
	[tilespmem:$0x1F600] =	vst v63  }
0x10f: {  	s11 =	smov.u32 s8  }
0x110: {  	p1 =	sne.s32 s8, $0x13000;
	s8 =	sadd.s32 $0x800, s8;
	_ =	swait.ge [sflag:s31], $0x2000  }
0x111: {  	s11 =	sshra.s32 s11, $0x2;
	[sflag:s31] =	ssyncset.done $0x0  }
0x112: {  	s12 =	sadd.s32 $0x4F00, s11;
	[sflag:s31] =	ssyncadd.s32 $0xFFFFE000  }
0x113: {  	[spmem:s1] =	stream.indirect.scatter.add.f32 [tilespmem:s24], [sflag:$0x6], $0x40, s12, s29, $0xb8;
	[tilespmem:$0x1F600] =	vst v63  }
0x114: {  	_ =	swait.ge [sflag:s25], $0x2000  }
0x115: {  	[sflag:s25] =	ssyncset.done $0x0  }
0x116: {  	s12 =	sadd.s32 $0x100, s11;
	[sflag:s25] =	ssyncadd.s32 $0xFFFFE000  }
0x117: {  	[tilespmem:s23], [sflag:$0x4] =	stream.indirect.gather [hbm4b:s6+s29], $0x40, s12, s29, $0xb8;
	[tilespmem:$0x1F600] =	vst v63  }
0x118: {  	_ =	swait.ge [sflag:s19], $0x2000  }
0x119: {  	[sflag:s19] =	ssyncset.done $0x0  }
0x11a: {  	s12 =	sadd.s32 $0x4F80, s11;
	[sflag:s19] =	ssyncadd.s32 $0xFFFFE000  }
0x11b: {  	[spmem:s1] =	stream.indirect.scatter.add.f32 [tilespmem:s30], [sflag:$0x6], $0x40, s12, s29, $0xb8;
	[tilespmem:$0x1F600] =	vst v63  }
0x11c: {  	_ =	swait.ge [sflag:s25], $0x2000  }
0x11d: {  	[sflag:s25] =	ssyncset.done $0x0  }
0x11e: {  	[sflag:s25] =	ssyncadd.s32 $0xFFFFE000  }
0x11f: {  	[spmem:s3] =	stream.indirect.scatter.add.f32 [tilespmem:s0], [sflag:$0x6], $0x10, s12, s29, $0xb8;
	[tilespmem:$0x1F600] =	vst v63  }
0x120: {  	_ =	swait.ge [sflag:s25], $0x800  }
0x121: {  	[sflag:s25] =	ssyncset.done $0x0  }
0x122: {  	s12 =	sadd.s32 $0x180, s11;
	[sflag:s25] =	ssyncadd.s32 $0xFFFFF800  }
0x123: {  	[tilespmem:s20], [sflag:$0x5] =	stream.indirect.gather [hbm4b:s6+s29], $0x40, s12, s29, $0xb8;
	[tilespmem:$0x1F600] =	vst v63  }
0x124: {  	_ =	swait.ge [sflag:s2], $0x2000  }
0x125: {  	[sflag:s2] =	ssyncset.done $0x0  }
0x126: {  	s12 =	sadd.s32 $0x5000, s11;
	[sflag:s2] =	ssyncadd.s32 $0xFFFFE000  }
0x127: {  	[spmem:s1] =	stream.indirect.scatter.add.f32 [tilespmem:s23], [sflag:$0x6], $0x40, s12, s29, $0xb8;
	[tilespmem:$0x1F600] =	vst v63  }
0x128: {  	_ =	swait.ge [sflag:s25], $0x2000  }
0x129: {  	[sflag:s25] =	ssyncset.done $0x0  }
0x12a: {  	s12 =	sadd.s32 $0x200, s11;
	[sflag:s25] =	ssyncadd.s32 $0xFFFFE000  }
0x12b: {  	[tilespmem:s24], [sflag:$0x2] =	stream.indirect.gather [hbm4b:s6+s29], $0x40, s12, s29, $0xb8;
	[tilespmem:$0x1F600] =	vst v63  }
0x12c: {  	_ =	swait.ge [sflag:s4], $0x2000  }
0x12d: {  	[sflag:s4] =	ssyncset.done $0x0  }
0x12e: {  	s12 =	sadd.s32 $0x5080, s11;
	[sflag:s4] =	ssyncadd.s32 $0xFFFFE000  }
0x12f: {  	[spmem:s1] =	stream.indirect.scatter.add.f32 [tilespmem:s20], [sflag:$0x6], $0x40, s12, s29, $0xb8;
	[tilespmem:$0x1F600] =	vst v63  }
0x130: {  	_ =	swait.ge [sflag:s25], $0x2000  }
0x131: {  	[sflag:s25] =	ssyncset.done $0x0  }
.Ltmp6:
0x132: {  	[sflag:s25] =	ssyncadd.s32 $0xFFFFE000;
	(pc) =	sbr.rel @p1 .LBB2_8-.Ltmp6, $4  }
0x133: {  	[spmem:s3] =	stream.indirect.scatter.add.f32 [tilespmem:s0], [sflag:$0x6], $0x10, s12, s29, $0xb8;
	[tilespmem:$0x1F600] =	vst v63  }
0x134: {  	_ =	swait.ge [sflag:s25], $0x800  }
0x135: {  	[sflag:s25] =	ssyncset.done $0x0  }
0x136: {  	s11 =	sadd.s32 $0x280, s11;
	[sflag:s25] =	ssyncadd.s32 $0xFFFFF800  }
.Ltmp7:
0x137: {  	_ = 	snop;
	(pc) =	sbr.rel .LBB2_9-.Ltmp7, $1  }
0x138: {  	_ =	sdelay $0x3  }
.LBB2_11:
0x139: {  	_ =	sfence.sel $0x180000  }
0x13a: {  	[bflag:$0x0] =	sbarrier.arrive $0xFFFF  }
0x13b: {  	_ =	strace $0x90000047  }
0x13c: {  	s0 =	stileid.u32;
	[bflag:$0x2] =	sbarrier.arrive $0xFFFF  }
0x13d: {  	p0 =	sne.s32 s0, $0x0;
	s0 =	rddreg [dreg:$0x4]  }
0x13e: {  	s0 =	sadd.s32 @!p0 $0x100000, s0  }
0x13f: {  	[sflag:s0] =	ssyncadd.tile.s32 @!p0 $0x1;
	_ =	shalt  }
.Lfunc_end2:
_tile_overlayer_lowered:
.L_overlay_start_2:
0x140: {  	(tag) =	ssettag $0x2  }
0x141: {  	s0 =	rddreg [dreg:$0x0];
	s2 =	stileid.u32  }
0x142: {  	s1 =	rddreg [dreg:$0x1];
	p0 =	sne.s32 s2, $0x0  }
0x143: {  	s3 =	rddreg [dreg:$0x2];
	[bflag:$0x3] =	sbarrier.arrive $0xFFFF;
	s2 =	simm.s32 @!p0 $0x1C06  }
0x144: {  	[timem:s3], [sflag:s2] =	dma.local @!p0 [hbm:s0], s1  }
0x145: {  	s0 =	simm.s32 @!p0 $0x6  }
0x146: {  	_ =	swait.ge @!p0 [sflag:s0], s1  }
0x147: {  	s1 =	ssub.s32 @!p0 $0x0, s1;
	[sflag:s0] =	ssyncset.done @!p0 $0x0  }
0x148: {  	[sflag:s0] =	ssyncadd.s32 @!p0 s1  }
0x149: {  	[bflag:$0x3] =	sbarrier.arrive $0xFFFF  }
0x14a: {  	_ =	shalt  }

// kernel: kernel.9.cloned.1.call-start
scs
__scs_entry_jumppad:
0x0: {  	(pc) =	sbr.rel $0x88, $3  }
0x1: {  	(tag) =	ssettag $0x0;
	lr =	simm.s32 $0x1  }
0x2: {  	[smem:$0x3F99] =	sst lr;
	_ =	strace $0xD0000000  }
0x3: {  	_ = 	snop  }
0x4: {  	_ = 	snop  }
0x5: {  	_ = 	snop  }
0x6: {  	_ = 	snop  }
0x7: {  	_ = 	snop  }
__scs_overlays_trampoline_lowered:
0x8: {  	[smem:$0x3FA8] =	sst s0  }
0x9: {  	[smem:$0x3FA9] =	sst s1  }
0xa: {  	[smem:$0x3FAA] =	sst s2  }
0xb: {  	[smem:$0x3FAB] =	sst s3  }
0xc: {  	[smem:$0x3FAC] =	sst s4  }
0xd: {  	[smem:$0x3FAD] =	sst s5  }
0xe: {  	[smem:$0x3FAE] =	sst s6  }
0xf: {  	[smem:$0x3FAF] =	sst s7  }
0x10: {  	[smem:$0x3FB0] =	sst s8  }
0x11: {  	[smem:$0x3FB1] =	sst s9;
	s0 =	simm.s32 @!p0 $0x0  }
0x12: {  	s1 =	sld [smem:$0x3F97];
	s0 =	simm.s32 @p0 $0x1  }
0x13: {  	[smem:$0x3FB2] =	sst s0;
	s0 =	simm.s32 @!p1 $0x0  }
0x14: {  	s2 =	sld [smem:$0x3F96];
	s0 =	simm.s32 @p1 $0x1  }
0x15: {  	[smem:$0x3FB3] =	sst s0;
	s0 =	simm.s32 @!p2 $0x0  }
0x16: {  	s3 =	sld [smem:$0x3FDB];
	s0 =	simm.s32 @p2 $0x1  }
0x17: {  	s4 =	simm.s32 $0x1BF5;
	[smem:$0x3FB5] =	sst s0  }
0x18: {  	s0 =	sld [smem:$0x3F98];
	_ =	swait.ge [sflag:s4], $0x0  }
0x19: {  	s7 =	sld [smem:$0x3F99]  }
0x1a: {  	s8 =	sadd.s32 $0xFFFFE003, lr  }
0x1b: {  	s9 =	sadd.s32 $0xFFFFFEF7, lr;
	s5 =	simm.s32 $0xFFFFFFFF;
	p2 =	slt.u32 s8, $0xFFFFF086  }
0x1c: {  	p1 =	slt.u32 s9, $0xF7A;
	s5 =	simm.s32 @!p2 $0x0  }
0x1d: {  	s5 =	simm.s32 @p1 $0x1;
	p0 =	seq.s32 s7, s2  }
0x1e: {  	s7 =	smul.u32 @!p0 $0xF7A, s2;
	p2 =	seq.s32 @!p0 s5, $0x0  }
0x1f: {  	s9 =	smul.u32 $0xF7A, s1;
	s8 =	simm.s32 @!p0 $0x1BF5;
	p2 =	por !p2, p0  }
0x20: {  	[sflag:s8] =	ssyncset.s32 @!p0 $0xFFFFF086;
	s6 =	sadd.s32 @!p0 s3, s7;
	s7 =	simm.s32 @!p0 $0x108  }
0x21: {  	s3 =	sadd.s32 s3, s9;
	s6 =	sadd.s32 @!p0 $0x88, s6;
	s7 =	simm.s32 @p2 $0x1082  }
0x22: {  	[simem:s7], [sflag:s8] =	dma.local @!p0 [hbm:s6], $0xF7A  }
0x23: {  	s9 =	sor.u32 $0xD0000000, s2;
	s6 =	simm.s32 $0x108;
	_ =	swait.ge @!p0 [sflag:s8], $0x0  }
0x24: {  	s3 =	sadd.s32 $0x88, s3;
	s6 =	simm.s32 @!p1 $0x1082;
	[sflag:s4] =	ssyncset.s32 $0xFFFFF086  }
0x25: {  	[simem:s6], [sflag:s4] =	dma.local [hbm:s3], $0xF7A  }
0x26: {  	[smem:$0x3F99] =	sst s1;
	(tag) =	ssettag s2;
	_ =	strace s9  }
0x27: {  	s1 =	sld [smem:$0x3FA9]  }
0x28: {  	s2 =	sld [smem:$0x3FAA]  }
0x29: {  	s4 =	sld [smem:$0x3FAC]  }
0x2a: {  	p0 =	seq.s32 s5, $0x0;
	s5 =	sld [smem:$0x3FAD]  }
0x2b: {  	s6 =	sld [smem:$0x3FAE]  }
0x2c: {  	s7 =	sld [smem:$0x3FAF]  }
0x2d: {  	s3 =	simm.s32 $0x108;
	s8 =	sld [smem:$0x3FB0]  }
0x2e: {  	s3 =	simm.s32 @!p0 $0x1082;
	s9 =	sld [smem:$0x3FB1]  }
0x2f: {  	lr =	sadd.s32 s0, s3;
	s0 =	sld [smem:$0x3FA8]  }
0x30: {  	s3 =	sld [smem:$0x3FAB]  }
0x31: {  	[smem:$0x3FB4] =	sst s10  }
0x32: {  	s10 =	sld [smem:$0x3FB2];
	_ =	sdelay $0x3  }
0x33: {  	p0 =	seq.s32 s10, $0x1;
	s10 =	sld [smem:$0x3FB4];
	_ =	sdelay $0x3  }
0x34: {  	[smem:$0x3FB4] =	sst s10  }
0x35: {  	s10 =	sld [smem:$0x3FB3];
	_ =	sdelay $0x3  }
0x36: {  	p1 =	seq.s32 s10, $0x1;
	s10 =	sld [smem:$0x3FB4];
	_ =	sdelay $0x3  }
0x37: {  	[smem:$0x3FB4] =	sst s10  }
0x38: {  	s10 =	sld [smem:$0x3FB5]  }
0x39: {  	_ = 	snop;
	(pc) =	sbr.ind lr, $3  }
0x3a: {  	_ = 	snop  }
0x3b: {  	_ = 	snop  }
0x3c: {  	p2 =	seq.s32 s10, $0x1;
	s10 =	sld [smem:$0x3FB4]  }
0x3d: {  	_ =	shalt  }
0x3e: {  	_ =	shalt  }
0x3f: {  	_ =	shalt  }
0x40: {  	_ =	shalt  }
0x41: {  	_ =	shalt  }
0x42: {  	_ =	shalt  }
0x43: {  	_ =	shalt  }
0x44: {  	_ =	shalt  }
0x45: {  	_ =	shalt  }
0x46: {  	_ =	shalt  }
0x47: {  	_ =	shalt  }
0x48: {  	_ =	shalt  }
0x49: {  	_ =	shalt  }
0x4a: {  	_ =	shalt  }
0x4b: {  	_ =	shalt  }
0x4c: {  	_ =	shalt  }
0x4d: {  	_ =	shalt  }
0x4e: {  	_ =	shalt  }
0x4f: {  	_ =	shalt  }
0x50: {  	_ =	shalt  }
0x51: {  	_ =	shalt  }
0x52: {  	_ =	shalt  }
0x53: {  	_ =	shalt  }
0x54: {  	_ =	shalt  }
0x55: {  	_ =	shalt  }
0x56: {  	_ =	shalt  }
0x57: {  	_ =	shalt  }
0x58: {  	_ =	shalt  }
0x59: {  	_ =	shalt  }
0x5a: {  	_ =	shalt  }
0x5b: {  	_ =	shalt  }
0x5c: {  	_ =	shalt  }
0x5d: {  	_ =	shalt  }
0x5e: {  	_ =	shalt  }
0x5f: {  	_ =	shalt  }
0x60: {  	_ =	shalt  }
0x61: {  	_ =	shalt  }
0x62: {  	_ =	shalt  }
0x63: {  	_ =	shalt  }
0x64: {  	_ =	shalt  }
0x65: {  	_ =	shalt  }
0x66: {  	_ =	shalt  }
0x67: {  	_ =	shalt  }
0x68: {  	_ =	shalt  }
0x69: {  	_ =	shalt  }
0x6a: {  	_ =	shalt  }
0x6b: {  	_ =	shalt  }
0x6c: {  	_ =	shalt  }
0x6d: {  	_ =	shalt  }
0x6e: {  	_ =	shalt  }
0x6f: {  	_ =	shalt  }
0x70: {  	_ =	shalt  }
0x71: {  	_ =	shalt  }
0x72: {  	_ =	shalt  }
0x73: {  	_ =	shalt  }
0x74: {  	_ =	shalt  }
0x75: {  	_ =	shalt  }
0x76: {  	_ =	shalt  }
0x77: {  	_ =	shalt  }
0x78: {  	_ =	shalt  }
0x79: {  	_ =	shalt  }
0x7a: {  	_ =	shalt  }
0x7b: {  	_ =	shalt  }
0x7c: {  	_ =	shalt  }
0x7d: {  	_ =	shalt  }
0x7e: {  	_ =	shalt  }
0x7f: {  	_ =	shalt  }
0x80: {  	_ =	shalt  }
0x81: {  	_ =	shalt  }
0x82: {  	_ =	shalt  }
0x83: {  	_ =	shalt  }
0x84: {  	_ =	shalt  }
0x85: {  	_ =	shalt  }
0x86: {  	_ =	shalt  }
0x87: {  	_ =	shalt  }
.Lfunc_end0:
.L_simem_size_0:
called_computation.1_lowered:
.L_overlay_start_0:
0x88: {  	s2 =	sld [smem:$0x3FD9]  }
0x89: {  	s3 =	sld [smem:$0x3FFE];
	_ =	sdelay $0x1  }
0x8a: {  	s1 =	srdreg.scid  }
0x8b: {  	s0 =	sand.u32 $0x1, s1  }
0x8c: {  	s16 =	sshll.u32 s0, $0xA;
	s2 =	sadd.s32 s3, s2  }
0x8d: {  	s2 =	sadd.s32 s2, s16  }
0x8e: {  	[smem:$0x3FC0] =	sst s2  }
0x8f: {  	_ = 	snop  }
0x90: {  	(tm) =	ssettm $0x1  }
0x91: {  	s17 =	sld [smem:$0x3FFB];
	_ =	sdelay $0x3  }
0x92: {  	_ =	strace s17  }
0x93: {  	s2 =	sld [smem:$0x3FFC];
	_ =	sdelay $0x3  }
0x94: {  	_ =	strace s2  }
0x95: {  	s2 =	sld [smem:$0x3FFD];
	_ =	sdelay $0x3  }
0x96: {  	_ =	strace s2  }
0x97: {  	_ =	strace $0x8FFFFFFF  }
0x98: {  	s18 =	sld [smem:$0x3FDB];
	_ =	sdelay $0x1  }
0x99: {  	s19 =	simm.s32 $_scs_section_size  }
0x9a: {  	s4 =	simm.s32 $_size__tile_overlayer_lowered;
	s5 =	simm.s32 $_tile_overlayer_lowered  }
0x9b: {  	s22 =	simm.s32 $0x1BFF;
	s21 =	sshll.u32 s5, $0x1;
	s2 =	sadd.s32 s19, s18  }
0x9c: {  	s6 =	simm.s32 $0x0;
	s20 =	sshll.u32 s4, $0x1;
	s4 =	sadd.s32 s21, s2  }
0x9d: {  	[timem:s6], [sflag:s22] =	dma.local [hbm:s4], s20  }
0x9e: {  	_ =	swait.ge [sflag:s22], s20  }
0x9f: {  	s3 =	ssub.s32 $0x0, s20;
	[sflag:s22] =	ssyncset.done $0x0  }
0xa0: {  	[sflag:s22] =	ssyncadd.s32 s3;
	_ =	sdelay $0x1  }
0xa1: {  	s23 =	simm.s32 $0x1B8B  }
0xa2: {  	_ =	swait.ge [sflag:s23], $0x1  }
0xa3: {  	[sflag:s23] =	ssyncset.done $0x0  }
0xa4: {  	s25 =	simm.s32 $0x1B8E;
	s24 =	sld [smem:$0x3FFE];
	[sflag:s23] =	ssyncadd.s32 $0xFFFFFFFF  }
0xa5: {  	s26 =	simm.s32 $execute0_lowered;
	[smem:$0x3FD2] =	sst s25  }
0xa6: {  	s4 =	sshll.u32 s26, $0x1;
	_ =	strace $0x80000049;
	[dreg:$0x1] =	wrdreg $0xFFFFFFFF  }
0xa7: {  	s28 =	simm.s32 $_size_execute0_lowered;
	s2 =	sadd.s32 s2, s4;
	[dreg:$0x0] =	wrdreg $0x0  }
0xa8: {  	s4 =	sshll.u32 s28, $0x1;
	[dreg:$0x2] =	wrdreg s2  }
0xa9: {  	[dreg:$0x3] =	wrdreg s4  }
0xaa: {  	[dreg:$0x4] =	wrdreg $0xC0  }
0xab: {  	_ =	task [dreg:s6], $0x5FFFF  }
0xac: {  	[dreg:$0x1] =	wrdreg $0xFFFFFFFF  }
0xad: {  	[dreg:$0x0] =	wrdreg $0x60  }
0xae: {  	[dreg:$0x2] =	wrdreg s24  }
0xaf: {  	[dreg:$0x3] =	wrdreg $0xAF000  }
0xb0: {  	[dreg:$0x4] =	wrdreg $0x9  }
0xb1: {  	_ =	task.clear_ibuf [dreg:s6], $0x5FFFF;
	_ =	strace $0x90000049  }
0xb2: {  	s29 =	simm.s32 $0x9;
	_ =	strace $0x8000004B  }
0xb3: {  	_ =	swait.ge [sflag:s29], $0x1  }
0xb4: {  	[sflag:s29] =	ssyncadd.s32 $0xFFFFFFFF  }
0xb5: {  	_ =	strace $0x9000004B  }
0xb6: {  	_ =	sfence  }
0xb7: {  	s30 =	sld [smem:$0x0];
	_ =	sdelay $0x2  }
0xb8: {  	s31 =	sshll.u32 s1, $0xD;
	s1 =	sshrl.u32 s1, $0x2  }
0xb9: {  	s3 =	sand.u32 $0x4000, s31;
	s1 =	sadd.s32 s1, s30  }
0xba: {  	s0 =	sor.u32 s3, s0;
	s1 =	sshll.u32 s1, $0x11  }
0xbb: {  	s0 =	sor.u32 s1, s0  }
0xbc: {  	s0 =	sadd.s32 $0x8F2B, s0  }
0xbd: {  	[sflag:s0] =	ssyncadd.remote.s32 $0x1  }
0xbe: {  	_ =	sfence.sel $0xFFFF  }
0xbf: {  	[dreg:$0x0] =	wrdreg $0xFFFFFFFF;
	(pc) =	sbr.abs _section_cstart, $3  }
0xc0: {  	[dreg:$0x1] =	wrdreg $0xFFFFFFFF  }
0xc1: {  	_ =	task.clear_ibuf [dreg:s6], $0x2FFFF;
	_ =	strace $0x9FFFFFFF  }
0xc2: {  	(tm) =	ssettm $0x7FFFFFFF  }
0xc3: {  	_ =	shalt  }
tec
execute0_lowered:
.L_overlay_start_1:
0x0: {  	(tag) =	ssettag $0x1  }
0x1: {  	s0 =	rddreg [dreg:$0x0]  }
0x2: {  	s2 =	rddreg [dreg:$0x1];
	s1 =	srdreg.scid  }
0x3: {  	s9 =	stileid.u32;
	s3 =	simm.s32 $0x0;
	s15 =	simm.s32 $0x4F00  }
0x4: {  	s16 =	simm.s32 $0x6;
	s17 =	simm.s32 $0x1;
	s18 =	simm.s32 $0x80  }
0x5: {  	s19 =	simm.s32 $0x6700;
	s20 =	simm.s32 $0x2;
	s21 =	simm.s32 $0x7F00  }
0x6: {  	s22 =	simm.s32 $0x3;
	s23 =	simm.s32 $0x9700;
	s24 =	simm.s32 $0x4  }
0x7: {  	s28 =	simm.s32 $0x2700;
	s29 =	simm.s32 $0x4E00;
	s30 =	simm.s32 $0x4E80  }
0x8: {  	s31 =	simm.s32 $0x10;
	s5 =	sand.u32 $0x1, s1;
	s4 =	sshll.u32 s9, $0x1  }
0x9: {  	[smem:$0x7FF] =	sst s3;
	s1 =	sshll.u32 s1, $0x3;
	s7 =	smul.u32 $0x1E000, s9  }
0xa: {  	s11 =	smul.u32 $0x2800, s9;
	s4 =	sor.u32 s5, s4;
	_ =	strace $0x8000004A  }
0xb: {  	s1 =	sand.u32 $0x8, s1;
	s5 =	ssub.s32 $0x2, s5;
	s6 =	smul.u32 $0x4F0, s4  }
0xc: {  	s4 =	sadd.s32 $0x2000, s0;
	s25 =	sshrl.u32 s5, $0x1;
	s26 =	sshrl.u32 s7, $0x2  }
0xd: {  	s8 =	sadd.s32 s6, s0;
	s0 =	sadd.s32 s1, s0;
	s1 =	ssub.s32 s5, s25  }
0xe: {  	s5 =	sadd.s32 s26, s2;
	s25 =	simm.s32 $0x5;
	s6 =	sadd.s32 $0x83E00, s8  }
0xf: {  	s7 =	sadd.s32 $0x7A000, s8;
	s8 =	sadd.s32 $0x1800, s5;
	s9 =	sadd.s32 $0x3000, s5  }
0x10: {  	s10 =	sadd.s32 $0x4800, s5;
	s0 =	sadd.s32 s11, s0;
	s11 =	sadd.s32 $0x6000, s5  }
0x11: {  	v0 =	vimm.f32 $0.0e+00;
	s12 =	smax.u32 s1, $0x1;
	s13 =	sadd.s32 $0x11000, s0;
	s0 =	simm.s32 $0x0  }
.LBB2_1:
0x12: {  	[tilespmem:s3], [sflag:$0x1] =	stream.linear.gather [hbm4b:s6+s3], $0x2780, $0x38;
	[tilespmem:$0x12700] =	vst v63  }
0x13: {  	s1 =	simm.s32 $0x2780  }
0x14: {  	[tilespmem:s1], [sflag:$0x1] =	stream.linear.gather [hbm4b:s7+s3], $0x2780, $0x38;
	[tilespmem:$0x12700] =	vst v63  }
0x15: {  	s14 =	simm.s32 $0x0;
	s1 =	simm.s32 $0xC0  }
.LBB2_2:
0x16: {  	p0 =	sne.s32 s1, $0x5F40;
	[tilespmem:s14+$0x4F20] =	vst v0;
	s26 =	smov.u32 s1;
	s1 =	sadd.s32 $0xC0, s1  }
.Ltmp0:
0x17: {  	[tilespmem:s14+$0x4F00] =	vst v0;
	(pc) =	sbr.rel @p0 .LBB2_2-.Ltmp0, $2  }
0x18: {  	[tilespmem:s14+$0x4F10] =	vst v0;
	_ =	sdelay $0x2  }
0x19: {  	s14 =	sshra.s32 s26, $0x2  }
0x1a: {  	[tilespmem:s14+$0x4F20] =	vst v0  }
0x1b: {  	[tilespmem:s14+$0x4F00] =	vst v0  }
0x1c: {  	[tilespmem:s14+$0x4F10] =	vst v0  }
0x1d: {  	[spmem:s5] =	stream.linear.scatter [tilespmem:s15], [sflag:$0x6], $0x1800, $0x38;
	[tilespmem:$0x12700] =	vst v63  }
0x1e: {  	_ =	swait.ge [sflag:s16], $0x1800  }
0x1f: {  	[sflag:s16] =	ssyncset.done $0x0  }
0x20: {  	[sflag:s16] =	ssyncadd.s32 $0xFFFFE800  }
0x21: {  	[spmem:s8] =	stream.linear.scatter [tilespmem:s15], [sflag:$0x6], $0x1800, $0x38;
	[tilespmem:$0x12700] =	vst v63  }
0x22: {  	_ =	swait.ge [sflag:s16], $0x1800  }
0x23: {  	[sflag:s16] =	ssyncset.done $0x0  }
0x24: {  	[sflag:s16] =	ssyncadd.s32 $0xFFFFE800  }
0x25: {  	[spmem:s9] =	stream.linear.scatter [tilespmem:s15], [sflag:$0x6], $0x1800, $0x38;
	[tilespmem:$0x12700] =	vst v63  }
0x26: {  	_ =	swait.ge [sflag:s16], $0x1800  }
0x27: {  	[sflag:s16] =	ssyncset.done $0x0  }
0x28: {  	[sflag:s16] =	ssyncadd.s32 $0xFFFFE800  }
0x29: {  	[spmem:s10] =	stream.linear.scatter [tilespmem:s15], [sflag:$0x6], $0x1800, $0x38;
	[tilespmem:$0x12700] =	vst v63  }
0x2a: {  	_ =	swait.ge [sflag:s16], $0x1800  }
0x2b: {  	[sflag:s16] =	ssyncset.done $0x0  }
0x2c: {  	[sflag:s16] =	ssyncadd.s32 $0xFFFFE800  }
0x2d: {  	[spmem:s11] =	stream.linear.scatter [tilespmem:s15], [sflag:$0x6], $0x1800, $0x38;
	[tilespmem:$0x12700] =	vst v63  }
0x2e: {  	_ =	swait.ge [sflag:s16], $0x1800  }
0x2f: {  	[sflag:s16] =	ssyncset.done $0x0  }
0x30: {  	[sflag:s16] =	ssyncadd.s32 $0xFFFFE800  }
0x31: {  	[bflag:$0x0] =	sbarrier.arrive $0xFFFF  }
0x32: {  	_ =	swait.ge [sflag:s17], $0x2780  }
0x33: {  	[sflag:s17] =	ssyncset.done $0x0  }
0x34: {  	[sflag:s17] =	ssyncadd.s32 $0xFFFFD880  }
0x35: {  	_ =	swait.ge [sflag:s17], $0x2780  }
0x36: {  	[sflag:s17] =	ssyncset.done $0x0  }
0x37: {  	s1 =	simm.s32 $0x0;
	[sflag:s17] =	ssyncadd.s32 $0xFFFFD880  }
0x38: {  	[tilespmem:s15], [sflag:$0x2] =	stream.indirect.gather [hbm4b:s4+s18], $0x30, s1, s18, $0xb8;
	[tilespmem:$0x12700] =	vst v63  }
0x39: {  	_ = 	snop  }
0x3a: {  	[tilespmem:s19], [sflag:$0x3] =	stream.indirect.gather [hbm4b:s4+s18], $0x30, s18, s18, $0xb8;
	[tilespmem:$0x12700] =	vst v63  }
0x3b: {  	_ =	swait.ge [sflag:s20], $0x1800  }
0x3c: {  	[sflag:s20] =	ssyncset.done $0x0  }
0x3d: {  	s26 =	simm.s32 $0x2780;
	[sflag:s20] =	ssyncadd.s32 $0xFFFFE800  }
0x3e: {  	[spmem:s2] =	stream.indirect.scatter.add.f32 [tilespmem:s15], [sflag:$0x6], $0x30, s26, s18, $0xb8;
	[tilespmem:$0x12700] =	vst v63  }
0x3f: {  	_ =	swait.ge [sflag:s16], $0x1800  }
0x40: {  	[sflag:s16] =	ssyncset.done $0x0  }
0x41: {  	s14 =	simm.s32 $0x100;
	[sflag:s16] =	ssyncadd.s32 $0xFFFFE800  }
0x42: {  	[tilespmem:s21], [sflag:$0x4] =	stream.indirect.gather [hbm4b:s4+s18], $0x30, s14, s18, $0xb8;
	[tilespmem:$0x12700] =	vst v63  }
0x43: {  	_ =	swait.ge [sflag:s22], $0x1800  }
0x44: {  	[sflag:s22] =	ssyncset.done $0x0  }
0x45: {  	s26 =	simm.s32 $0x2800;
	[sflag:s22] =	ssyncadd.s32 $0xFFFFE800  }
0x46: {  	[spmem:s2] =	stream.indirect.scatter.add.f32 [tilespmem:s19], [sflag:$0x6], $0x30, s26, s18, $0xb8;
	[tilespmem:$0x12700] =	vst v63  }
0x47: {  	_ =	swait.ge [sflag:s16], $0x1800  }
0x48: {  	[sflag:s16] =	ssyncset.done $0x0  }
0x49: {  	s14 =	simm.s32 $0x180;
	[sflag:s16] =	ssyncadd.s32 $0xFFFFE800  }
0x4a: {  	[tilespmem:s23], [sflag:$0x5] =	stream.indirect.gather [hbm4b:s4+s18], $0x30, s14, s18, $0xb8;
	[tilespmem:$0x12700] =	vst v63  }
0x4b: {  	_ =	swait.ge [sflag:s24], $0x1800  }
0x4c: {  	[sflag:s24] =	ssyncset.done $0x0  }
0x4d: {  	s26 =	simm.s32 $0x2880;
	[sflag:s24] =	ssyncadd.s32 $0xFFFFE800  }
0x4e: {  	[spmem:s2] =	stream.indirect.scatter.add.f32 [tilespmem:s21], [sflag:$0x6], $0x30, s26, s18, $0xb8;
	[tilespmem:$0x12700] =	vst v63  }
0x4f: {  	_ =	swait.ge [sflag:s16], $0x1800  }
0x50: {  	[sflag:s16] =	ssyncset.done $0x0  }
0x51: {  	s14 =	simm.s32 $0x200;
	[sflag:s16] =	ssyncadd.s32 $0xFFFFE800  }
0x52: {  	[tilespmem:s15], [sflag:$0x2] =	stream.indirect.gather [hbm4b:s4+s18], $0x30, s14, s18, $0xb8;
	[tilespmem:$0x12700] =	vst v63  }
0x53: {  	_ =	swait.ge [sflag:s25], $0x1800  }
0x54: {  	[sflag:s25] =	ssyncset.done $0x0  }
0x55: {  	s26 =	simm.s32 $0x2900;
	[sflag:s25] =	ssyncadd.s32 $0xFFFFE800  }
0x56: {  	[spmem:s2] =	stream.indirect.scatter.add.f32 [tilespmem:s23], [sflag:$0x6], $0x30, s26, s18, $0xb8;
	[tilespmem:$0x12700] =	vst v63  }
0x57: {  	_ =	swait.ge [sflag:s16], $0x1800  }
0x58: {  	[sflag:s16] =	ssyncset.done $0x0  }
0x59: {  	s1 =	simm.s32 $0x800;
	s14 =	simm.s32 $0x280;
	[sflag:s16] =	ssyncadd.s32 $0xFFFFE800  }
.LBB2_4:
0x5a: {  	[tilespmem:s19], [sflag:$0x3] =	stream.indirect.gather [hbm4b:s4+s18], $0x30, s14, s18, $0xb8;
	[tilespmem:$0x12700] =	vst v63  }
0x5b: {  	s14 =	smov.u32 s1  }
0x5c: {  	p0 =	sne.s32 s1, $0x9000;
	s1 =	sadd.s32 $0x800, s1;
	_ =	swait.ge [sflag:s20], $0x1800  }
0x5d: {  	s14 =	sshra.s32 s14, $0x2;
	[sflag:s20] =	ssyncset.done $0x0  }
0x5e: {  	s26 =	sadd.s32 $0x2780, s14;
	[sflag:s20] =	ssyncadd.s32 $0xFFFFE800  }
0x5f: {  	[spmem:s2] =	stream.indirect.scatter.add.f32 [tilespmem:s15], [sflag:$0x6], $0x30, s26, s18, $0xb8;
	[tilespmem:$0x12700] =	vst v63  }
0x60: {  	_ =	swait.ge [sflag:s16], $0x1800  }
0x61: {  	[sflag:s16] =	ssyncset.done $0x0  }
0x62: {  	s26 =	sadd.s32 $0x100, s14;
	[sflag:s16] =	ssyncadd.s32 $0xFFFFE800  }
0x63: {  	[tilespmem:s21], [sflag:$0x4] =	stream.indirect.gather [hbm4b:s4+s18], $0x30, s26, s18, $0xb8;
	[tilespmem:$0x12700] =	vst v63  }
0x64: {  	_ =	swait.ge [sflag:s22], $0x1800  }
0x65: {  	[sflag:s22] =	ssyncset.done $0x0  }
0x66: {  	s26 =	sadd.s32 $0x2800, s14;
	[sflag:s22] =	ssyncadd.s32 $0xFFFFE800  }
0x67: {  	[spmem:s2] =	stream.indirect.scatter.add.f32 [tilespmem:s19], [sflag:$0x6], $0x30, s26, s18, $0xb8;
	[tilespmem:$0x12700] =	vst v63  }
0x68: {  	_ =	swait.ge [sflag:s16], $0x1800  }
0x69: {  	[sflag:s16] =	ssyncset.done $0x0  }
0x6a: {  	s26 =	sadd.s32 $0x180, s14;
	[sflag:s16] =	ssyncadd.s32 $0xFFFFE800  }
0x6b: {  	[tilespmem:s23], [sflag:$0x5] =	stream.indirect.gather [hbm4b:s4+s18], $0x30, s26, s18, $0xb8;
	[tilespmem:$0x12700] =	vst v63  }
0x6c: {  	_ =	swait.ge [sflag:s24], $0x1800  }
0x6d: {  	[sflag:s24] =	ssyncset.done $0x0  }
0x6e: {  	s26 =	sadd.s32 $0x2880, s14;
	[sflag:s24] =	ssyncadd.s32 $0xFFFFE800  }
0x6f: {  	[spmem:s2] =	stream.indirect.scatter.add.f32 [tilespmem:s21], [sflag:$0x6], $0x30, s26, s18, $0xb8;
	[tilespmem:$0x12700] =	vst v63  }
0x70: {  	_ =	swait.ge [sflag:s16], $0x1800  }
0x71: {  	[sflag:s16] =	ssyncset.done $0x0  }
0x72: {  	s26 =	sadd.s32 $0x200, s14;
	[sflag:s16] =	ssyncadd.s32 $0xFFFFE800  }
0x73: {  	[tilespmem:s15], [sflag:$0x2] =	stream.indirect.gather [hbm4b:s4+s18], $0x30, s26, s18, $0xb8;
	[tilespmem:$0x12700] =	vst v63  }
0x74: {  	_ =	swait.ge [sflag:s25], $0x1800  }
0x75: {  	[sflag:s25] =	ssyncset.done $0x0  }
.Ltmp1:
0x76: {  	s26 =	sadd.s32 $0x2900, s14;
	[sflag:s25] =	ssyncadd.s32 $0xFFFFE800;
	(pc) =	sbr.rel @p0 .LBB2_4-.Ltmp1, $4  }
0x77: {  	[spmem:s2] =	stream.indirect.scatter.add.f32 [tilespmem:s23], [sflag:$0x6], $0x30, s26, s18, $0xb8;
	[tilespmem:$0x12700] =	vst v63  }
0x78: {  	_ =	swait.ge [sflag:s16], $0x1800  }
0x79: {  	[sflag:s16] =	ssyncset.done $0x0  }
0x7a: {  	s14 =	sadd.s32 $0x280, s14;
	[sflag:s16] =	ssyncadd.s32 $0xFFFFE800  }
0x7b: {  	[tilespmem:s19], [sflag:$0x3] =	stream.indirect.gather [hbm4b:s4+s18], $0x30, s14, s18, $0xb8;
	[tilespmem:$0x12700] =	vst v63  }
0x7c: {  	_ =	swait.ge [sflag:s20], $0x1800  }
0x7d: {  	[sflag:s20] =	ssyncset.done $0x0  }
0x7e: {  	s1 =	simm.s32 $0x4D80;
	[sflag:s20] =	ssyncadd.s32 $0xFFFFE800  }
0x7f: {  	[spmem:s2] =	stream.indirect.scatter.add.f32 [tilespmem:s15], [sflag:$0x6], $0x30, s1, s18, $0xb8;
	[tilespmem:$0x12700] =	vst v63  }
0x80: {  	_ =	swait.ge [sflag:s16], $0x1800  }
0x81: {  	[sflag:s16] =	ssyncset.done $0x0  }
0x82: {  	[sflag:s16] =	ssyncadd.s32 $0xFFFFE800  }
0x83: {  	[tilespmem:s21], [sflag:$0x4] =	stream.indirect.gather [hbm4b:s4+s18], $0x30, s28, s18, $0xb8;
	[tilespmem:$0x12700] =	vst v63  }
0x84: {  	_ =	swait.ge [sflag:s22], $0x1800  }
0x85: {  	[sflag:s22] =	ssyncset.done $0x0  }
0x86: {  	[sflag:s22] =	ssyncadd.s32 $0xFFFFE800  }
0x87: {  	[spmem:s2] =	stream.indirect.scatter.add.f32 [tilespmem:s19], [sflag:$0x6], $0x30, s29, s18, $0xb8;
	[tilespmem:$0x12700] =	vst v63  }
0x88: {  	_ =	swait.ge [sflag:s16], $0x1800  }
0x89: {  	[sflag:s16] =	ssyncset.done $0x0  }
0x8a: {  	[sflag:s16] =	ssyncadd.s32 $0xFFFFE800  }
0x8b: {  	_ =	swait.ge [sflag:s24], $0x1800  }
0x8c: {  	[sflag:s24] =	ssyncset.done $0x0  }
0x8d: {  	[sflag:s24] =	ssyncadd.s32 $0xFFFFE800  }
0x8e: {  	[spmem:s2] =	stream.indirect.scatter.add.f32 [tilespmem:s21], [sflag:$0x6], $0x30, s30, s18, $0xb8;
	[tilespmem:$0x12700] =	vst v63  }
0x8f: {  	s14 =	stileid.u32;
	_ =	swait.ge [sflag:s16], $0x1800  }
0x90: {  	s26 =	sshrl.u32 s5, $0x3;
	s0 =	sadd.s32 $0x1, s0;
	[sflag:s16] =	ssyncset.done $0x0  }
0x91: {  	p0 =	sne.s32 s0, s12;
	s1 =	sshll.u32 s14, $0x6;
	[sflag:s16] =	ssyncadd.s32 $0xFFFFE800  }
.Ltmp2:
0x92: {  	s1 =	sor.u32 $0x1C06, s1;
	[bflag:$0x0] =	sbarrier.arrive $0xFFFF;
	(pc) =	sbr.rel @p0 .LBB2_1-.Ltmp2, $4  }
0x93: {  	[hbm:s13@s31], [sflag:s1] =	dma.strided [spmem:s26@s16], $0xF00, s17, $0x6   }
0x94: {  	_ =	swait.ge [sflag:s16], $0xF00  }
0x95: {  	[sflag:s16] =	ssyncset.done $0x0  }
0x96: {  	[sflag:s16] =	ssyncadd.s32 $0xFFFFF100  }
0x97: {  	_ =	sfence.sel $0x180000  }
0x98: {  	[bflag:$0x0] =	sbarrier.arrive $0xFFFF  }
0x99: {  	_ =	strace $0x9000004A  }
0x9a: {  	s0 =	stileid.u32;
	[bflag:$0x2] =	sbarrier.arrive $0xFFFF  }
0x9b: {  	p0 =	sne.s32 s0, $0x0;
	s0 =	rddreg [dreg:$0x2]  }
0x9c: {  	s0 =	sadd.s32 @!p0 $0x100000, s0  }
0x9d: {  	[sflag:s0] =	ssyncadd.tile.s32 @!p0 $0x1;
	_ =	shalt  }
.Lfunc_end2:
_tile_overlayer_lowered:
.L_overlay_start_2:
0x9e: {  	(tag) =	ssettag $0x2  }
0x9f: {  	s0 =	rddreg [dreg:$0x0];
	s2 =	stileid.u32  }
0xa0: {  	s1 =	rddreg [dreg:$0x1];
	p0 =	sne.s32 s2, $0x0  }
0xa1: {  	s3 =	rddreg [dreg:$0x2];
	[bflag:$0x3] =	sbarrier.arrive $0xFFFF;
	s2 =	simm.s32 @!p0 $0x1C06  }
0xa2: {  	[timem:s3], [sflag:s2] =	dma.local @!p0 [hbm:s0], s1  }
0xa3: {  	s0 =	simm.s32 @!p0 $0x6  }
0xa4: {  	_ =	swait.ge @!p0 [sflag:s0], s1  }
0xa5: {  	s1 =	ssub.s32 @!p0 $0x0, s1;
	[sflag:s0] =	ssyncset.done @!p0 $0x0  }
0xa6: {  	[sflag:s0] =	ssyncadd.s32 @!p0 s1  }
0xa7: {  	[bflag:$0x3] =	sbarrier.arrive $0xFFFF  }
0xa8: {  	_ =	shalt  }

</sc_bundles>
